<compile_context>
chip_gen: v7x
topology: tpu7x:2x2x1
jax: 0.10.2.dev20260603
libtpu: 0.0.44.dev20260713+nightly
codegen_flags: <defaults>
</compile_context>

<pallas_src>
import jax
import jax.numpy as jnp
from jax import lax
from jax.experimental import pallas as pl
from jax.experimental.pallas import tpu as pltpu, tpu_sc as plsc

B = 16
C = 3
H = 512
W = 512
HW = H * W
NWORK = 32
PIX_PER_W = B * HW // NWORK
CHUNK = 2048
NCHUNK = PIX_PER_W // CHUNK
GRP = CHUNK // 16
JBLK = CHUNK // 128


def _sc_warp(u_hbm, v_hbm, imgn_hbm, out_hbm, imgf_hbm,
             ua_v, uc_a, uc_b, vc_a, vc_b, ia_v, ib_v, wa_v, wb_v,
             va_v, vb_v, vc_v, vd_v, o0_v, o1_v, o2_v, pk_v, sem):
    cid = lax.axis_index("c")
    sid = lax.axis_index("s")
    wid = cid * 16 + sid
    b = wid // 2
    pix0 = (wid % 2) * PIX_PER_W

    lane = lax.iota(jnp.int32, 16)
    vals = (va_v, vb_v, vc_v, vd_v)
    outs = (o0_v, o1_v, o2_v)

    def repack(ci, _):
        pbase = pix0 + ci * CHUNK
        for c in range(3):
            pltpu.sync_copy(
                imgn_hbm.at[pl.ds((b * C + c) * HW + pbase, CHUNK)], outs[c])

        def igrp(g, _g):
            row = jnp.full((16,), g * 16, jnp.int32) + lane
            for c in range(3):
                v = outs[c][pl.ds(g * 16, 16)]
                plsc.store_scatter(
                    pk_v, [row, jnp.full((16,), c, jnp.int32)], v)
            return _g

        lax.fori_loop(0, GRP, igrp, None)
        pltpu.sync_copy(pk_v, imgf_hbm.at[pl.ds(b * HW + pbase, CHUNK)])
        return _

    lax.fori_loop(0, NCHUNK, repack, None)
    plsc.subcore_barrier()

    def pass1(ci, ubufs, idx_t, w_v):
        pbase = pix0 + ci * CHUNK
        u_v, v_v = ubufs
        pltpu.sync_copy(u_hbm.at[pl.ds(b * HW + pbase, CHUNK)], u_v)
        pltpu.sync_copy(v_hbm.at[pl.ds(b * HW + pbase, CHUNK)], v_v)

        def grp(g, _):
            u = u_v[pl.ds(g * 16, 16)]
            v = v_v[pl.ds(g * 16, 16)]
            us = jnp.minimum(jnp.maximum(u, -1e9), 1e9)
            vs = jnp.minimum(jnp.maximum(v, -1e9), 1e9)
            ut = us.astype(jnp.int32).astype(jnp.float32)
            vt = vs.astype(jnp.int32).astype(jnp.float32)
            uf = ut - jnp.where(ut > us, 1.0, 0.0).astype(jnp.float32)
            vf = vt - jnp.where(vt > vs, 1.0, 0.0).astype(jnp.float32)
            u0f = jnp.minimum(jnp.maximum(uf, 0.0), float(W - 1))
            u1f = jnp.minimum(jnp.maximum(uf + 1.0, 0.0), float(W - 1))
            v0f = jnp.minimum(jnp.maximum(vf, 0.0), float(H - 1))
            v1f = jnp.minimum(jnp.maximum(vf + 1.0, 0.0), float(H - 1))
            u0 = u0f.astype(jnp.int32)
            u1 = u1f.astype(jnp.int32)
            gb = jnp.full((16,), b * HW, jnp.int32)
            base0 = gb + v0f.astype(jnp.int32) * W
            base1 = gb + v1f.astype(jnp.int32) * W
            idx_t[0][pl.ds(g * 16, 16)] = base0 + u0
            idx_t[1][pl.ds(g * 16, 16)] = base1 + u0
            idx_t[2][pl.ds(g * 16, 16)] = base0 + u1
            idx_t[3][pl.ds(g * 16, 16)] = base1 + u1
            w_v[pl.ds(g * 16, 16)] = (v1f - v) * (u1f - u)
            w_v[pl.ds(CHUNK + g * 16, 16)] = (v - v0f) * (u1f - u)
            w_v[pl.ds(2 * CHUNK + g * 16, 16)] = (v1f - v) * (u - u0f)
            w_v[pl.ds(3 * CHUNK + g * 16, 16)] = (v - v0f) * (u - u0f)
            return _

        lax.fori_loop(0, GRP, grp, None)

    def fire(idx_t):
        def fj(j, _):
            for ti in range(4):
                isl = idx_t[ti].at[pl.ds(j * 128, 128)]
                pltpu.async_copy(
                    imgf_hbm.at[isl],
                    vals[ti].at[pl.ds(j * 128, 128)], sem)
            return _

        lax.fori_loop(0, JBLK, fj, None)

    def drain(idx_t):
        def dj(j, _):
            for ti in range(4):
                isl = idx_t[ti].at[pl.ds(j * 128, 128)]
                pltpu.make_async_copy(
                    imgf_hbm.at[isl],
                    vals[ti].at[pl.ds(j * 128, 128)], sem).wait()
            return _

        lax.fori_loop(0, JBLK, dj, None)

    def pass2(ci, w_v):
        pbase = pix0 + ci * CHUNK

        def grp(g, _):
            s = pl.ds(g * 16, 16)
            wta = w_v[s]
            wtb = w_v[pl.ds(CHUNK + g * 16, 16)]
            wtc = w_v[pl.ds(2 * CHUNK + g * 16, 16)]
            wtd = w_v[pl.ds(3 * CHUNK + g * 16, 16)]
            rloc = jnp.full((16,), g * 16, jnp.int32) + lane
            for c in range(3):
                csp = jnp.full((16,), c, jnp.int32)
                pa = plsc.load_gather(va_v, [rloc, csp])
                pb = plsc.load_gather(vb_v, [rloc, csp])
                pc = plsc.load_gather(vc_v, [rloc, csp])
                pd = plsc.load_gather(vd_v, [rloc, csp])
                outs[c][s] = wta * pa + wtb * pb + wtc * pc + wtd * pd
            return _

        lax.fori_loop(0, GRP, grp, None)
        for c in range(3):
            pltpu.sync_copy(
                outs[c], out_hbm.at[pl.ds((b * C + c) * HW + pbase, CHUNK)])

    idxs_a = tuple(ia_v)
    idxs_b = tuple(ib_v)

    pass1(0, (uc_a, vc_a), idxs_a, wa_v)
    fire(idxs_a)

    def two_chunks(i, _):
        k = 2 * i

        @pl.when(k + 1 < NCHUNK)
        def _a():
            pass1(k + 1, (uc_b, vc_b), idxs_b, wb_v)

        drain(idxs_a)
        pass2(k, wa_v)

        @pl.when(k + 1 < NCHUNK)
        def _b():
            fire(idxs_b)

        @pl.when(k + 2 < NCHUNK)
        def _c():
            pass1(k + 2, (uc_a, vc_a), idxs_a, wa_v)

        @pl.when(k + 1 < NCHUNK)
        def _d():
            drain(idxs_b)
            pass2(k + 1, wb_v)

        @pl.when(k + 2 < NCHUNK)
        def _e():
            fire(idxs_a)

        return _

    lax.fori_loop(0, (NCHUNK + 1) // 2, two_chunks, None)


def kernel(img, depth, T, K, K_inv):
    imgn = img.reshape(B * C * HW)
    uu = jnp.arange(W, dtype=jnp.float32)
    vv0 = jnp.arange(H, dtype=jnp.float32)
    vg, ug = jnp.meshgrid(vv0, uu, indexing="ij")
    ones = jnp.ones_like(ug.reshape(-1))
    grids = jnp.stack([ug.reshape(-1), vg.reshape(-1), ones], axis=0)
    grids = jnp.broadcast_to(grids[None, :, :], (B, 3, HW))
    grids = jnp.matmul(K_inv, grids)
    grids = depth.reshape(B, -1, HW) * grids
    grids = jnp.concatenate(
        [grids, jnp.ones((B, 1, HW), dtype=grids.dtype)], axis=1)
    grids = jnp.matmul(T, grids)
    grids = jnp.matmul(K, grids)
    grids = grids / (grids[:, 2, :][:, None, :] + 1e-16)
    uu_f = grids[:, 0, :].reshape(B * HW)
    vv_f = grids[:, 1, :].reshape(B * HW)

    mesh = plsc.VectorSubcoreMesh(core_axis_name="c", subcore_axis_name="s")
    fn = pl.kernel(
        _sc_warp, mesh=mesh,
        out_type=(jax.ShapeDtypeStruct((B * C * HW,), jnp.float32),
                  jax.ShapeDtypeStruct((B * HW, C), jnp.float32)),
        scratch_types=(
            [pltpu.VMEM((32,), jnp.float32)]
            + [pltpu.VMEM((CHUNK,), jnp.float32)] * 4
            + [[pltpu.VMEM((CHUNK,), jnp.int32)] * 4] * 2
            + [pltpu.VMEM((4 * CHUNK,), jnp.float32)] * 2
            + [pltpu.VMEM((CHUNK, C), jnp.float32)] * 4
            + [pltpu.VMEM((CHUNK,), jnp.float32)] * 3
            + [pltpu.VMEM((CHUNK, C), jnp.float32)]
            + [pltpu.SemaphoreType.DMA]
        ),
        compiler_params=pltpu.CompilerParams(
            needs_layout_passes=False, use_tc_tiling_on_sc=False),
    )
    out, _ = fn(uu_f, vv_f, imgn)
    return out.reshape(B, C, H, W)

# --- scband reference (transcript-rebuilt; emitter-appended) ---
"""Pipeline reference for scband-view-transform-80204219286160 (READ-ONLY COPY).

The authoritative reference and input builder live on the scoring server;
editing this copy changes nothing except your own understanding.
"""

import jax, jax.numpy as jnp
import numpy as np

_K_np = np.array([[256.0, 0.0, 256.0], [0.0, 256.0, 256.0], [0.0, 0.0, 1.0]], dtype=np.float32)
_K_inv_np = np.linalg.inv(_K_np).astype(np.float32)


def setup_inputs(seed: int = 0) -> dict:
    key = jax.random.key(seed)
    k1, k2, k3 = jax.random.split(key, 3)
    B, C, h, w = 16, 3, 512, 512
    img = jax.random.uniform(k1, (B, C, h, w), dtype=jnp.float32)
    depth = jax.random.uniform(k2, (B, 1, h, w), dtype=jnp.float32)
    T = jax.random.normal(k3, (B, 3, 4), dtype=jnp.float32)
    return {"img": img, "depth": depth, "T": T, "K": jnp.asarray(_K_np), "K_inv": jnp.asarray(_K_inv_np)}


def _make_grids(h, w, B):
    u = jnp.arange(w, dtype=jnp.float32)
    v = jnp.arange(h, dtype=jnp.float32)
    vv, uu = jnp.meshgrid(v, u, indexing="ij")
    uf = uu.reshape(-1)
    vf = vv.reshape(-1)
    ones = jnp.ones_like(uf)
    grids = jnp.stack([uf, vf, ones], axis=0)
    grids = jnp.broadcast_to(grids[None, :, :], (B, 3, h * w))
    return grids


def _interpolate(input_maps, sampled_grids):
    B, C, v_max, u_max = input_maps.shape
    u = sampled_grids[:, 0, :].reshape(-1)
    v = sampled_grids[:, 1, :].reshape(-1)
    u0 = jnp.floor(u).astype(jnp.int32)
    u1 = u0 + 1
    v0 = jnp.floor(v).astype(jnp.int32)
    v1 = v0 + 1
    u0 = jnp.clip(u0, 0, u_max - 1)
    u1 = jnp.clip(u1, 0, u_max - 1)
    v0 = jnp.clip(v0, 0, v_max - 1)
    v1 = jnp.clip(v1, 0, v_max - 1)
    flat_output_size = sampled_grids.shape[-1]
    pixels_batch = (jnp.arange(B, dtype=jnp.int32) * v_max * u_max).reshape(B, 1)
    base = jnp.repeat(pixels_batch, flat_output_size, axis=1).reshape(-1)
    base_v0 = base + v0 * u_max
    base_v1 = base + v1 * u_max
    indices_a = base_v0 + u0
    indices_b = base_v1 + u0
    indices_c = base_v0 + u1
    indices_d = base_v1 + u1
    flat_maps = jnp.transpose(input_maps, (1, 0, 2, 3)).reshape(C, -1)
    pixel_values_a = jnp.take(flat_maps, indices_a, axis=1)
    pixel_values_b = jnp.take(flat_maps, indices_b, axis=1)
    pixel_values_c = jnp.take(flat_maps, indices_c, axis=1)
    pixel_values_d = jnp.take(flat_maps, indices_d, axis=1)
    area_a = (v1.astype(jnp.float32) - v) * (u1.astype(jnp.float32) - u)
    area_b = (v - v0.astype(jnp.float32)) * (u1.astype(jnp.float32) - u)
    area_c = (v1.astype(jnp.float32) - v) * (u - u0.astype(jnp.float32))
    area_d = (v - v0.astype(jnp.float32)) * (u - u0.astype(jnp.float32))
    values = area_a * pixel_values_a + area_b * pixel_values_b + area_c * pixel_values_c + area_d * pixel_values_d
    values = jnp.transpose(values.reshape(C, B, flat_output_size), (1, 0, 2))
    return values


def reference(img, depth, T, K, K_inv):
    B, C, h, w = img.shape
    grids = _make_grids(h, w, B)
    grids = jnp.matmul(K_inv, grids)
    grids = depth.reshape(B, -1, h * w) * grids
    grids = jnp.concatenate([grids, jnp.ones((B, 1, h * w), dtype=grids.dtype)], axis=1)
    grids = jnp.matmul(T, grids)
    grids = jnp.matmul(K, grids)
    grids = grids / (grids[:, 2, :][:, None, :] + 1e-16)
    nv = _interpolate(img, grids).reshape(B, C, h, w)
    return nv

if __name__ == "__main__":
    import jax
    _d = setup_inputs()
    print(jax.jit(kernel)(*tuple(_d.values())))

</pallas_src>

<mosaic_0001>
#map = affine_map<(d0, d1) -> (0)>
#map1 = affine_map<(d0, d1) -> (0, 0)>
module attributes {stable_mosaic.version = 14 : i64} {
  func.func @_sc_warp(%arg0: i32, %arg1: i32, %arg2: memref<4194304xf32, #tpu.memory_space<hbm>>, %arg3: memref<4194304xf32, #tpu.memory_space<hbm>>, %arg4: memref<12582912xf32, #tpu.memory_space<hbm>>, %arg5: memref<12582912xf32, #tpu.memory_space<hbm>>, %arg6: memref<4194304x3xf32, #tpu.memory_space<hbm>>, %arg7: memref<32xf32, #tpu.memory_space<vmem>>, %arg8: memref<2048xf32, #tpu.memory_space<vmem>>, %arg9: memref<2048xf32, #tpu.memory_space<vmem>>, %arg10: memref<2048xf32, #tpu.memory_space<vmem>>, %arg11: memref<2048xf32, #tpu.memory_space<vmem>>, %arg12: memref<2048xi32, #tpu.memory_space<vmem>>, %arg13: memref<2048xi32, #tpu.memory_space<vmem>>, %arg14: memref<2048xi32, #tpu.memory_space<vmem>>, %arg15: memref<2048xi32, #tpu.memory_space<vmem>>, %arg16: memref<2048xi32, #tpu.memory_space<vmem>>, %arg17: memref<2048xi32, #tpu.memory_space<vmem>>, %arg18: memref<2048xi32, #tpu.memory_space<vmem>>, %arg19: memref<2048xi32, #tpu.memory_space<vmem>>, %arg20: memref<8192xf32, #tpu.memory_space<vmem>>, %arg21: memref<8192xf32, #tpu.memory_space<vmem>>, %arg22: memref<2048x3xf32, #tpu.memory_space<vmem>>, %arg23: memref<2048x3xf32, #tpu.memory_space<vmem>>, %arg24: memref<2048x3xf32, #tpu.memory_space<vmem>>, %arg25: memref<2048x3xf32, #tpu.memory_space<vmem>>, %arg26: memref<2048xf32, #tpu.memory_space<vmem>>, %arg27: memref<2048xf32, #tpu.memory_space<vmem>>, %arg28: memref<2048xf32, #tpu.memory_space<vmem>>, %arg29: memref<2048x3xf32, #tpu.memory_space<vmem>>, %arg30: memref<!tpu.dma_semaphore, #tpu.memory_space<semaphore_mem>>) attributes {dimension_semantics = [#tpu.dimension_semantics<core_parallel>, #tpu.dimension_semantics<subcore_parallel>], iteration_bounds = array<i64: 2, 16>, scalar_prefetch = 0 : i64, scratch_operands = 24 : i64, tpu.core_type = #tpu.core_type<sc_vector_subcore>, window_params = [{transform_indices = #map}, {transform_indices = #map}, {transform_indices = #map}, {transform_indices = #map}, {transform_indices = #map1}]} {
    %mul3A = arith.constant 16 : i32
    %mul3A_0 = arith.muli %arg0, %mul3A : i32
    %add3A = arith.addi %mul3A_0, %arg1 : i32
    %jit3A = arith.constant 2 : i32
    %div3A = arith.divsi %add3A, %jit3A : i32
    %sign3A = arith.constant 0 : i32
    %sign3A_1 = arith.cmpi sgt, %add3A, %sign3A : i32
    %sign3A_2 = arith.extui %sign3A_1 : i1 to i32
    %sign3A_3 = arith.constant 0 : i32
    %sign3A_4 = arith.cmpi slt, %add3A, %sign3A_3 : i32
    %sign3A_5 = arith.extui %sign3A_4 : i1 to i32
    %sign3A_6 = arith.subi %sign3A_2, %sign3A_5 : i32
    %sign3A_7 = arith.constant 0 : i32
    %sign3A_8 = arith.cmpi sgt, %jit3A, %sign3A_7 : i32
    %sign3A_9 = arith.extui %sign3A_8 : i1 to i32
    %sign3A_10 = arith.constant 0 : i32
    %sign3A_11 = arith.cmpi slt, %jit3A, %sign3A_10 : i32
    %sign3A_12 = arith.extui %sign3A_11 : i1 to i32
    %sign3A_13 = arith.subi %sign3A_9, %sign3A_12 : i32
    %ne3A = arith.cmpi ne, %sign3A_6, %sign3A_13 : i32
    %rem3A = arith.remsi %add3A, %jit3A : i32
    %ne3A_14 = arith.constant 0 : i32
    %ne3A_15 = arith.cmpi ne, %rem3A, %ne3A_14 : i32
    %and3A = arith.andi %ne3A, %ne3A_15 : i1
    %sub3A = arith.constant 1 : i32
    %sub3A_16 = arith.subi %div3A, %sub3A : i32
    %select_n3A = arith.select %and3A, %sub3A_16, %div3A : i32
    %jit3A_17 = arith.constant 2 : i32
    %eq3A = arith.constant 0 : i32
    %eq3A_18 = arith.cmpi eq, %jit3A_17, %eq3A : i32
    %jit3A_19 = arith.constant 1 : i32
    %select_n3A_20 = arith.select %eq3A_18, %jit3A_19, %jit3A_17 : i32
    %rem3A_21 = arith.remsi %add3A, %select_n3A_20 : i32
    %ne3A_22 = arith.constant 0 : i32
    %ne3A_23 = arith.cmpi ne, %rem3A_21, %ne3A_22 : i32
    %lt3A = arith.constant 0 : i32
    %lt3A_24 = arith.cmpi slt, %rem3A_21, %lt3A : i32
    %lt3A_25 = arith.constant 0 : i32
    %lt3A_26 = arith.cmpi slt, %select_n3A_20, %lt3A_25 : i32
    %ne3A_27 = arith.xori %lt3A_24, %lt3A_26 : i1
    %and3A_28 = arith.andi %ne3A_27, %ne3A_23 : i1
    %add3A_29 = arith.addi %rem3A_21, %select_n3A_20 : i32
    %select_n3A_30 = arith.select %and3A_28, %add3A_29, %rem3A_21 : i32
    %mul3A_31 = arith.constant 131072 : i32
    %mul3A_32 = arith.muli %select_n3A_30, %mul3A_31 : i32
    %iota3A = tpu.iota {dimensions = array<i32: 0>} : vector<16xi32>
    %scan3A = arith.constant 0 : i32
    %scan3A_33 = arith.constant 64 : i32
    %scan3A_34 = arith.addi %scan3A, %scan3A_33 : i32
    %scan3A_35 = arith.constant 1 : i32
    scf.for %scan3A_60 = %scan3A to %scan3A_34 step %scan3A_35  : i32 {
      %mul3A_61 = arith.constant 2048 : i32
      %mul3A_62 = arith.muli %scan3A_60, %mul3A_61 : i32
      %add3A_63 = arith.addi %mul3A_32, %mul3A_62 : i32
      %mul3A_64 = arith.constant 3 : i32
      %mul3A_65 = arith.muli %select_n3A, %mul3A_64 : i32
      %add3A_66 = arith.constant 0 : i32
      %add3A_67 = arith.addi %mul3A_65, %add3A_66 : i32
      %mul3A_68 = arith.constant 262144 : i32
      %mul3A_69 = arith.muli %add3A_67, %mul3A_68 : i32
      %add3A_70 = arith.addi %mul3A_69, %add3A_63 : i32
      "tpu.region"() ({
        %run_scoped3A = tpu.sem_alloc : memref<!tpu.dma_semaphore, #tpu.memory_space<semaphore_mem>>
        %dma_start3A = tpu.memref_slice %arg4[%add3A_70] : memref<12582912xf32, #tpu.memory_space<hbm>> -> memref<2048xf32, #tpu.memory_space<hbm>>
        %dma_start3A_93 = tpu.memref_slice %arg4[%add3A_70] : memref<12582912xf32, #tpu.memory_space<hbm>> -> memref<2048xf32, #tpu.memory_space<hbm>>
        tpu.enqueue_dma source(%dma_start3A_93 : memref<2048xf32, #tpu.memory_space<hbm>>) target(%arg26 : memref<2048xf32, #tpu.memory_space<vmem>>) target_semaphore(%run_scoped3A : memref<!tpu.dma_semaphore, #tpu.memory_space<semaphore_mem>>)
        %dma_wait3A = tpu.memref_slice %arg4[%add3A_70] : memref<12582912xf32, #tpu.memory_space<hbm>> -> memref<2048xf32, #tpu.memory_space<hbm>>
        %dma_wait3A_94 = tpu.memref_slice %arg4[%add3A_70] : memref<12582912xf32, #tpu.memory_space<hbm>> -> memref<2048xf32, #tpu.memory_space<hbm>>
        tpu.wait_dma2 semaphore(%run_scoped3A : memref<!tpu.dma_semaphore, #tpu.memory_space<semaphore_mem>>) src(%dma_wait3A_94 : memref<2048xf32, #tpu.memory_space<hbm>>) dst(%arg26 : memref<2048xf32, #tpu.memory_space<vmem>>)
        tpu.yield
      }) : () -> ()
      %mul3A_71 = arith.constant 3 : i32
      %mul3A_72 = arith.muli %select_n3A, %mul3A_71 : i32
      %add3A_73 = arith.constant 1 : i32
      %add3A_74 = arith.addi %mul3A_72, %add3A_73 : i32
      %mul3A_75 = arith.constant 262144 : i32
      %mul3A_76 = arith.muli %add3A_74, %mul3A_75 : i32
      %add3A_77 = arith.addi %mul3A_76, %add3A_63 : i32
      "tpu.region"() ({
        %run_scoped3A = tpu.sem_alloc : memref<!tpu.dma_semaphore, #tpu.memory_space<semaphore_mem>>
        %dma_start3A = tpu.memref_slice %arg4[%add3A_77] : memref<12582912xf32, #tpu.memory_space<hbm>> -> memref<2048xf32, #tpu.memory_space<hbm>>
        %dma_start3A_93 = tpu.memref_slice %arg4[%add3A_77] : memref<12582912xf32, #tpu.memory_space<hbm>> -> memref<2048xf32, #tpu.memory_space<hbm>>
        tpu.enqueue_dma source(%dma_start3A_93 : memref<2048xf32, #tpu.memory_space<hbm>>) target(%arg27 : memref<2048xf32, #tpu.memory_space<vmem>>) target_semaphore(%run_scoped3A : memref<!tpu.dma_semaphore, #tpu.memory_space<semaphore_mem>>)
        %dma_wait3A = tpu.memref_slice %arg4[%add3A_77] : memref<12582912xf32, #tpu.memory_space<hbm>> -> memref<2048xf32, #tpu.memory_space<hbm>>
        %dma_wait3A_94 = tpu.memref_slice %arg4[%add3A_77] : memref<12582912xf32, #tpu.memory_space<hbm>> -> memref<2048xf32, #tpu.memory_space<hbm>>
        tpu.wait_dma2 semaphore(%run_scoped3A : memref<!tpu.dma_semaphore, #tpu.memory_space<semaphore_mem>>) src(%dma_wait3A_94 : memref<2048xf32, #tpu.memory_space<hbm>>) dst(%arg27 : memref<2048xf32, #tpu.memory_space<vmem>>)
        tpu.yield
      }) : () -> ()
      %mul3A_78 = arith.constant 3 : i32
      %mul3A_79 = arith.muli %select_n3A, %mul3A_78 : i32
      %add3A_80 = arith.constant 2 : i32
      %add3A_81 = arith.addi %mul3A_79, %add3A_80 : i32
      %mul3A_82 = arith.constant 262144 : i32
      %mul3A_83 = arith.muli %add3A_81, %mul3A_82 : i32
      %add3A_84 = arith.addi %mul3A_83, %add3A_63 : i32
      "tpu.region"() ({
        %run_scoped3A = tpu.sem_alloc : memref<!tpu.dma_semaphore, #tpu.memory_space<semaphore_mem>>
        %dma_start3A = tpu.memref_slice %arg4[%add3A_84] : memref<12582912xf32, #tpu.memory_space<hbm>> -> memref<2048xf32, #tpu.memory_space<hbm>>
        %dma_start3A_93 = tpu.memref_slice %arg4[%add3A_84] : memref<12582912xf32, #tpu.memory_space<hbm>> -> memref<2048xf32, #tpu.memory_space<hbm>>
        tpu.enqueue_dma source(%dma_start3A_93 : memref<2048xf32, #tpu.memory_space<hbm>>) target(%arg28 : memref<2048xf32, #tpu.memory_space<vmem>>) target_semaphore(%run_scoped3A : memref<!tpu.dma_semaphore, #tpu.memory_space<semaphore_mem>>)
        %dma_wait3A = tpu.memref_slice %arg4[%add3A_84] : memref<12582912xf32, #tpu.memory_space<hbm>> -> memref<2048xf32, #tpu.memory_space<hbm>>
        %dma_wait3A_94 = tpu.memref_slice %arg4[%add3A_84] : memref<12582912xf32, #tpu.memory_space<hbm>> -> memref<2048xf32, #tpu.memory_space<hbm>>
        tpu.wait_dma2 semaphore(%run_scoped3A : memref<!tpu.dma_semaphore, #tpu.memory_space<semaphore_mem>>) src(%dma_wait3A_94 : memref<2048xf32, #tpu.memory_space<hbm>>) dst(%arg28 : memref<2048xf32, #tpu.memory_space<vmem>>)
        tpu.yield
      }) : () -> ()
      %scan3A_85 = arith.constant 0 : i32
      %scan3A_86 = arith.constant 128 : i32
      %scan3A_87 = arith.addi %scan3A_85, %scan3A_86 : i32
      %scan3A_88 = arith.constant 1 : i32
      scf.for %scan3A_93 = %scan3A_85 to %scan3A_87 step %scan3A_88  : i32 {
        %mul3A_94 = arith.constant 16 : i32
        %mul3A_95 = arith.muli %scan3A_93, %mul3A_94 : i32
        %broadcast_in_dim3A = vector.broadcast %mul3A_95 : i32 to vector<16xi32>
        %add3A_96 = arith.addi %broadcast_in_dim3A, %iota3A : vector<16xi32>
        %mul3A_97 = arith.constant 16 : i32
        %mul3A_98 = arith.muli %scan3A_93, %mul3A_97 : i32
        %get3A = arith.index_cast %mul3A_98 : i32 to index
        %get3A_99 = tpu.vector_load %arg26[%get3A] {strides = array<i32>} : memref<2048xf32, #tpu.memory_space<vmem>>, vector<16xf32>,
        %broadcast_in_dim3A_100 = arith.constant 0 : i32
        %broadcast_in_dim3A_101 = vector.broadcast %broadcast_in_dim3A_100 : i32 to vector<16xi32>
        tpu.vector_store_idx %arg29[%add3A_96, %broadcast_in_dim3A_101], %get3A_99 : memref<2048x3xf32, #tpu.memory_space<vmem>>[vector<16xi32>, vector<16xi32>], vector<16xf32>,
        %mul3A_102 = arith.constant 16 : i32
        %mul3A_103 = arith.muli %scan3A_93, %mul3A_102 : i32
        %get3A_104 = arith.index_cast %mul3A_103 : i32 to index
        %get3A_105 = tpu.vector_load %arg27[%get3A_104] {strides = array<i32>} : memref<2048xf32, #tpu.memory_space<vmem>>, vector<16xf32>,
        %broadcast_in_dim3A_106 = arith.constant 1 : i32
        %broadcast_in_dim3A_107 = vector.broadcast %broadcast_in_dim3A_106 : i32 to vector<16xi32>
        tpu.vector_store_idx %arg29[%add3A_96, %broadcast_in_dim3A_107], %get3A_105 : memref<2048x3xf32, #tpu.memory_space<vmem>>[vector<16xi32>, vector<16xi32>], vector<16xf32>,
        %mul3A_108 = arith.constant 16 : i32
        %mul3A_109 = arith.muli %scan3A_93, %mul3A_108 : i32
        %get3A_110 = arith.index_cast %mul3A_109 : i32 to index
        %get3A_111 = tpu.vector_load %arg28[%get3A_110] {strides = array<i32>} : memref<2048xf32, #tpu.memory_space<vmem>>, vector<16xf32>,
        %broadcast_in_dim3A_112 = arith.constant 2 : i32
        %broadcast_in_dim3A_113 = vector.broadcast %broadcast_in_dim3A_112 : i32 to vector<16xi32>
        tpu.vector_store_idx %arg29[%add3A_96, %broadcast_in_dim3A_113], %get3A_111 : memref<2048x3xf32, #tpu.memory_space<vmem>>[vector<16xi32>, vector<16xi32>], vector<16xf32>,
      }
      %scan3A_89 = arith.constant 128 : i32
      %mul3A_90 = arith.constant 262144 : i32
      %mul3A_91 = arith.muli %select_n3A, %mul3A_90 : i32
      %add3A_92 = arith.addi %mul3A_91, %add3A_63 : i32
      "tpu.region"() ({
        %run_scoped3A = tpu.sem_alloc : memref<!tpu.dma_semaphore, #tpu.memory_space<semaphore_mem>>
        %dma_start3A = arith.constant 0 : i32
        %dma_start3A_93 = tpu.memref_slice %arg6[%add3A_92, %dma_start3A] : memref<4194304x3xf32, #tpu.memory_space<hbm>> -> memref<2048x3xf32, #tpu.memory_space<hbm>>
        %dma_start3A_94 = arith.constant 0 : i32
        %dma_start3A_95 = tpu.memref_slice %arg6[%add3A_92, %dma_start3A_94] : memref<4194304x3xf32, #tpu.memory_space<hbm>> -> memref<2048x3xf32, #tpu.memory_space<hbm>>
        tpu.enqueue_dma source(%arg29 : memref<2048x3xf32, #tpu.memory_space<vmem>>) target(%dma_start3A_95 : memref<2048x3xf32, #tpu.memory_space<hbm>>) target_semaphore(%run_scoped3A : memref<!tpu.dma_semaphore, #tpu.memory_space<semaphore_mem>>)
        %dma_wait3A = arith.constant 0 : i32
        %dma_wait3A_96 = tpu.memref_slice %arg6[%add3A_92, %dma_wait3A] : memref<4194304x3xf32, #tpu.memory_space<hbm>> -> memref<2048x3xf32, #tpu.memory_space<hbm>>
        %dma_wait3A_97 = arith.constant 0 : i32
        %dma_wait3A_98 = tpu.memref_slice %arg6[%add3A_92, %dma_wait3A_97] : memref<4194304x3xf32, #tpu.memory_space<hbm>> -> memref<2048x3xf32, #tpu.memory_space<hbm>>
        tpu.wait_dma2 semaphore(%run_scoped3A : memref<!tpu.dma_semaphore, #tpu.memory_space<semaphore_mem>>) src(%arg29 : memref<2048x3xf32, #tpu.memory_space<vmem>>) dst(%dma_wait3A_98 : memref<2048x3xf32, #tpu.memory_space<hbm>>)
        tpu.yield
      }) : () -> ()
    }
    %scan3A_36 = arith.constant 64 : i32
    %barrier3A = arith.constant 0 : index
    tpu.barrier barrier_id(%barrier3A)
    %add3A_37 = arith.constant 0 : i32
    %add3A_38 = arith.addi %mul3A_32, %add3A_37 : i32
    %mul3A_39 = arith.constant 262144 : i32
    %mul3A_40 = arith.muli %select_n3A, %mul3A_39 : i32
    %add3A_41 = arith.addi %mul3A_40, %add3A_38 : i32
    "tpu.region"() ({
      %run_scoped3A = tpu.sem_alloc : memref<!tpu.dma_semaphore, #tpu.memory_space<semaphore_mem>>
      %dma_start3A = tpu.memref_slice %arg2[%add3A_41] : memref<4194304xf32, #tpu.memory_space<hbm>> -> memref<2048xf32, #tpu.memory_space<hbm>>
      %dma_start3A_60 = tpu.memref_slice %arg2[%add3A_41] : memref<4194304xf32, #tpu.memory_space<hbm>> -> memref<2048xf32, #tpu.memory_space<hbm>>
      tpu.enqueue_dma source(%dma_start3A_60 : memref<2048xf32, #tpu.memory_space<hbm>>) target(%arg8 : memref<2048xf32, #tpu.memory_space<vmem>>) target_semaphore(%run_scoped3A : memref<!tpu.dma_semaphore, #tpu.memory_space<semaphore_mem>>)
      %dma_wait3A = tpu.memref_slice %arg2[%add3A_41] : memref<4194304xf32, #tpu.memory_space<hbm>> -> memref<2048xf32, #tpu.memory_space<hbm>>
      %dma_wait3A_61 = tpu.memref_slice %arg2[%add3A_41] : memref<4194304xf32, #tpu.memory_space<hbm>> -> memref<2048xf32, #tpu.memory_space<hbm>>
      tpu.wait_dma2 semaphore(%run_scoped3A : memref<!tpu.dma_semaphore, #tpu.memory_space<semaphore_mem>>) src(%dma_wait3A_61 : memref<2048xf32, #tpu.memory_space<hbm>>) dst(%arg8 : memref<2048xf32, #tpu.memory_space<vmem>>)
      tpu.yield
    }) : () -> ()
    %mul3A_42 = arith.constant 262144 : i32
    %mul3A_43 = arith.muli %select_n3A, %mul3A_42 : i32
    %add3A_44 = arith.addi %mul3A_43, %add3A_38 : i32
    "tpu.region"() ({
      %run_scoped3A = tpu.sem_alloc : memref<!tpu.dma_semaphore, #tpu.memory_space<semaphore_mem>>
      %dma_start3A = tpu.memref_slice %arg3[%add3A_44] : memref<4194304xf32, #tpu.memory_space<hbm>> -> memref<2048xf32, #tpu.memory_space<hbm>>
      %dma_start3A_60 = tpu.memref_slice %arg3[%add3A_44] : memref<4194304xf32, #tpu.memory_space<hbm>> -> memref<2048xf32, #tpu.memory_space<hbm>>
      tpu.enqueue_dma source(%dma_start3A_60 : memref<2048xf32, #tpu.memory_space<hbm>>) target(%arg10 : memref<2048xf32, #tpu.memory_space<vmem>>) target_semaphore(%run_scoped3A : memref<!tpu.dma_semaphore, #tpu.memory_space<semaphore_mem>>)
      %dma_wait3A = tpu.memref_slice %arg3[%add3A_44] : memref<4194304xf32, #tpu.memory_space<hbm>> -> memref<2048xf32, #tpu.memory_space<hbm>>
      %dma_wait3A_61 = tpu.memref_slice %arg3[%add3A_44] : memref<4194304xf32, #tpu.memory_space<hbm>> -> memref<2048xf32, #tpu.memory_space<hbm>>
      tpu.wait_dma2 semaphore(%run_scoped3A : memref<!tpu.dma_semaphore, #tpu.memory_space<semaphore_mem>>) src(%dma_wait3A_61 : memref<2048xf32, #tpu.memory_space<hbm>>) dst(%arg10 : memref<2048xf32, #tpu.memory_space<vmem>>)
      tpu.yield
    }) : () -> ()
    %scan3A_45 = arith.constant 0 : i32
    %scan3A_46 = arith.constant 128 : i32
    %scan3A_47 = arith.addi %scan3A_45, %scan3A_46 : i32
    %scan3A_48 = arith.constant 1 : i32
    scf.for %scan3A_60 = %scan3A_45 to %scan3A_47 step %scan3A_48  : i32 {
      %mul3A_61 = arith.constant 16 : i32
      %mul3A_62 = arith.muli %scan3A_60, %mul3A_61 : i32
      %get3A = arith.index_cast %mul3A_62 : i32 to index
      %get3A_63 = tpu.vector_load %arg8[%get3A] {strides = array<i32>} : memref<2048xf32, #tpu.memory_space<vmem>>, vector<16xf32>,
      %mul3A_64 = arith.constant 16 : i32
      %mul3A_65 = arith.muli %scan3A_60, %mul3A_64 : i32
      %get3A_66 = arith.index_cast %mul3A_65 : i32 to index
      %get3A_67 = tpu.vector_load %arg10[%get3A_66] {strides = array<i32>} : memref<2048xf32, #tpu.memory_space<vmem>>, vector<16xf32>,
      %max3A = arith.constant -1.000000e+09 : f32
      %max3A_68 = vector.broadcast %max3A : f32 to vector<16xf32>
      %max3A_69 = arith.maximumf %get3A_63, %max3A_68 : vector<16xf32>
      %min3A = arith.constant 1.000000e+09 : f32
      %min3A_70 = vector.broadcast %min3A : f32 to vector<16xf32>
      %min3A_71 = arith.minimumf %max3A_69, %min3A_70 : vector<16xf32>
      %max3A_72 = arith.constant -1.000000e+09 : f32
      %max3A_73 = vector.broadcast %max3A_72 : f32 to vector<16xf32>
      %max3A_74 = arith.maximumf %get3A_67, %max3A_73 : vector<16xf32>
      %min3A_75 = arith.constant 1.000000e+09 : f32
      %min3A_76 = vector.broadcast %min3A_75 : f32 to vector<16xf32>
      %min3A_77 = arith.minimumf %max3A_74, %min3A_76 : vector<16xf32>
      %convert_element_type3A = arith.fptosi %min3A_71 : vector<16xf32> to vector<16xi32>
      %convert_element_type3A_78 = arith.sitofp %convert_element_type3A : vector<16xi32> to vector<16xf32>
      %convert_element_type3A_79 = arith.fptosi %min3A_77 : vector<16xf32> to vector<16xi32>
      %convert_element_type3A_80 = arith.sitofp %convert_element_type3A_79 : vector<16xi32> to vector<16xf32>
      %gt3A = arith.cmpf ogt, %convert_element_type3A_78, %min3A_71 : vector<16xf32>
      %jit3A_81 = arith.constant 1.000000e+00 : f32
      %jit3A_82 = arith.constant 0.000000e+00 : f32
      %broadcast_in_dim3A = vector.broadcast %jit3A_81 : f32 to vector<16xf32>
      %broadcast_in_dim3A_83 = vector.broadcast %jit3A_82 : f32 to vector<16xf32>
      %select_n3A_84 = arith.select %gt3A, %broadcast_in_dim3A, %broadcast_in_dim3A_83 : vector<16xi1>, vector<16xf32>
      %sub3A_85 = arith.subf %convert_element_type3A_78, %select_n3A_84 : vector<16xf32>
      %gt3A_86 = arith.cmpf ogt, %convert_element_type3A_80, %min3A_77 : vector<16xf32>
      %jit3A_87 = arith.constant 1.000000e+00 : f32
      %jit3A_88 = arith.constant 0.000000e+00 : f32
      %broadcast_in_dim3A_89 = vector.broadcast %jit3A_87 : f32 to vector<16xf32>
      %broadcast_in_dim3A_90 = vector.broadcast %jit3A_88 : f32 to vector<16xf32>
      %select_n3A_91 = arith.select %gt3A_86, %broadcast_in_dim3A_89, %broadcast_in_dim3A_90 : vector<16xi1>, vector<16xf32>
      %sub3A_92 = arith.subf %convert_element_type3A_80, %select_n3A_91 : vector<16xf32>
      %max3A_93 = arith.constant 0.000000e+00 : f32
      %max3A_94 = vector.broadcast %max3A_93 : f32 to vector<16xf32>
      %max3A_95 = arith.maximumf %sub3A_85, %max3A_94 : vector<16xf32>
      %min3A_96 = arith.constant 5.110000e+02 : f32
      %min3A_97 = vector.broadcast %min3A_96 : f32 to vector<16xf32>
      %min3A_98 = arith.minimumf %max3A_95, %min3A_97 : vector<16xf32>
      %add3A_99 = arith.constant 1.000000e+00 : f32
      %add3A_100 = vector.broadcast %add3A_99 : f32 to vector<16xf32>
      %add3A_101 = arith.addf %sub3A_85, %add3A_100 : vector<16xf32>
      %max3A_102 = arith.constant 0.000000e+00 : f32
      %max3A_103 = vector.broadcast %max3A_102 : f32 to vector<16xf32>
      %max3A_104 = arith.maximumf %add3A_101, %max3A_103 : vector<16xf32>
      %min3A_105 = arith.constant 5.110000e+02 : f32
      %min3A_106 = vector.broadcast %min3A_105 : f32 to vector<16xf32>
      %min3A_107 = arith.minimumf %max3A_104, %min3A_106 : vector<16xf32>
      %max3A_108 = arith.constant 0.000000e+00 : f32
      %max3A_109 = vector.broadcast %max3A_108 : f32 to vector<16xf32>
      %max3A_110 = arith.maximumf %sub3A_92, %max3A_109 : vector<16xf32>
      %min3A_111 = arith.constant 5.110000e+02 : f32
      %min3A_112 = vector.broadcast %min3A_111 : f32 to vector<16xf32>
      %min3A_113 = arith.minimumf %max3A_110, %min3A_112 : vector<16xf32>
      %add3A_114 = arith.constant 1.000000e+00 : f32
      %add3A_115 = vector.broadcast %add3A_114 : f32 to vector<16xf32>
      %add3A_116 = arith.addf %sub3A_92, %add3A_115 : vector<16xf32>
      %max3A_117 = arith.constant 0.000000e+00 : f32
      %max3A_118 = vector.broadcast %max3A_117 : f32 to vector<16xf32>
      %max3A_119 = arith.maximumf %add3A_116, %max3A_118 : vector<16xf32>
      %min3A_120 = arith.constant 5.110000e+02 : f32
      %min3A_121 = vector.broadcast %min3A_120 : f32 to vector<16xf32>
      %min3A_122 = arith.minimumf %max3A_119, %min3A_121 : vector<16xf32>
      %convert_element_type3A_123 = arith.fptosi %min3A_98 : vector<16xf32> to vector<16xi32>
      %convert_element_type3A_124 = arith.fptosi %min3A_107 : vector<16xf32> to vector<16xi32>
      %mul3A_125 = arith.constant 262144 : i32
      %mul3A_126 = arith.muli %select_n3A, %mul3A_125 : i32
      %broadcast_in_dim3A_127 = vector.broadcast %mul3A_126 : i32 to vector<16xi32>
      %convert_element_type3A_128 = arith.fptosi %min3A_113 : vector<16xf32> to vector<16xi32>
      %mul3A_129 = arith.constant 512 : i32
      %mul3A_130 = vector.broadcast %mul3A_129 : i32 to vector<16xi32>
      %mul3A_131 = arith.muli %convert_element_type3A_128, %mul3A_130 : vector<16xi32>
      %add3A_132 = arith.addi %broadcast_in_dim3A_127, %mul3A_131 : vector<16xi32>
      %convert_element_type3A_133 = arith.fptosi %min3A_122 : vector<16xf32> to vector<16xi32>
      %mul3A_134 = arith.constant 512 : i32
      %mul3A_135 = vector.broadcast %mul3A_134 : i32 to vector<16xi32>
      %mul3A_136 = arith.muli %convert_element_type3A_133, %mul3A_135 : vector<16xi32>
      %add3A_137 = arith.addi %broadcast_in_dim3A_127, %mul3A_136 : vector<16xi32>
      %add3A_138 = arith.addi %add3A_132, %convert_element_type3A_123 : vector<16xi32>
      %mul3A_139 = arith.constant 16 : i32
      %mul3A_140 = arith.muli %scan3A_60, %mul3A_139 : i32
      %swap3A = arith.index_cast %mul3A_140 : i32 to index
      %swap3A_141 = tpu.vector_load %arg12[%swap3A] {strides = array<i32>} : memref<2048xi32, #tpu.memory_space<vmem>>, vector<16xi32>,
      tpu.vector_store %arg12[%swap3A], %add3A_138 {strides = array<i32>} : memref<2048xi32, #tpu.memory_space<vmem>>, vector<16xi32>,
      %add3A_142 = arith.addi %add3A_137, %convert_element_type3A_123 : vector<16xi32>
      %mul3A_143 = arith.constant 16 : i32
      %mul3A_144 = arith.muli %scan3A_60, %mul3A_143 : i32
      %swap3A_145 = arith.index_cast %mul3A_144 : i32 to index
      %swap3A_146 = tpu.vector_load %arg13[%swap3A_145] {strides = array<i32>} : memref<2048xi32, #tpu.memory_space<vmem>>, vector<16xi32>,
      tpu.vector_store %arg13[%swap3A_145], %add3A_142 {strides = array<i32>} : memref<2048xi32, #tpu.memory_space<vmem>>, vector<16xi32>,
      %add3A_147 = arith.addi %add3A_132, %convert_element_type3A_124 : vector<16xi32>
      %mul3A_148 = arith.constant 16 : i32
      %mul3A_149 = arith.muli %scan3A_60, %mul3A_148 : i32
      %swap3A_150 = arith.index_cast %mul3A_149 : i32 to index
      %swap3A_151 = tpu.vector_load %arg14[%swap3A_150] {strides = array<i32>} : memref<2048xi32, #tpu.memory_space<vmem>>, vector<16xi32>,
      tpu.vector_store %arg14[%swap3A_150], %add3A_147 {strides = array<i32>} : memref<2048xi32, #tpu.memory_space<vmem>>, vector<16xi32>,
      %add3A_152 = arith.addi %add3A_137, %convert_element_type3A_124 : vector<16xi32>
      %mul3A_153 = arith.constant 16 : i32
      %mul3A_154 = arith.muli %scan3A_60, %mul3A_153 : i32
      %swap3A_155 = arith.index_cast %mul3A_154 : i32 to index
      %swap3A_156 = tpu.vector_load %arg15[%swap3A_155] {strides = array<i32>} : memref<2048xi32, #tpu.memory_space<vmem>>, vector<16xi32>,
      tpu.vector_store %arg15[%swap3A_155], %add3A_152 {strides = array<i32>} : memref<2048xi32, #tpu.memory_space<vmem>>, vector<16xi32>,
      %sub3A_157 = arith.subf %min3A_122, %get3A_67 : vector<16xf32>
      %sub3A_158 = arith.subf %min3A_107, %get3A_63 : vector<16xf32>
      %mul3A_159 = arith.mulf %sub3A_157, %sub3A_158 : vector<16xf32>
      %mul3A_160 = arith.constant 16 : i32
      %mul3A_161 = arith.muli %scan3A_60, %mul3A_160 : i32
      %swap3A_162 = arith.index_cast %mul3A_161 : i32 to index
      %swap3A_163 = tpu.vector_load %arg20[%swap3A_162] {strides = array<i32>} : memref<8192xf32, #tpu.memory_space<vmem>>, vector<16xf32>,
      tpu.vector_store %arg20[%swap3A_162], %mul3A_159 {strides = array<i32>} : memref<8192xf32, #tpu.memory_space<vmem>>, vector<16xf32>,
      %sub3A_164 = arith.subf %get3A_67, %min3A_113 : vector<16xf32>
      %sub3A_165 = arith.subf %min3A_107, %get3A_63 : vector<16xf32>
      %mul3A_166 = arith.mulf %sub3A_164, %sub3A_165 : vector<16xf32>
      %mul3A_167 = arith.constant 16 : i32
      %mul3A_168 = arith.muli %scan3A_60, %mul3A_167 : i32
      %add3A_169 = arith.constant 2048 : i32
      %add3A_170 = arith.addi %add3A_169, %mul3A_168 : i32
      %swap3A_171 = arith.index_cast %add3A_170 : i32 to index
      %swap3A_172 = tpu.vector_load %arg20[%swap3A_171] {strides = array<i32>} : memref<8192xf32, #tpu.memory_space<vmem>>, vector<16xf32>,
      tpu.vector_store %arg20[%swap3A_171], %mul3A_166 {strides = array<i32>} : memref<8192xf32, #tpu.memory_space<vmem>>, vector<16xf32>,
      %sub3A_173 = arith.subf %min3A_122, %get3A_67 : vector<16xf32>
      %sub3A_174 = arith.subf %get3A_63, %min3A_98 : vector<16xf32>
      %mul3A_175 = arith.mulf %sub3A_173, %sub3A_174 : vector<16xf32>
      %mul3A_176 = arith.constant 16 : i32
      %mul3A_177 = arith.muli %scan3A_60, %mul3A_176 : i32
      %add3A_178 = arith.constant 4096 : i32
      %add3A_179 = arith.addi %add3A_178, %mul3A_177 : i32
      %swap3A_180 = arith.index_cast %add3A_179 : i32 to index
      %swap3A_181 = tpu.vector_load %arg20[%swap3A_180] {strides = array<i32>} : memref<8192xf32, #tpu.memory_space<vmem>>, vector<16xf32>,
      tpu.vector_store %arg20[%swap3A_180], %mul3A_175 {strides = array<i32>} : memref<8192xf32, #tpu.memory_space<vmem>>, vector<16xf32>,
      %sub3A_182 = arith.subf %get3A_67, %min3A_113 : vector<16xf32>
      %sub3A_183 = arith.subf %get3A_63, %min3A_98 : vector<16xf32>
      %mul3A_184 = arith.mulf %sub3A_182, %sub3A_183 : vector<16xf32>
      %mul3A_185 = arith.constant 16 : i32
      %mul3A_186 = arith.muli %scan3A_60, %mul3A_185 : i32
      %add3A_187 = arith.constant 6144 : i32
      %add3A_188 = arith.addi %add3A_187, %mul3A_186 : i32
      %swap3A_189 = arith.index_cast %add3A_188 : i32 to index
      %swap3A_190 = tpu.vector_load %arg20[%swap3A_189] {strides = array<i32>} : memref<8192xf32, #tpu.memory_space<vmem>>, vector<16xf32>,
      tpu.vector_store %arg20[%swap3A_189], %mul3A_184 {strides = array<i32>} : memref<8192xf32, #tpu.memory_space<vmem>>, vector<16xf32>,
    }
    %scan3A_49 = arith.constant 128 : i32
    %scan3A_50 = arith.constant 0 : i32
    %scan3A_51 = arith.constant 16 : i32
    %scan3A_52 = arith.addi %scan3A_50, %scan3A_51 : i32
    %scan3A_53 = arith.constant 1 : i32
    scf.for %scan3A_60 = %scan3A_50 to %scan3A_52 step %scan3A_53  : i32 {
      %mul3A_61 = arith.constant 128 : i32
      %mul3A_62 = arith.muli %scan3A_60, %mul3A_61 : i32
      %mul3A_63 = arith.constant 128 : i32
      %mul3A_64 = arith.muli %scan3A_60, %mul3A_63 : i32
      %dma_start3A = arith.constant 0 : i32
      %dma_start3A_65 = tpu.memref_slice %arg22[%mul3A_64, %dma_start3A] : memref<2048x3xf32, #tpu.memory_space<vmem>> -> memref<128x3xf32, #tpu.memory_space<vmem>>
      %dma_start3A_66 = tpu.memref_slice %arg12[%mul3A_62] : memref<2048xi32, #tpu.memory_space<vmem>> -> memref<128xi32, #tpu.memory_space<vmem>>
      %dma_start3A_67 = arith.constant 0 : i32
      %dma_start3A_68 = arith.constant 0 : i32
      %dma_start3A_69 = tpu.memref_slice %arg6[%dma_start3A_67, %dma_start3A_68] : memref<4194304x3xf32, #tpu.memory_space<hbm>> -> memref<4194304x3xf32, #tpu.memory_space<hbm>>
      tpu.enqueue_indirect_dma source(%dma_start3A_69 : memref<4194304x3xf32, #tpu.memory_space<hbm>>) target(%dma_start3A_65 : memref<128x3xf32, #tpu.memory_space<vmem>>) offsets(%dma_start3A_66 : memref<128xi32, #tpu.memory_space<vmem>>) semaphore(%arg30 : memref<!tpu.dma_semaphore, #tpu.memory_space<semaphore_mem>>)
      %mul3A_70 = arith.constant 128 : i32
      %mul3A_71 = arith.muli %scan3A_60, %mul3A_70 : i32
      %mul3A_72 = arith.constant 128 : i32
      %mul3A_73 = arith.muli %scan3A_60, %mul3A_72 : i32
      %dma_start3A_74 = arith.constant 0 : i32
      %dma_start3A_75 = tpu.memref_slice %arg23[%mul3A_73, %dma_start3A_74] : memref<2048x3xf32, #tpu.memory_space<vmem>> -> memref<128x3xf32, #tpu.memory_space<vmem>>
      %dma_start3A_76 = tpu.memref_slice %arg13[%mul3A_71] : memref<2048xi32, #tpu.memory_space<vmem>> -> memref<128xi32, #tpu.memory_space<vmem>>
      %dma_start3A_77 = arith.constant 0 : i32
      %dma_start3A_78 = arith.constant 0 : i32
      %dma_start3A_79 = tpu.memref_slice %arg6[%dma_start3A_77, %dma_start3A_78] : memref<4194304x3xf32, #tpu.memory_space<hbm>> -> memref<4194304x3xf32, #tpu.memory_space<hbm>>
      tpu.enqueue_indirect_dma source(%dma_start3A_79 : memref<4194304x3xf32, #tpu.memory_space<hbm>>) target(%dma_start3A_75 : memref<128x3xf32, #tpu.memory_space<vmem>>) offsets(%dma_start3A_76 : memref<128xi32, #tpu.memory_space<vmem>>) semaphore(%arg30 : memref<!tpu.dma_semaphore, #tpu.memory_space<semaphore_mem>>)
      %mul3A_80 = arith.constant 128 : i32
      %mul3A_81 = arith.muli %scan3A_60, %mul3A_80 : i32
      %mul3A_82 = arith.constant 128 : i32
      %mul3A_83 = arith.muli %scan3A_60, %mul3A_82 : i32
      %dma_start3A_84 = arith.constant 0 : i32
      %dma_start3A_85 = tpu.memref_slice %arg24[%mul3A_83, %dma_start3A_84] : memref<2048x3xf32, #tpu.memory_space<vmem>> -> memref<128x3xf32, #tpu.memory_space<vmem>>
      %dma_start3A_86 = tpu.memref_slice %arg14[%mul3A_81] : memref<2048xi32, #tpu.memory_space<vmem>> -> memref<128xi32, #tpu.memory_space<vmem>>
      %dma_start3A_87 = arith.constant 0 : i32
      %dma_start3A_88 = arith.constant 0 : i32
      %dma_start3A_89 = tpu.memref_slice %arg6[%dma_start3A_87, %dma_start3A_88] : memref<4194304x3xf32, #tpu.memory_space<hbm>> -> memref<4194304x3xf32, #tpu.memory_space<hbm>>
      tpu.enqueue_indirect_dma source(%dma_start3A_89 : memref<4194304x3xf32, #tpu.memory_space<hbm>>) target(%dma_start3A_85 : memref<128x3xf32, #tpu.memory_space<vmem>>) offsets(%dma_start3A_86 : memref<128xi32, #tpu.memory_space<vmem>>) semaphore(%arg30 : memref<!tpu.dma_semaphore, #tpu.memory_space<semaphore_mem>>)
      %mul3A_90 = arith.constant 128 : i32
      %mul3A_91 = arith.muli %scan3A_60, %mul3A_90 : i32
      %mul3A_92 = arith.constant 128 : i32
      %mul3A_93 = arith.muli %scan3A_60, %mul3A_92 : i32
      %dma_start3A_94 = arith.constant 0 : i32
      %dma_start3A_95 = tpu.memref_slice %arg25[%mul3A_93, %dma_start3A_94] : memref<2048x3xf32, #tpu.memory_space<vmem>> -> memref<128x3xf32, #tpu.memory_space<vmem>>
      %dma_start3A_96 = tpu.memref_slice %arg15[%mul3A_91] : memref<2048xi32, #tpu.memory_space<vmem>> -> memref<128xi32, #tpu.memory_space<vmem>>
      %dma_start3A_97 = arith.constant 0 : i32
      %dma_start3A_98 = arith.constant 0 : i32
      %dma_start3A_99 = tpu.memref_slice %arg6[%dma_start3A_97, %dma_start3A_98] : memref<4194304x3xf32, #tpu.memory_space<hbm>> -> memref<4194304x3xf32, #tpu.memory_space<hbm>>
      tpu.enqueue_indirect_dma source(%dma_start3A_99 : memref<4194304x3xf32, #tpu.memory_space<hbm>>) target(%dma_start3A_95 : memref<128x3xf32, #tpu.memory_space<vmem>>) offsets(%dma_start3A_96 : memref<128xi32, #tpu.memory_space<vmem>>) semaphore(%arg30 : memref<!tpu.dma_semaphore, #tpu.memory_space<semaphore_mem>>)
    }
    %scan3A_54 = arith.constant 16 : i32
    %scan3A_55 = arith.constant 0 : i32
    %scan3A_56 = arith.constant 32 : i32
    %scan3A_57 = arith.addi %scan3A_55, %scan3A_56 : i32
    %scan3A_58 = arith.constant 1 : i32
    scf.for %scan3A_60 = %scan3A_55 to %scan3A_57 step %scan3A_58  : i32 {
      %mul3A_61 = arith.constant 2 : i32
      %mul3A_62 = arith.muli %mul3A_61, %scan3A_60 : i32
      %add3A_63 = arith.constant 1 : i32
      %add3A_64 = arith.addi %mul3A_62, %add3A_63 : i32
      %lt3A_65 = arith.constant 64 : i32
      %lt3A_66 = arith.cmpi slt, %add3A_64, %lt3A_65 : i32
      %convert_element_type3A = arith.extui %lt3A_66 : i1 to i32
      %cond3A = arith.constant 0 : i32
      %cond3A_67 = arith.cmpi ne, %convert_element_type3A, %cond3A : i32
      scf.if %cond3A_67 {
        %add3A_130 = arith.constant 1 : i32
        %add3A_131 = arith.addi %mul3A_62, %add3A_130 : i32
        %mul3A_132 = arith.constant 2048 : i32
        %mul3A_133 = arith.muli %add3A_131, %mul3A_132 : i32
        %add3A_134 = arith.addi %mul3A_32, %mul3A_133 : i32
        %mul3A_135 = arith.constant 262144 : i32
        %mul3A_136 = arith.muli %select_n3A, %mul3A_135 : i32
        %add3A_137 = arith.addi %mul3A_136, %add3A_134 : i32
        "tpu.region"() ({
          %run_scoped3A = tpu.sem_alloc : memref<!tpu.dma_semaphore, #tpu.memory_space<semaphore_mem>>
          %dma_start3A = tpu.memref_slice %arg2[%add3A_137] : memref<4194304xf32, #tpu.memory_space<hbm>> -> memref<2048xf32, #tpu.memory_space<hbm>>
          %dma_start3A_146 = tpu.memref_slice %arg2[%add3A_137] : memref<4194304xf32, #tpu.memory_space<hbm>> -> memref<2048xf32, #tpu.memory_space<hbm>>
          tpu.enqueue_dma source(%dma_start3A_146 : memref<2048xf32, #tpu.memory_space<hbm>>) target(%arg9 : memref<2048xf32, #tpu.memory_space<vmem>>) target_semaphore(%run_scoped3A : memref<!tpu.dma_semaphore, #tpu.memory_space<semaphore_mem>>)
          %dma_wait3A = tpu.memref_slice %arg2[%add3A_137] : memref<4194304xf32, #tpu.memory_space<hbm>> -> memref<2048xf32, #tpu.memory_space<hbm>>
          %dma_wait3A_147 = tpu.memref_slice %arg2[%add3A_137] : memref<4194304xf32, #tpu.memory_space<hbm>> -> memref<2048xf32, #tpu.memory_space<hbm>>
          tpu.wait_dma2 semaphore(%run_scoped3A : memref<!tpu.dma_semaphore, #tpu.memory_space<semaphore_mem>>) src(%dma_wait3A_147 : memref<2048xf32, #tpu.memory_space<hbm>>) dst(%arg9 : memref<2048xf32, #tpu.memory_space<vmem>>)
          tpu.yield
        }) : () -> ()
        %mul3A_138 = arith.constant 262144 : i32
        %mul3A_139 = arith.muli %select_n3A, %mul3A_138 : i32
        %add3A_140 = arith.addi %mul3A_139, %add3A_134 : i32
        "tpu.region"() ({
          %run_scoped3A = tpu.sem_alloc : memref<!tpu.dma_semaphore, #tpu.memory_space<semaphore_mem>>
          %dma_start3A = tpu.memref_slice %arg3[%add3A_140] : memref<4194304xf32, #tpu.memory_space<hbm>> -> memref<2048xf32, #tpu.memory_space<hbm>>
          %dma_start3A_146 = tpu.memref_slice %arg3[%add3A_140] : memref<4194304xf32, #tpu.memory_space<hbm>> -> memref<2048xf32, #tpu.memory_space<hbm>>
          tpu.enqueue_dma source(%dma_start3A_146 : memref<2048xf32, #tpu.memory_space<hbm>>) target(%arg11 : memref<2048xf32, #tpu.memory_space<vmem>>) target_semaphore(%run_scoped3A : memref<!tpu.dma_semaphore, #tpu.memory_space<semaphore_mem>>)
          %dma_wait3A = tpu.memref_slice %arg3[%add3A_140] : memref<4194304xf32, #tpu.memory_space<hbm>> -> memref<2048xf32, #tpu.memory_space<hbm>>
          %dma_wait3A_147 = tpu.memref_slice %arg3[%add3A_140] : memref<4194304xf32, #tpu.memory_space<hbm>> -> memref<2048xf32, #tpu.memory_space<hbm>>
          tpu.wait_dma2 semaphore(%run_scoped3A : memref<!tpu.dma_semaphore, #tpu.memory_space<semaphore_mem>>) src(%dma_wait3A_147 : memref<2048xf32, #tpu.memory_space<hbm>>) dst(%arg11 : memref<2048xf32, #tpu.memory_space<vmem>>)
          tpu.yield
        }) : () -> ()
        %scan3A_141 = arith.constant 0 : i32
        %scan3A_142 = arith.constant 128 : i32
        %scan3A_143 = arith.addi %scan3A_141, %scan3A_142 : i32
        %scan3A_144 = arith.constant 1 : i32
        scf.for %scan3A_146 = %scan3A_141 to %scan3A_143 step %scan3A_144  : i32 {
          %mul3A_147 = arith.constant 16 : i32
          %mul3A_148 = arith.muli %scan3A_146, %mul3A_147 : i32
          %get3A = arith.index_cast %mul3A_148 : i32 to index
          %get3A_149 = tpu.vector_load %arg9[%get3A] {strides = array<i32>} : memref<2048xf32, #tpu.memory_space<vmem>>, vector<16xf32>,
          %mul3A_150 = arith.constant 16 : i32
          %mul3A_151 = arith.muli %scan3A_146, %mul3A_150 : i32
          %get3A_152 = arith.index_cast %mul3A_151 : i32 to index
          %get3A_153 = tpu.vector_load %arg11[%get3A_152] {strides = array<i32>} : memref<2048xf32, #tpu.memory_space<vmem>>, vector<16xf32>,
          %max3A = arith.constant -1.000000e+09 : f32
          %max3A_154 = vector.broadcast %max3A : f32 to vector<16xf32>
          %max3A_155 = arith.maximumf %get3A_149, %max3A_154 : vector<16xf32>
          %min3A = arith.constant 1.000000e+09 : f32
          %min3A_156 = vector.broadcast %min3A : f32 to vector<16xf32>
          %min3A_157 = arith.minimumf %max3A_155, %min3A_156 : vector<16xf32>
          %max3A_158 = arith.constant -1.000000e+09 : f32
          %max3A_159 = vector.broadcast %max3A_158 : f32 to vector<16xf32>
          %max3A_160 = arith.maximumf %get3A_153, %max3A_159 : vector<16xf32>
          %min3A_161 = arith.constant 1.000000e+09 : f32
          %min3A_162 = vector.broadcast %min3A_161 : f32 to vector<16xf32>
          %min3A_163 = arith.minimumf %max3A_160, %min3A_162 : vector<16xf32>
          %convert_element_type3A_164 = arith.fptosi %min3A_157 : vector<16xf32> to vector<16xi32>
          %convert_element_type3A_165 = arith.sitofp %convert_element_type3A_164 : vector<16xi32> to vector<16xf32>
          %convert_element_type3A_166 = arith.fptosi %min3A_163 : vector<16xf32> to vector<16xi32>
          %convert_element_type3A_167 = arith.sitofp %convert_element_type3A_166 : vector<16xi32> to vector<16xf32>
          %gt3A = arith.cmpf ogt, %convert_element_type3A_165, %min3A_157 : vector<16xf32>
          %jit3A_168 = arith.constant 1.000000e+00 : f32
          %jit3A_169 = arith.constant 0.000000e+00 : f32
          %broadcast_in_dim3A = vector.broadcast %jit3A_168 : f32 to vector<16xf32>
          %broadcast_in_dim3A_170 = vector.broadcast %jit3A_169 : f32 to vector<16xf32>
          %select_n3A_171 = arith.select %gt3A, %broadcast_in_dim3A, %broadcast_in_dim3A_170 : vector<16xi1>, vector<16xf32>
          %sub3A_172 = arith.subf %convert_element_type3A_165, %select_n3A_171 : vector<16xf32>
          %gt3A_173 = arith.cmpf ogt, %convert_element_type3A_167, %min3A_163 : vector<16xf32>
          %jit3A_174 = arith.constant 1.000000e+00 : f32
          %jit3A_175 = arith.constant 0.000000e+00 : f32
          %broadcast_in_dim3A_176 = vector.broadcast %jit3A_174 : f32 to vector<16xf32>
          %broadcast_in_dim3A_177 = vector.broadcast %jit3A_175 : f32 to vector<16xf32>
          %select_n3A_178 = arith.select %gt3A_173, %broadcast_in_dim3A_176, %broadcast_in_dim3A_177 : vector<16xi1>, vector<16xf32>
          %sub3A_179 = arith.subf %convert_element_type3A_167, %select_n3A_178 : vector<16xf32>
          %max3A_180 = arith.constant 0.000000e+00 : f32
          %max3A_181 = vector.broadcast %max3A_180 : f32 to vector<16xf32>
          %max3A_182 = arith.maximumf %sub3A_172, %max3A_181 : vector<16xf32>
          %min3A_183 = arith.constant 5.110000e+02 : f32
          %min3A_184 = vector.broadcast %min3A_183 : f32 to vector<16xf32>
          %min3A_185 = arith.minimumf %max3A_182, %min3A_184 : vector<16xf32>
          %add3A_186 = arith.constant 1.000000e+00 : f32
          %add3A_187 = vector.broadcast %add3A_186 : f32 to vector<16xf32>
          %add3A_188 = arith.addf %sub3A_172, %add3A_187 : vector<16xf32>
          %max3A_189 = arith.constant 0.000000e+00 : f32
          %max3A_190 = vector.broadcast %max3A_189 : f32 to vector<16xf32>
          %max3A_191 = arith.maximumf %add3A_188, %max3A_190 : vector<16xf32>
          %min3A_192 = arith.constant 5.110000e+02 : f32
          %min3A_193 = vector.broadcast %min3A_192 : f32 to vector<16xf32>
          %min3A_194 = arith.minimumf %max3A_191, %min3A_193 : vector<16xf32>
          %max3A_195 = arith.constant 0.000000e+00 : f32
          %max3A_196 = vector.broadcast %max3A_195 : f32 to vector<16xf32>
          %max3A_197 = arith.maximumf %sub3A_179, %max3A_196 : vector<16xf32>
          %min3A_198 = arith.constant 5.110000e+02 : f32
          %min3A_199 = vector.broadcast %min3A_198 : f32 to vector<16xf32>
          %min3A_200 = arith.minimumf %max3A_197, %min3A_199 : vector<16xf32>
          %add3A_201 = arith.constant 1.000000e+00 : f32
          %add3A_202 = vector.broadcast %add3A_201 : f32 to vector<16xf32>
          %add3A_203 = arith.addf %sub3A_179, %add3A_202 : vector<16xf32>
          %max3A_204 = arith.constant 0.000000e+00 : f32
          %max3A_205 = vector.broadcast %max3A_204 : f32 to vector<16xf32>
          %max3A_206 = arith.maximumf %add3A_203, %max3A_205 : vector<16xf32>
          %min3A_207 = arith.constant 5.110000e+02 : f32
          %min3A_208 = vector.broadcast %min3A_207 : f32 to vector<16xf32>
          %min3A_209 = arith.minimumf %max3A_206, %min3A_208 : vector<16xf32>
          %convert_element_type3A_210 = arith.fptosi %min3A_185 : vector<16xf32> to vector<16xi32>
          %convert_element_type3A_211 = arith.fptosi %min3A_194 : vector<16xf32> to vector<16xi32>
          %mul3A_212 = arith.constant 262144 : i32
          %mul3A_213 = arith.muli %select_n3A, %mul3A_212 : i32
          %broadcast_in_dim3A_214 = vector.broadcast %mul3A_213 : i32 to vector<16xi32>
          %convert_element_type3A_215 = arith.fptosi %min3A_200 : vector<16xf32> to vector<16xi32>
          %mul3A_216 = arith.constant 512 : i32
          %mul3A_217 = vector.broadcast %mul3A_216 : i32 to vector<16xi32>
          %mul3A_218 = arith.muli %convert_element_type3A_215, %mul3A_217 : vector<16xi32>
          %add3A_219 = arith.addi %broadcast_in_dim3A_214, %mul3A_218 : vector<16xi32>
          %convert_element_type3A_220 = arith.fptosi %min3A_209 : vector<16xf32> to vector<16xi32>
          %mul3A_221 = arith.constant 512 : i32
          %mul3A_222 = vector.broadcast %mul3A_221 : i32 to vector<16xi32>
          %mul3A_223 = arith.muli %convert_element_type3A_220, %mul3A_222 : vector<16xi32>
          %add3A_224 = arith.addi %broadcast_in_dim3A_214, %mul3A_223 : vector<16xi32>
          %add3A_225 = arith.addi %add3A_219, %convert_element_type3A_210 : vector<16xi32>
          %mul3A_226 = arith.constant 16 : i32
          %mul3A_227 = arith.muli %scan3A_146, %mul3A_226 : i32
          %swap3A = arith.index_cast %mul3A_227 : i32 to index
          %swap3A_228 = tpu.vector_load %arg16[%swap3A] {strides = array<i32>} : memref<2048xi32, #tpu.memory_space<vmem>>, vector<16xi32>,
          tpu.vector_store %arg16[%swap3A], %add3A_225 {strides = array<i32>} : memref<2048xi32, #tpu.memory_space<vmem>>, vector<16xi32>,
          %add3A_229 = arith.addi %add3A_224, %convert_element_type3A_210 : vector<16xi32>
          %mul3A_230 = arith.constant 16 : i32
          %mul3A_231 = arith.muli %scan3A_146, %mul3A_230 : i32
          %swap3A_232 = arith.index_cast %mul3A_231 : i32 to index
          %swap3A_233 = tpu.vector_load %arg17[%swap3A_232] {strides = array<i32>} : memref<2048xi32, #tpu.memory_space<vmem>>, vector<16xi32>,
          tpu.vector_store %arg17[%swap3A_232], %add3A_229 {strides = array<i32>} : memref<2048xi32, #tpu.memory_space<vmem>>, vector<16xi32>,
          %add3A_234 = arith.addi %add3A_219, %convert_element_type3A_211 : vector<16xi32>
          %mul3A_235 = arith.constant 16 : i32
          %mul3A_236 = arith.muli %scan3A_146, %mul3A_235 : i32
          %swap3A_237 = arith.index_cast %mul3A_236 : i32 to index
          %swap3A_238 = tpu.vector_load %arg18[%swap3A_237] {strides = array<i32>} : memref<2048xi32, #tpu.memory_space<vmem>>, vector<16xi32>,
          tpu.vector_store %arg18[%swap3A_237], %add3A_234 {strides = array<i32>} : memref<2048xi32, #tpu.memory_space<vmem>>, vector<16xi32>,
          %add3A_239 = arith.addi %add3A_224, %convert_element_type3A_211 : vector<16xi32>
          %mul3A_240 = arith.constant 16 : i32
          %mul3A_241 = arith.muli %scan3A_146, %mul3A_240 : i32
          %swap3A_242 = arith.index_cast %mul3A_241 : i32 to index
          %swap3A_243 = tpu.vector_load %arg19[%swap3A_242] {strides = array<i32>} : memref<2048xi32, #tpu.memory_space<vmem>>, vector<16xi32>,
          tpu.vector_store %arg19[%swap3A_242], %add3A_239 {strides = array<i32>} : memref<2048xi32, #tpu.memory_space<vmem>>, vector<16xi32>,
          %sub3A_244 = arith.subf %min3A_209, %get3A_153 : vector<16xf32>
          %sub3A_245 = arith.subf %min3A_194, %get3A_149 : vector<16xf32>
          %mul3A_246 = arith.mulf %sub3A_244, %sub3A_245 : vector<16xf32>
          %mul3A_247 = arith.constant 16 : i32
          %mul3A_248 = arith.muli %scan3A_146, %mul3A_247 : i32
          %swap3A_249 = arith.index_cast %mul3A_248 : i32 to index
          %swap3A_250 = tpu.vector_load %arg21[%swap3A_249] {strides = array<i32>} : memref<8192xf32, #tpu.memory_space<vmem>>, vector<16xf32>,
          tpu.vector_store %arg21[%swap3A_249], %mul3A_246 {strides = array<i32>} : memref<8192xf32, #tpu.memory_space<vmem>>, vector<16xf32>,
          %sub3A_251 = arith.subf %get3A_153, %min3A_200 : vector<16xf32>
          %sub3A_252 = arith.subf %min3A_194, %get3A_149 : vector<16xf32>
          %mul3A_253 = arith.mulf %sub3A_251, %sub3A_252 : vector<16xf32>
          %mul3A_254 = arith.constant 16 : i32
          %mul3A_255 = arith.muli %scan3A_146, %mul3A_254 : i32
          %add3A_256 = arith.constant 2048 : i32
          %add3A_257 = arith.addi %add3A_256, %mul3A_255 : i32
          %swap3A_258 = arith.index_cast %add3A_257 : i32 to index
          %swap3A_259 = tpu.vector_load %arg21[%swap3A_258] {strides = array<i32>} : memref<8192xf32, #tpu.memory_space<vmem>>, vector<16xf32>,
          tpu.vector_store %arg21[%swap3A_258], %mul3A_253 {strides = array<i32>} : memref<8192xf32, #tpu.memory_space<vmem>>, vector<16xf32>,
          %sub3A_260 = arith.subf %min3A_209, %get3A_153 : vector<16xf32>
          %sub3A_261 = arith.subf %get3A_149, %min3A_185 : vector<16xf32>
          %mul3A_262 = arith.mulf %sub3A_260, %sub3A_261 : vector<16xf32>
          %mul3A_263 = arith.constant 16 : i32
          %mul3A_264 = arith.muli %scan3A_146, %mul3A_263 : i32
          %add3A_265 = arith.constant 4096 : i32
          %add3A_266 = arith.addi %add3A_265, %mul3A_264 : i32
          %swap3A_267 = arith.index_cast %add3A_266 : i32 to index
          %swap3A_268 = tpu.vector_load %arg21[%swap3A_267] {strides = array<i32>} : memref<8192xf32, #tpu.memory_space<vmem>>, vector<16xf32>,
          tpu.vector_store %arg21[%swap3A_267], %mul3A_262 {strides = array<i32>} : memref<8192xf32, #tpu.memory_space<vmem>>, vector<16xf32>,
          %sub3A_269 = arith.subf %get3A_153, %min3A_200 : vector<16xf32>
          %sub3A_270 = arith.subf %get3A_149, %min3A_185 : vector<16xf32>
          %mul3A_271 = arith.mulf %sub3A_269, %sub3A_270 : vector<16xf32>
          %mul3A_272 = arith.constant 16 : i32
          %mul3A_273 = arith.muli %scan3A_146, %mul3A_272 : i32
          %add3A_274 = arith.constant 6144 : i32
          %add3A_275 = arith.addi %add3A_274, %mul3A_273 : i32
          %swap3A_276 = arith.index_cast %add3A_275 : i32 to index
          %swap3A_277 = tpu.vector_load %arg21[%swap3A_276] {strides = array<i32>} : memref<8192xf32, #tpu.memory_space<vmem>>, vector<16xf32>,
          tpu.vector_store %arg21[%swap3A_276], %mul3A_271 {strides = array<i32>} : memref<8192xf32, #tpu.memory_space<vmem>>, vector<16xf32>,
        }
        %scan3A_145 = arith.constant 128 : i32
      } else {
      }
      %scan3A_68 = arith.constant 0 : i32
      %scan3A_69 = arith.constant 16 : i32
      %scan3A_70 = arith.addi %scan3A_68, %scan3A_69 : i32
      %scan3A_71 = arith.constant 1 : i32
      scf.for %scan3A_130 = %scan3A_68 to %scan3A_70 step %scan3A_71  : i32 {
        %mul3A_131 = arith.constant 128 : i32
        %mul3A_132 = arith.muli %scan3A_130, %mul3A_131 : i32
        %mul3A_133 = arith.constant 128 : i32
        %mul3A_134 = arith.muli %scan3A_130, %mul3A_133 : i32
        %dma_wait3A = arith.constant 0 : i32
        %dma_wait3A_135 = tpu.memref_slice %arg22[%mul3A_134, %dma_wait3A] : memref<2048x3xf32, #tpu.memory_space<vmem>> -> memref<128x3xf32, #tpu.memory_space<vmem>>
        %dma_wait3A_136 = tpu.memref_slice %arg12[%mul3A_132] : memref<2048xi32, #tpu.memory_space<vmem>> -> memref<128xi32, #tpu.memory_space<vmem>>
        %dma_wait3A_137 = arith.constant 0 : i32
        %dma_wait3A_138 = arith.constant 0 : i32
        %dma_wait3A_139 = tpu.memref_slice %arg6[%dma_wait3A_137, %dma_wait3A_138] : memref<4194304x3xf32, #tpu.memory_space<hbm>> -> memref<4194304x3xf32, #tpu.memory_space<hbm>>
        tpu.wait_indirect_dma semaphore(%arg30 : memref<!tpu.dma_semaphore, #tpu.memory_space<semaphore_mem>>) src(%dma_wait3A_139 : memref<4194304x3xf32, #tpu.memory_space<hbm>>) dst(%dma_wait3A_135 : memref<128x3xf32, #tpu.memory_space<vmem>>)
        %mul3A_140 = arith.constant 128 : i32
        %mul3A_141 = arith.muli %scan3A_130, %mul3A_140 : i32
        %mul3A_142 = arith.constant 128 : i32
        %mul3A_143 = arith.muli %scan3A_130, %mul3A_142 : i32
        %dma_wait3A_144 = arith.constant 0 : i32
        %dma_wait3A_145 = tpu.memref_slice %arg23[%mul3A_143, %dma_wait3A_144] : memref<2048x3xf32, #tpu.memory_space<vmem>> -> memref<128x3xf32, #tpu.memory_space<vmem>>
        %dma_wait3A_146 = tpu.memref_slice %arg13[%mul3A_141] : memref<2048xi32, #tpu.memory_space<vmem>> -> memref<128xi32, #tpu.memory_space<vmem>>
        %dma_wait3A_147 = arith.constant 0 : i32
        %dma_wait3A_148 = arith.constant 0 : i32
        %dma_wait3A_149 = tpu.memref_slice %arg6[%dma_wait3A_147, %dma_wait3A_148] : memref<4194304x3xf32, #tpu.memory_space<hbm>> -> memref<4194304x3xf32, #tpu.memory_space<hbm>>
        tpu.wait_indirect_dma semaphore(%arg30 : memref<!tpu.dma_semaphore, #tpu.memory_space<semaphore_mem>>) src(%dma_wait3A_149 : memref<4194304x3xf32, #tpu.memory_space<hbm>>) dst(%dma_wait3A_145 : memref<128x3xf32, #tpu.memory_space<vmem>>)
        %mul3A_150 = arith.constant 128 : i32
        %mul3A_151 = arith.muli %scan3A_130, %mul3A_150 : i32
        %mul3A_152 = arith.constant 128 : i32
        %mul3A_153 = arith.muli %scan3A_130, %mul3A_152 : i32
        %dma_wait3A_154 = arith.constant 0 : i32
        %dma_wait3A_155 = tpu.memref_slice %arg24[%mul3A_153, %dma_wait3A_154] : memref<2048x3xf32, #tpu.memory_space<vmem>> -> memref<128x3xf32, #tpu.memory_space<vmem>>
        %dma_wait3A_156 = tpu.memref_slice %arg14[%mul3A_151] : memref<2048xi32, #tpu.memory_space<vmem>> -> memref<128xi32, #tpu.memory_space<vmem>>
        %dma_wait3A_157 = arith.constant 0 : i32
        %dma_wait3A_158 = arith.constant 0 : i32
        %dma_wait3A_159 = tpu.memref_slice %arg6[%dma_wait3A_157, %dma_wait3A_158] : memref<4194304x3xf32, #tpu.memory_space<hbm>> -> memref<4194304x3xf32, #tpu.memory_space<hbm>>
        tpu.wait_indirect_dma semaphore(%arg30 : memref<!tpu.dma_semaphore, #tpu.memory_space<semaphore_mem>>) src(%dma_wait3A_159 : memref<4194304x3xf32, #tpu.memory_space<hbm>>) dst(%dma_wait3A_155 : memref<128x3xf32, #tpu.memory_space<vmem>>)
        %mul3A_160 = arith.constant 128 : i32
        %mul3A_161 = arith.muli %scan3A_130, %mul3A_160 : i32
        %mul3A_162 = arith.constant 128 : i32
        %mul3A_163 = arith.muli %scan3A_130, %mul3A_162 : i32
        %dma_wait3A_164 = arith.constant 0 : i32
        %dma_wait3A_165 = tpu.memref_slice %arg25[%mul3A_163, %dma_wait3A_164] : memref<2048x3xf32, #tpu.memory_space<vmem>> -> memref<128x3xf32, #tpu.memory_space<vmem>>
        %dma_wait3A_166 = tpu.memref_slice %arg15[%mul3A_161] : memref<2048xi32, #tpu.memory_space<vmem>> -> memref<128xi32, #tpu.memory_space<vmem>>
        %dma_wait3A_167 = arith.constant 0 : i32
        %dma_wait3A_168 = arith.constant 0 : i32
        %dma_wait3A_169 = tpu.memref_slice %arg6[%dma_wait3A_167, %dma_wait3A_168] : memref<4194304x3xf32, #tpu.memory_space<hbm>> -> memref<4194304x3xf32, #tpu.memory_space<hbm>>
        tpu.wait_indirect_dma semaphore(%arg30 : memref<!tpu.dma_semaphore, #tpu.memory_space<semaphore_mem>>) src(%dma_wait3A_169 : memref<4194304x3xf32, #tpu.memory_space<hbm>>) dst(%dma_wait3A_165 : memref<128x3xf32, #tpu.memory_space<vmem>>)
      }
      %scan3A_72 = arith.constant 16 : i32
      %mul3A_73 = arith.constant 2048 : i32
      %mul3A_74 = arith.muli %mul3A_62, %mul3A_73 : i32
      %add3A_75 = arith.addi %mul3A_32, %mul3A_74 : i32
      %scan3A_76 = arith.constant 0 : i32
      %scan3A_77 = arith.constant 128 : i32
      %scan3A_78 = arith.addi %scan3A_76, %scan3A_77 : i32
      %scan3A_79 = arith.constant 1 : i32
      scf.for %scan3A_130 = %scan3A_76 to %scan3A_78 step %scan3A_79  : i32 {
        %mul3A_131 = arith.constant 16 : i32
        %mul3A_132 = arith.muli %scan3A_130, %mul3A_131 : i32
        %get3A = arith.index_cast %mul3A_132 : i32 to index
        %get3A_133 = tpu.vector_load %arg20[%get3A] {strides = array<i32>} : memref<8192xf32, #tpu.memory_space<vmem>>, vector<16xf32>,
        %mul3A_134 = arith.constant 16 : i32
        %mul3A_135 = arith.muli %scan3A_130, %mul3A_134 : i32
        %add3A_136 = arith.constant 2048 : i32
        %add3A_137 = arith.addi %add3A_136, %mul3A_135 : i32
        %get3A_138 = arith.index_cast %add3A_137 : i32 to index
        %get3A_139 = tpu.vector_load %arg20[%get3A_138] {strides = array<i32>} : memref<8192xf32, #tpu.memory_space<vmem>>, vector<16xf32>,
        %mul3A_140 = arith.constant 16 : i32
        %mul3A_141 = arith.muli %scan3A_130, %mul3A_140 : i32
        %add3A_142 = arith.constant 4096 : i32
        %add3A_143 = arith.addi %add3A_142, %mul3A_141 : i32
        %get3A_144 = arith.index_cast %add3A_143 : i32 to index
        %get3A_145 = tpu.vector_load %arg20[%get3A_144] {strides = array<i32>} : memref<8192xf32, #tpu.memory_space<vmem>>, vector<16xf32>,
        %mul3A_146 = arith.constant 16 : i32
        %mul3A_147 = arith.muli %scan3A_130, %mul3A_146 : i32
        %add3A_148 = arith.constant 6144 : i32
        %add3A_149 = arith.addi %add3A_148, %mul3A_147 : i32
        %get3A_150 = arith.index_cast %add3A_149 : i32 to index
        %get3A_151 = tpu.vector_load %arg20[%get3A_150] {strides = array<i32>} : memref<8192xf32, #tpu.memory_space<vmem>>, vector<16xf32>,
        %mul3A_152 = arith.constant 16 : i32
        %mul3A_153 = arith.muli %scan3A_130, %mul3A_152 : i32
        %broadcast_in_dim3A = vector.broadcast %mul3A_153 : i32 to vector<16xi32>
        %add3A_154 = arith.addi %broadcast_in_dim3A, %iota3A : vector<16xi32>
        %broadcast_in_dim3A_155 = arith.constant 0 : i32
        %broadcast_in_dim3A_156 = vector.broadcast %broadcast_in_dim3A_155 : i32 to vector<16xi32>
        %gather3A = tpu.vector_load_idx %arg22[%add3A_154, %broadcast_in_dim3A_156] : memref<2048x3xf32, #tpu.memory_space<vmem>>[vector<16xi32>, vector<16xi32>], vector<16xf32>,
        %gather3A_157 = tpu.vector_load_idx %arg23[%add3A_154, %broadcast_in_dim3A_156] : memref<2048x3xf32, #tpu.memory_space<vmem>>[vector<16xi32>, vector<16xi32>], vector<16xf32>,
        %gather3A_158 = tpu.vector_load_idx %arg24[%add3A_154, %broadcast_in_dim3A_156] : memref<2048x3xf32, #tpu.memory_space<vmem>>[vector<16xi32>, vector<16xi32>], vector<16xf32>,
        %gather3A_159 = tpu.vector_load_idx %arg25[%add3A_154, %broadcast_in_dim3A_156] : memref<2048x3xf32, #tpu.memory_space<vmem>>[vector<16xi32>, vector<16xi32>], vector<16xf32>,
        %mul3A_160 = arith.mulf %get3A_133, %gather3A : vector<16xf32>
        %mul3A_161 = arith.mulf %get3A_139, %gather3A_157 : vector<16xf32>
        %add3A_162 = arith.addf %mul3A_160, %mul3A_161 : vector<16xf32>
        %mul3A_163 = arith.mulf %get3A_145, %gather3A_158 : vector<16xf32>
        %add3A_164 = arith.addf %add3A_162, %mul3A_163 : vector<16xf32>
        %mul3A_165 = arith.mulf %get3A_151, %gather3A_159 : vector<16xf32>
        %add3A_166 = arith.addf %add3A_164, %mul3A_165 : vector<16xf32>
        %swap3A = arith.index_cast %mul3A_132 : i32 to index
        %swap3A_167 = tpu.vector_load %arg26[%swap3A] {strides = array<i32>} : memref<2048xf32, #tpu.memory_space<vmem>>, vector<16xf32>,
        tpu.vector_store %arg26[%swap3A], %add3A_166 {strides = array<i32>} : memref<2048xf32, #tpu.memory_space<vmem>>, vector<16xf32>,
        %broadcast_in_dim3A_168 = arith.constant 1 : i32
        %broadcast_in_dim3A_169 = vector.broadcast %broadcast_in_dim3A_168 : i32 to vector<16xi32>
        %gather3A_170 = tpu.vector_load_idx %arg22[%add3A_154, %broadcast_in_dim3A_169] : memref<2048x3xf32, #tpu.memory_space<vmem>>[vector<16xi32>, vector<16xi32>], vector<16xf32>,
        %gather3A_171 = tpu.vector_load_idx %arg23[%add3A_154, %broadcast_in_dim3A_169] : memref<2048x3xf32, #tpu.memory_space<vmem>>[vector<16xi32>, vector<16xi32>], vector<16xf32>,
        %gather3A_172 = tpu.vector_load_idx %arg24[%add3A_154, %broadcast_in_dim3A_169] : memref<2048x3xf32, #tpu.memory_space<vmem>>[vector<16xi32>, vector<16xi32>], vector<16xf32>,
        %gather3A_173 = tpu.vector_load_idx %arg25[%add3A_154, %broadcast_in_dim3A_169] : memref<2048x3xf32, #tpu.memory_space<vmem>>[vector<16xi32>, vector<16xi32>], vector<16xf32>,
        %mul3A_174 = arith.mulf %get3A_133, %gather3A_170 : vector<16xf32>
        %mul3A_175 = arith.mulf %get3A_139, %gather3A_171 : vector<16xf32>
        %add3A_176 = arith.addf %mul3A_174, %mul3A_175 : vector<16xf32>
        %mul3A_177 = arith.mulf %get3A_145, %gather3A_172 : vector<16xf32>
        %add3A_178 = arith.addf %add3A_176, %mul3A_177 : vector<16xf32>
        %mul3A_179 = arith.mulf %get3A_151, %gather3A_173 : vector<16xf32>
        %add3A_180 = arith.addf %add3A_178, %mul3A_179 : vector<16xf32>
        %swap3A_181 = arith.index_cast %mul3A_132 : i32 to index
        %swap3A_182 = tpu.vector_load %arg27[%swap3A_181] {strides = array<i32>} : memref<2048xf32, #tpu.memory_space<vmem>>, vector<16xf32>,
        tpu.vector_store %arg27[%swap3A_181], %add3A_180 {strides = array<i32>} : memref<2048xf32, #tpu.memory_space<vmem>>, vector<16xf32>,
        %broadcast_in_dim3A_183 = arith.constant 2 : i32
        %broadcast_in_dim3A_184 = vector.broadcast %broadcast_in_dim3A_183 : i32 to vector<16xi32>
        %gather3A_185 = tpu.vector_load_idx %arg22[%add3A_154, %broadcast_in_dim3A_184] : memref<2048x3xf32, #tpu.memory_space<vmem>>[vector<16xi32>, vector<16xi32>], vector<16xf32>,
        %gather3A_186 = tpu.vector_load_idx %arg23[%add3A_154, %broadcast_in_dim3A_184] : memref<2048x3xf32, #tpu.memory_space<vmem>>[vector<16xi32>, vector<16xi32>], vector<16xf32>,
        %gather3A_187 = tpu.vector_load_idx %arg24[%add3A_154, %broadcast_in_dim3A_184] : memref<2048x3xf32, #tpu.memory_space<vmem>>[vector<16xi32>, vector<16xi32>], vector<16xf32>,
        %gather3A_188 = tpu.vector_load_idx %arg25[%add3A_154, %broadcast_in_dim3A_184] : memref<2048x3xf32, #tpu.memory_space<vmem>>[vector<16xi32>, vector<16xi32>], vector<16xf32>,
        %mul3A_189 = arith.mulf %get3A_133, %gather3A_185 : vector<16xf32>
        %mul3A_190 = arith.mulf %get3A_139, %gather3A_186 : vector<16xf32>
        %add3A_191 = arith.addf %mul3A_189, %mul3A_190 : vector<16xf32>
        %mul3A_192 = arith.mulf %get3A_145, %gather3A_187 : vector<16xf32>
        %add3A_193 = arith.addf %add3A_191, %mul3A_192 : vector<16xf32>
        %mul3A_194 = arith.mulf %get3A_151, %gather3A_188 : vector<16xf32>
        %add3A_195 = arith.addf %add3A_193, %mul3A_194 : vector<16xf32>
        %swap3A_196 = arith.index_cast %mul3A_132 : i32 to index
        %swap3A_197 = tpu.vector_load %arg28[%swap3A_196] {strides = array<i32>} : memref<2048xf32, #tpu.memory_space<vmem>>, vector<16xf32>,
        tpu.vector_store %arg28[%swap3A_196], %add3A_195 {strides = array<i32>} : memref<2048xf32, #tpu.memory_space<vmem>>, vector<16xf32>,
      }
      %scan3A_80 = arith.constant 128 : i32
      %mul3A_81 = arith.constant 3 : i32
      %mul3A_82 = arith.muli %select_n3A, %mul3A_81 : i32
      %add3A_83 = arith.constant 0 : i32
      %add3A_84 = arith.addi %mul3A_82, %add3A_83 : i32
      %mul3A_85 = arith.constant 262144 : i32
      %mul3A_86 = arith.muli %add3A_84, %mul3A_85 : i32
      %add3A_87 = arith.addi %mul3A_86, %add3A_75 : i32
      "tpu.region"() ({
        %run_scoped3A = tpu.sem_alloc : memref<!tpu.dma_semaphore, #tpu.memory_space<semaphore_mem>>
        %dma_start3A = tpu.memref_slice %arg5[%add3A_87] : memref<12582912xf32, #tpu.memory_space<hbm>> -> memref<2048xf32, #tpu.memory_space<hbm>>
        %dma_start3A_130 = tpu.memref_slice %arg5[%add3A_87] : memref<12582912xf32, #tpu.memory_space<hbm>> -> memref<2048xf32, #tpu.memory_space<hbm>>
        tpu.enqueue_dma source(%arg26 : memref<2048xf32, #tpu.memory_space<vmem>>) target(%dma_start3A_130 : memref<2048xf32, #tpu.memory_space<hbm>>) target_semaphore(%run_scoped3A : memref<!tpu.dma_semaphore, #tpu.memory_space<semaphore_mem>>)
        %dma_wait3A = tpu.memref_slice %arg5[%add3A_87] : memref<12582912xf32, #tpu.memory_space<hbm>> -> memref<2048xf32, #tpu.memory_space<hbm>>
        %dma_wait3A_131 = tpu.memref_slice %arg5[%add3A_87] : memref<12582912xf32, #tpu.memory_space<hbm>> -> memref<2048xf32, #tpu.memory_space<hbm>>
        tpu.wait_dma2 semaphore(%run_scoped3A : memref<!tpu.dma_semaphore, #tpu.memory_space<semaphore_mem>>) src(%arg26 : memref<2048xf32, #tpu.memory_space<vmem>>) dst(%dma_wait3A_131 : memref<2048xf32, #tpu.memory_space<hbm>>)
        tpu.yield
      }) : () -> ()
      %mul3A_88 = arith.constant 3 : i32
      %mul3A_89 = arith.muli %select_n3A, %mul3A_88 : i32
      %add3A_90 = arith.constant 1 : i32
      %add3A_91 = arith.addi %mul3A_89, %add3A_90 : i32
      %mul3A_92 = arith.constant 262144 : i32
      %mul3A_93 = arith.muli %add3A_91, %mul3A_92 : i32
      %add3A_94 = arith.addi %mul3A_93, %add3A_75 : i32
      "tpu.region"() ({
        %run_scoped3A = tpu.sem_alloc : memref<!tpu.dma_semaphore, #tpu.memory_space<semaphore_mem>>
        %dma_start3A = tpu.memref_slice %arg5[%add3A_94] : memref<12582912xf32, #tpu.memory_space<hbm>> -> memref<2048xf32, #tpu.memory_space<hbm>>
        %dma_start3A_130 = tpu.memref_slice %arg5[%add3A_94] : memref<12582912xf32, #tpu.memory_space<hbm>> -> memref<2048xf32, #tpu.memory_space<hbm>>
        tpu.enqueue_dma source(%arg27 : memref<2048xf32, #tpu.memory_space<vmem>>) target(%dma_start3A_130 : memref<2048xf32, #tpu.memory_space<hbm>>) target_semaphore(%run_scoped3A : memref<!tpu.dma_semaphore, #tpu.memory_space<semaphore_mem>>)
        %dma_wait3A = tpu.memref_slice %arg5[%add3A_94] : memref<12582912xf32, #tpu.memory_space<hbm>> -> memref<2048xf32, #tpu.memory_space<hbm>>
        %dma_wait3A_131 = tpu.memref_slice %arg5[%add3A_94] : memref<12582912xf32, #tpu.memory_space<hbm>> -> memref<2048xf32, #tpu.memory_space<hbm>>
        tpu.wait_dma2 semaphore(%run_scoped3A : memref<!tpu.dma_semaphore, #tpu.memory_space<semaphore_mem>>) src(%arg27 : memref<2048xf32, #tpu.memory_space<vmem>>) dst(%dma_wait3A_131 : memref<2048xf32, #tpu.memory_space<hbm>>)
        tpu.yield
      }) : () -> ()
      %mul3A_95 = arith.constant 3 : i32
      %mul3A_96 = arith.muli %select_n3A, %mul3A_95 : i32
      %add3A_97 = arith.constant 2 : i32
      %add3A_98 = arith.addi %mul3A_96, %add3A_97 : i32
      %mul3A_99 = arith.constant 262144 : i32
      %mul3A_100 = arith.muli %add3A_98, %mul3A_99 : i32
      %add3A_101 = arith.addi %mul3A_100, %add3A_75 : i32
      "tpu.region"() ({
        %run_scoped3A = tpu.sem_alloc : memref<!tpu.dma_semaphore, #tpu.memory_space<semaphore_mem>>
        %dma_start3A = tpu.memref_slice %arg5[%add3A_101] : memref<12582912xf32, #tpu.memory_space<hbm>> -> memref<2048xf32, #tpu.memory_space<hbm>>
        %dma_start3A_130 = tpu.memref_slice %arg5[%add3A_101] : memref<12582912xf32, #tpu.memory_space<hbm>> -> memref<2048xf32, #tpu.memory_space<hbm>>
        tpu.enqueue_dma source(%arg28 : memref<2048xf32, #tpu.memory_space<vmem>>) target(%dma_start3A_130 : memref<2048xf32, #tpu.memory_space<hbm>>) target_semaphore(%run_scoped3A : memref<!tpu.dma_semaphore, #tpu.memory_space<semaphore_mem>>)
        %dma_wait3A = tpu.memref_slice %arg5[%add3A_101] : memref<12582912xf32, #tpu.memory_space<hbm>> -> memref<2048xf32, #tpu.memory_space<hbm>>
        %dma_wait3A_131 = tpu.memref_slice %arg5[%add3A_101] : memref<12582912xf32, #tpu.memory_space<hbm>> -> memref<2048xf32, #tpu.memory_space<hbm>>
        tpu.wait_dma2 semaphore(%run_scoped3A : memref<!tpu.dma_semaphore, #tpu.memory_space<semaphore_mem>>) src(%arg28 : memref<2048xf32, #tpu.memory_space<vmem>>) dst(%dma_wait3A_131 : memref<2048xf32, #tpu.memory_space<hbm>>)
        tpu.yield
      }) : () -> ()
      %add3A_102 = arith.constant 1 : i32
      %add3A_103 = arith.addi %mul3A_62, %add3A_102 : i32
      %lt3A_104 = arith.constant 64 : i32
      %lt3A_105 = arith.cmpi slt, %add3A_103, %lt3A_104 : i32
      %convert_element_type3A_106 = arith.extui %lt3A_105 : i1 to i32
      %cond3A_107 = arith.constant 0 : i32
      %cond3A_108 = arith.cmpi ne, %convert_element_type3A_106, %cond3A_107 : i32
      scf.if %cond3A_108 {
        %scan3A_130 = arith.constant 0 : i32
        %scan3A_131 = arith.constant 16 : i32
        %scan3A_132 = arith.addi %scan3A_130, %scan3A_131 : i32
        %scan3A_133 = arith.constant 1 : i32
        scf.for %scan3A_135 = %scan3A_130 to %scan3A_132 step %scan3A_133  : i32 {
          %mul3A_136 = arith.constant 128 : i32
          %mul3A_137 = arith.muli %scan3A_135, %mul3A_136 : i32
          %mul3A_138 = arith.constant 128 : i32
          %mul3A_139 = arith.muli %scan3A_135, %mul3A_138 : i32
          %dma_start3A = arith.constant 0 : i32
          %dma_start3A_140 = tpu.memref_slice %arg22[%mul3A_139, %dma_start3A] : memref<2048x3xf32, #tpu.memory_space<vmem>> -> memref<128x3xf32, #tpu.memory_space<vmem>>
          %dma_start3A_141 = tpu.memref_slice %arg16[%mul3A_137] : memref<2048xi32, #tpu.memory_space<vmem>> -> memref<128xi32, #tpu.memory_space<vmem>>
          %dma_start3A_142 = arith.constant 0 : i32
          %dma_start3A_143 = arith.constant 0 : i32
          %dma_start3A_144 = tpu.memref_slice %arg6[%dma_start3A_142, %dma_start3A_143] : memref<4194304x3xf32, #tpu.memory_space<hbm>> -> memref<4194304x3xf32, #tpu.memory_space<hbm>>
          tpu.enqueue_indirect_dma source(%dma_start3A_144 : memref<4194304x3xf32, #tpu.memory_space<hbm>>) target(%dma_start3A_140 : memref<128x3xf32, #tpu.memory_space<vmem>>) offsets(%dma_start3A_141 : memref<128xi32, #tpu.memory_space<vmem>>) semaphore(%arg30 : memref<!tpu.dma_semaphore, #tpu.memory_space<semaphore_mem>>)
          %mul3A_145 = arith.constant 128 : i32
          %mul3A_146 = arith.muli %scan3A_135, %mul3A_145 : i32
          %mul3A_147 = arith.constant 128 : i32
          %mul3A_148 = arith.muli %scan3A_135, %mul3A_147 : i32
          %dma_start3A_149 = arith.constant 0 : i32
          %dma_start3A_150 = tpu.memref_slice %arg23[%mul3A_148, %dma_start3A_149] : memref<2048x3xf32, #tpu.memory_space<vmem>> -> memref<128x3xf32, #tpu.memory_space<vmem>>
          %dma_start3A_151 = tpu.memref_slice %arg17[%mul3A_146] : memref<2048xi32, #tpu.memory_space<vmem>> -> memref<128xi32, #tpu.memory_space<vmem>>
          %dma_start3A_152 = arith.constant 0 : i32
          %dma_start3A_153 = arith.constant 0 : i32
          %dma_start3A_154 = tpu.memref_slice %arg6[%dma_start3A_152, %dma_start3A_153] : memref<4194304x3xf32, #tpu.memory_space<hbm>> -> memref<4194304x3xf32, #tpu.memory_space<hbm>>
          tpu.enqueue_indirect_dma source(%dma_start3A_154 : memref<4194304x3xf32, #tpu.memory_space<hbm>>) target(%dma_start3A_150 : memref<128x3xf32, #tpu.memory_space<vmem>>) offsets(%dma_start3A_151 : memref<128xi32, #tpu.memory_space<vmem>>) semaphore(%arg30 : memref<!tpu.dma_semaphore, #tpu.memory_space<semaphore_mem>>)
          %mul3A_155 = arith.constant 128 : i32
          %mul3A_156 = arith.muli %scan3A_135, %mul3A_155 : i32
          %mul3A_157 = arith.constant 128 : i32
          %mul3A_158 = arith.muli %scan3A_135, %mul3A_157 : i32
          %dma_start3A_159 = arith.constant 0 : i32
          %dma_start3A_160 = tpu.memref_slice %arg24[%mul3A_158, %dma_start3A_159] : memref<2048x3xf32, #tpu.memory_space<vmem>> -> memref<128x3xf32, #tpu.memory_space<vmem>>
          %dma_start3A_161 = tpu.memref_slice %arg18[%mul3A_156] : memref<2048xi32, #tpu.memory_space<vmem>> -> memref<128xi32, #tpu.memory_space<vmem>>
          %dma_start3A_162 = arith.constant 0 : i32
          %dma_start3A_163 = arith.constant 0 : i32
          %dma_start3A_164 = tpu.memref_slice %arg6[%dma_start3A_162, %dma_start3A_163] : memref<4194304x3xf32, #tpu.memory_space<hbm>> -> memref<4194304x3xf32, #tpu.memory_space<hbm>>
          tpu.enqueue_indirect_dma source(%dma_start3A_164 : memref<4194304x3xf32, #tpu.memory_space<hbm>>) target(%dma_start3A_160 : memref<128x3xf32, #tpu.memory_space<vmem>>) offsets(%dma_start3A_161 : memref<128xi32, #tpu.memory_space<vmem>>) semaphore(%arg30 : memref<!tpu.dma_semaphore, #tpu.memory_space<semaphore_mem>>)
          %mul3A_165 = arith.constant 128 : i32
          %mul3A_166 = arith.muli %scan3A_135, %mul3A_165 : i32
          %mul3A_167 = arith.constant 128 : i32
          %mul3A_168 = arith.muli %scan3A_135, %mul3A_167 : i32
          %dma_start3A_169 = arith.constant 0 : i32
          %dma_start3A_170 = tpu.memref_slice %arg25[%mul3A_168, %dma_start3A_169] : memref<2048x3xf32, #tpu.memory_space<vmem>> -> memref<128x3xf32, #tpu.memory_space<vmem>>
          %dma_start3A_171 = tpu.memref_slice %arg19[%mul3A_166] : memref<2048xi32, #tpu.memory_space<vmem>> -> memref<128xi32, #tpu.memory_space<vmem>>
          %dma_start3A_172 = arith.constant 0 : i32
          %dma_start3A_173 = arith.constant 0 : i32
          %dma_start3A_174 = tpu.memref_slice %arg6[%dma_start3A_172, %dma_start3A_173] : memref<4194304x3xf32, #tpu.memory_space<hbm>> -> memref<4194304x3xf32, #tpu.memory_space<hbm>>
          tpu.enqueue_indirect_dma source(%dma_start3A_174 : memref<4194304x3xf32, #tpu.memory_space<hbm>>) target(%dma_start3A_170 : memref<128x3xf32, #tpu.memory_space<vmem>>) offsets(%dma_start3A_171 : memref<128xi32, #tpu.memory_space<vmem>>) semaphore(%arg30 : memref<!tpu.dma_semaphore, #tpu.memory_space<semaphore_mem>>)
        }
        %scan3A_134 = arith.constant 16 : i32
      } else {
      }
      %add3A_109 = arith.constant 2 : i32
      %add3A_110 = arith.addi %mul3A_62, %add3A_109 : i32
      %lt3A_111 = arith.constant 64 : i32
      %lt3A_112 = arith.cmpi slt, %add3A_110, %lt3A_111 : i32
      %convert_element_type3A_113 = arith.extui %lt3A_112 : i1 to i32
      %cond3A_114 = arith.constant 0 : i32
      %cond3A_115 = arith.cmpi ne, %convert_element_type3A_113, %cond3A_114 : i32
      scf.if %cond3A_115 {
        %add3A_130 = arith.constant 2 : i32
        %add3A_131 = arith.addi %mul3A_62, %add3A_130 : i32
        %mul3A_132 = arith.constant 2048 : i32
        %mul3A_133 = arith.muli %add3A_131, %mul3A_132 : i32
        %add3A_134 = arith.addi %mul3A_32, %mul3A_133 : i32
        %mul3A_135 = arith.constant 262144 : i32
        %mul3A_136 = arith.muli %select_n3A, %mul3A_135 : i32
        %add3A_137 = arith.addi %mul3A_136, %add3A_134 : i32
        "tpu.region"() ({
          %run_scoped3A = tpu.sem_alloc : memref<!tpu.dma_semaphore, #tpu.memory_space<semaphore_mem>>
          %dma_start3A = tpu.memref_slice %arg2[%add3A_137] : memref<4194304xf32, #tpu.memory_space<hbm>> -> memref<2048xf32, #tpu.memory_space<hbm>>
          %dma_start3A_146 = tpu.memref_slice %arg2[%add3A_137] : memref<4194304xf32, #tpu.memory_space<hbm>> -> memref<2048xf32, #tpu.memory_space<hbm>>
          tpu.enqueue_dma source(%dma_start3A_146 : memref<2048xf32, #tpu.memory_space<hbm>>) target(%arg8 : memref<2048xf32, #tpu.memory_space<vmem>>) target_semaphore(%run_scoped3A : memref<!tpu.dma_semaphore, #tpu.memory_space<semaphore_mem>>)
          %dma_wait3A = tpu.memref_slice %arg2[%add3A_137] : memref<4194304xf32, #tpu.memory_space<hbm>> -> memref<2048xf32, #tpu.memory_space<hbm>>
          %dma_wait3A_147 = tpu.memref_slice %arg2[%add3A_137] : memref<4194304xf32, #tpu.memory_space<hbm>> -> memref<2048xf32, #tpu.memory_space<hbm>>
          tpu.wait_dma2 semaphore(%run_scoped3A : memref<!tpu.dma_semaphore, #tpu.memory_space<semaphore_mem>>) src(%dma_wait3A_147 : memref<2048xf32, #tpu.memory_space<hbm>>) dst(%arg8 : memref<2048xf32, #tpu.memory_space<vmem>>)
          tpu.yield
        }) : () -> ()
        %mul3A_138 = arith.constant 262144 : i32
        %mul3A_139 = arith.muli %select_n3A, %mul3A_138 : i32
        %add3A_140 = arith.addi %mul3A_139, %add3A_134 : i32
        "tpu.region"() ({
          %run_scoped3A = tpu.sem_alloc : memref<!tpu.dma_semaphore, #tpu.memory_space<semaphore_mem>>
          %dma_start3A = tpu.memref_slice %arg3[%add3A_140] : memref<4194304xf32, #tpu.memory_space<hbm>> -> memref<2048xf32, #tpu.memory_space<hbm>>
          %dma_start3A_146 = tpu.memref_slice %arg3[%add3A_140] : memref<4194304xf32, #tpu.memory_space<hbm>> -> memref<2048xf32, #tpu.memory_space<hbm>>
          tpu.enqueue_dma source(%dma_start3A_146 : memref<2048xf32, #tpu.memory_space<hbm>>) target(%arg10 : memref<2048xf32, #tpu.memory_space<vmem>>) target_semaphore(%run_scoped3A : memref<!tpu.dma_semaphore, #tpu.memory_space<semaphore_mem>>)
          %dma_wait3A = tpu.memref_slice %arg3[%add3A_140] : memref<4194304xf32, #tpu.memory_space<hbm>> -> memref<2048xf32, #tpu.memory_space<hbm>>
          %dma_wait3A_147 = tpu.memref_slice %arg3[%add3A_140] : memref<4194304xf32, #tpu.memory_space<hbm>> -> memref<2048xf32, #tpu.memory_space<hbm>>
          tpu.wait_dma2 semaphore(%run_scoped3A : memref<!tpu.dma_semaphore, #tpu.memory_space<semaphore_mem>>) src(%dma_wait3A_147 : memref<2048xf32, #tpu.memory_space<hbm>>) dst(%arg10 : memref<2048xf32, #tpu.memory_space<vmem>>)
          tpu.yield
        }) : () -> ()
        %scan3A_141 = arith.constant 0 : i32
        %scan3A_142 = arith.constant 128 : i32
        %scan3A_143 = arith.addi %scan3A_141, %scan3A_142 : i32
        %scan3A_144 = arith.constant 1 : i32
        scf.for %scan3A_146 = %scan3A_141 to %scan3A_143 step %scan3A_144  : i32 {
          %mul3A_147 = arith.constant 16 : i32
          %mul3A_148 = arith.muli %scan3A_146, %mul3A_147 : i32
          %get3A = arith.index_cast %mul3A_148 : i32 to index
          %get3A_149 = tpu.vector_load %arg8[%get3A] {strides = array<i32>} : memref<2048xf32, #tpu.memory_space<vmem>>, vector<16xf32>,
          %mul3A_150 = arith.constant 16 : i32
          %mul3A_151 = arith.muli %scan3A_146, %mul3A_150 : i32
          %get3A_152 = arith.index_cast %mul3A_151 : i32 to index
          %get3A_153 = tpu.vector_load %arg10[%get3A_152] {strides = array<i32>} : memref<2048xf32, #tpu.memory_space<vmem>>, vector<16xf32>,
          %max3A = arith.constant -1.000000e+09 : f32
          %max3A_154 = vector.broadcast %max3A : f32 to vector<16xf32>
          %max3A_155 = arith.maximumf %get3A_149, %max3A_154 : vector<16xf32>
          %min3A = arith.constant 1.000000e+09 : f32
          %min3A_156 = vector.broadcast %min3A : f32 to vector<16xf32>
          %min3A_157 = arith.minimumf %max3A_155, %min3A_156 : vector<16xf32>
          %max3A_158 = arith.constant -1.000000e+09 : f32
          %max3A_159 = vector.broadcast %max3A_158 : f32 to vector<16xf32>
          %max3A_160 = arith.maximumf %get3A_153, %max3A_159 : vector<16xf32>
          %min3A_161 = arith.constant 1.000000e+09 : f32
          %min3A_162 = vector.broadcast %min3A_161 : f32 to vector<16xf32>
          %min3A_163 = arith.minimumf %max3A_160, %min3A_162 : vector<16xf32>
          %convert_element_type3A_164 = arith.fptosi %min3A_157 : vector<16xf32> to vector<16xi32>
          %convert_element_type3A_165 = arith.sitofp %convert_element_type3A_164 : vector<16xi32> to vector<16xf32>
          %convert_element_type3A_166 = arith.fptosi %min3A_163 : vector<16xf32> to vector<16xi32>
          %convert_element_type3A_167 = arith.sitofp %convert_element_type3A_166 : vector<16xi32> to vector<16xf32>
          %gt3A = arith.cmpf ogt, %convert_element_type3A_165, %min3A_157 : vector<16xf32>
          %jit3A_168 = arith.constant 1.000000e+00 : f32
          %jit3A_169 = arith.constant 0.000000e+00 : f32
          %broadcast_in_dim3A = vector.broadcast %jit3A_168 : f32 to vector<16xf32>
          %broadcast_in_dim3A_170 = vector.broadcast %jit3A_169 : f32 to vector<16xf32>
          %select_n3A_171 = arith.select %gt3A, %broadcast_in_dim3A, %broadcast_in_dim3A_170 : vector<16xi1>, vector<16xf32>
          %sub3A_172 = arith.subf %convert_element_type3A_165, %select_n3A_171 : vector<16xf32>
          %gt3A_173 = arith.cmpf ogt, %convert_element_type3A_167, %min3A_163 : vector<16xf32>
          %jit3A_174 = arith.constant 1.000000e+00 : f32
          %jit3A_175 = arith.constant 0.000000e+00 : f32
          %broadcast_in_dim3A_176 = vector.broadcast %jit3A_174 : f32 to vector<16xf32>
          %broadcast_in_dim3A_177 = vector.broadcast %jit3A_175 : f32 to vector<16xf32>
          %select_n3A_178 = arith.select %gt3A_173, %broadcast_in_dim3A_176, %broadcast_in_dim3A_177 : vector<16xi1>, vector<16xf32>
          %sub3A_179 = arith.subf %convert_element_type3A_167, %select_n3A_178 : vector<16xf32>
          %max3A_180 = arith.constant 0.000000e+00 : f32
          %max3A_181 = vector.broadcast %max3A_180 : f32 to vector<16xf32>
          %max3A_182 = arith.maximumf %sub3A_172, %max3A_181 : vector<16xf32>
          %min3A_183 = arith.constant 5.110000e+02 : f32
          %min3A_184 = vector.broadcast %min3A_183 : f32 to vector<16xf32>
          %min3A_185 = arith.minimumf %max3A_182, %min3A_184 : vector<16xf32>
          %add3A_186 = arith.constant 1.000000e+00 : f32
          %add3A_187 = vector.broadcast %add3A_186 : f32 to vector<16xf32>
          %add3A_188 = arith.addf %sub3A_172, %add3A_187 : vector<16xf32>
          %max3A_189 = arith.constant 0.000000e+00 : f32
          %max3A_190 = vector.broadcast %max3A_189 : f32 to vector<16xf32>
          %max3A_191 = arith.maximumf %add3A_188, %max3A_190 : vector<16xf32>
          %min3A_192 = arith.constant 5.110000e+02 : f32
          %min3A_193 = vector.broadcast %min3A_192 : f32 to vector<16xf32>
          %min3A_194 = arith.minimumf %max3A_191, %min3A_193 : vector<16xf32>
          %max3A_195 = arith.constant 0.000000e+00 : f32
          %max3A_196 = vector.broadcast %max3A_195 : f32 to vector<16xf32>
          %max3A_197 = arith.maximumf %sub3A_179, %max3A_196 : vector<16xf32>
          %min3A_198 = arith.constant 5.110000e+02 : f32
          %min3A_199 = vector.broadcast %min3A_198 : f32 to vector<16xf32>
          %min3A_200 = arith.minimumf %max3A_197, %min3A_199 : vector<16xf32>
          %add3A_201 = arith.constant 1.000000e+00 : f32
          %add3A_202 = vector.broadcast %add3A_201 : f32 to vector<16xf32>
          %add3A_203 = arith.addf %sub3A_179, %add3A_202 : vector<16xf32>
          %max3A_204 = arith.constant 0.000000e+00 : f32
          %max3A_205 = vector.broadcast %max3A_204 : f32 to vector<16xf32>
          %max3A_206 = arith.maximumf %add3A_203, %max3A_205 : vector<16xf32>
          %min3A_207 = arith.constant 5.110000e+02 : f32
          %min3A_208 = vector.broadcast %min3A_207 : f32 to vector<16xf32>
          %min3A_209 = arith.minimumf %max3A_206, %min3A_208 : vector<16xf32>
          %convert_element_type3A_210 = arith.fptosi %min3A_185 : vector<16xf32> to vector<16xi32>
          %convert_element_type3A_211 = arith.fptosi %min3A_194 : vector<16xf32> to vector<16xi32>
          %mul3A_212 = arith.constant 262144 : i32
          %mul3A_213 = arith.muli %select_n3A, %mul3A_212 : i32
          %broadcast_in_dim3A_214 = vector.broadcast %mul3A_213 : i32 to vector<16xi32>
          %convert_element_type3A_215 = arith.fptosi %min3A_200 : vector<16xf32> to vector<16xi32>
          %mul3A_216 = arith.constant 512 : i32
          %mul3A_217 = vector.broadcast %mul3A_216 : i32 to vector<16xi32>
          %mul3A_218 = arith.muli %convert_element_type3A_215, %mul3A_217 : vector<16xi32>
          %add3A_219 = arith.addi %broadcast_in_dim3A_214, %mul3A_218 : vector<16xi32>
          %convert_element_type3A_220 = arith.fptosi %min3A_209 : vector<16xf32> to vector<16xi32>
          %mul3A_221 = arith.constant 512 : i32
          %mul3A_222 = vector.broadcast %mul3A_221 : i32 to vector<16xi32>
          %mul3A_223 = arith.muli %convert_element_type3A_220, %mul3A_222 : vector<16xi32>
          %add3A_224 = arith.addi %broadcast_in_dim3A_214, %mul3A_223 : vector<16xi32>
          %add3A_225 = arith.addi %add3A_219, %convert_element_type3A_210 : vector<16xi32>
          %mul3A_226 = arith.constant 16 : i32
          %mul3A_227 = arith.muli %scan3A_146, %mul3A_226 : i32
          %swap3A = arith.index_cast %mul3A_227 : i32 to index
          %swap3A_228 = tpu.vector_load %arg12[%swap3A] {strides = array<i32>} : memref<2048xi32, #tpu.memory_space<vmem>>, vector<16xi32>,
          tpu.vector_store %arg12[%swap3A], %add3A_225 {strides = array<i32>} : memref<2048xi32, #tpu.memory_space<vmem>>, vector<16xi32>,
          %add3A_229 = arith.addi %add3A_224, %convert_element_type3A_210 : vector<16xi32>
          %mul3A_230 = arith.constant 16 : i32
          %mul3A_231 = arith.muli %scan3A_146, %mul3A_230 : i32
          %swap3A_232 = arith.index_cast %mul3A_231 : i32 to index
          %swap3A_233 = tpu.vector_load %arg13[%swap3A_232] {strides = array<i32>} : memref<2048xi32, #tpu.memory_space<vmem>>, vector<16xi32>,
          tpu.vector_store %arg13[%swap3A_232], %add3A_229 {strides = array<i32>} : memref<2048xi32, #tpu.memory_space<vmem>>, vector<16xi32>,
          %add3A_234 = arith.addi %add3A_219, %convert_element_type3A_211 : vector<16xi32>
          %mul3A_235 = arith.constant 16 : i32
          %mul3A_236 = arith.muli %scan3A_146, %mul3A_235 : i32
          %swap3A_237 = arith.index_cast %mul3A_236 : i32 to index
          %swap3A_238 = tpu.vector_load %arg14[%swap3A_237] {strides = array<i32>} : memref<2048xi32, #tpu.memory_space<vmem>>, vector<16xi32>,
          tpu.vector_store %arg14[%swap3A_237], %add3A_234 {strides = array<i32>} : memref<2048xi32, #tpu.memory_space<vmem>>, vector<16xi32>,
          %add3A_239 = arith.addi %add3A_224, %convert_element_type3A_211 : vector<16xi32>
          %mul3A_240 = arith.constant 16 : i32
          %mul3A_241 = arith.muli %scan3A_146, %mul3A_240 : i32
          %swap3A_242 = arith.index_cast %mul3A_241 : i32 to index
          %swap3A_243 = tpu.vector_load %arg15[%swap3A_242] {strides = array<i32>} : memref<2048xi32, #tpu.memory_space<vmem>>, vector<16xi32>,
          tpu.vector_store %arg15[%swap3A_242], %add3A_239 {strides = array<i32>} : memref<2048xi32, #tpu.memory_space<vmem>>, vector<16xi32>,
          %sub3A_244 = arith.subf %min3A_209, %get3A_153 : vector<16xf32>
          %sub3A_245 = arith.subf %min3A_194, %get3A_149 : vector<16xf32>
          %mul3A_246 = arith.mulf %sub3A_244, %sub3A_245 : vector<16xf32>
          %mul3A_247 = arith.constant 16 : i32
          %mul3A_248 = arith.muli %scan3A_146, %mul3A_247 : i32
          %swap3A_249 = arith.index_cast %mul3A_248 : i32 to index
          %swap3A_250 = tpu.vector_load %arg20[%swap3A_249] {strides = array<i32>} : memref<8192xf32, #tpu.memory_space<vmem>>, vector<16xf32>,
          tpu.vector_store %arg20[%swap3A_249], %mul3A_246 {strides = array<i32>} : memref<8192xf32, #tpu.memory_space<vmem>>, vector<16xf32>,
          %sub3A_251 = arith.subf %get3A_153, %min3A_200 : vector<16xf32>
          %sub3A_252 = arith.subf %min3A_194, %get3A_149 : vector<16xf32>
          %mul3A_253 = arith.mulf %sub3A_251, %sub3A_252 : vector<16xf32>
          %mul3A_254 = arith.constant 16 : i32
          %mul3A_255 = arith.muli %scan3A_146, %mul3A_254 : i32
          %add3A_256 = arith.constant 2048 : i32
          %add3A_257 = arith.addi %add3A_256, %mul3A_255 : i32
          %swap3A_258 = arith.index_cast %add3A_257 : i32 to index
          %swap3A_259 = tpu.vector_load %arg20[%swap3A_258] {strides = array<i32>} : memref<8192xf32, #tpu.memory_space<vmem>>, vector<16xf32>,
          tpu.vector_store %arg20[%swap3A_258], %mul3A_253 {strides = array<i32>} : memref<8192xf32, #tpu.memory_space<vmem>>, vector<16xf32>,
          %sub3A_260 = arith.subf %min3A_209, %get3A_153 : vector<16xf32>
          %sub3A_261 = arith.subf %get3A_149, %min3A_185 : vector<16xf32>
          %mul3A_262 = arith.mulf %sub3A_260, %sub3A_261 : vector<16xf32>
          %mul3A_263 = arith.constant 16 : i32
          %mul3A_264 = arith.muli %scan3A_146, %mul3A_263 : i32
          %add3A_265 = arith.constant 4096 : i32
          %add3A_266 = arith.addi %add3A_265, %mul3A_264 : i32
          %swap3A_267 = arith.index_cast %add3A_266 : i32 to index
          %swap3A_268 = tpu.vector_load %arg20[%swap3A_267] {strides = array<i32>} : memref<8192xf32, #tpu.memory_space<vmem>>, vector<16xf32>,
          tpu.vector_store %arg20[%swap3A_267], %mul3A_262 {strides = array<i32>} : memref<8192xf32, #tpu.memory_space<vmem>>, vector<16xf32>,
          %sub3A_269 = arith.subf %get3A_153, %min3A_200 : vector<16xf32>
          %sub3A_270 = arith.subf %get3A_149, %min3A_185 : vector<16xf32>
          %mul3A_271 = arith.mulf %sub3A_269, %sub3A_270 : vector<16xf32>
          %mul3A_272 = arith.constant 16 : i32
          %mul3A_273 = arith.muli %scan3A_146, %mul3A_272 : i32
          %add3A_274 = arith.constant 6144 : i32
          %add3A_275 = arith.addi %add3A_274, %mul3A_273 : i32
          %swap3A_276 = arith.index_cast %add3A_275 : i32 to index
          %swap3A_277 = tpu.vector_load %arg20[%swap3A_276] {strides = array<i32>} : memref<8192xf32, #tpu.memory_space<vmem>>, vector<16xf32>,
          tpu.vector_store %arg20[%swap3A_276], %mul3A_271 {strides = array<i32>} : memref<8192xf32, #tpu.memory_space<vmem>>, vector<16xf32>,
        }
        %scan3A_145 = arith.constant 128 : i32
      } else {
      }
      %add3A_116 = arith.constant 1 : i32
      %add3A_117 = arith.addi %mul3A_62, %add3A_116 : i32
      %lt3A_118 = arith.constant 64 : i32
      %lt3A_119 = arith.cmpi slt, %add3A_117, %lt3A_118 : i32
      %convert_element_type3A_120 = arith.extui %lt3A_119 : i1 to i32
      %cond3A_121 = arith.constant 0 : i32
      %cond3A_122 = arith.cmpi ne, %convert_element_type3A_120, %cond3A_121 : i32
      scf.if %cond3A_122 {
        %scan3A_130 = arith.constant 0 : i32
        %scan3A_131 = arith.constant 16 : i32
        %scan3A_132 = arith.addi %scan3A_130, %scan3A_131 : i32
        %scan3A_133 = arith.constant 1 : i32
        scf.for %scan3A_166 = %scan3A_130 to %scan3A_132 step %scan3A_133  : i32 {
          %mul3A_167 = arith.constant 128 : i32
          %mul3A_168 = arith.muli %scan3A_166, %mul3A_167 : i32
          %mul3A_169 = arith.constant 128 : i32
          %mul3A_170 = arith.muli %scan3A_166, %mul3A_169 : i32
          %dma_wait3A = arith.constant 0 : i32
          %dma_wait3A_171 = tpu.memref_slice %arg22[%mul3A_170, %dma_wait3A] : memref<2048x3xf32, #tpu.memory_space<vmem>> -> memref<128x3xf32, #tpu.memory_space<vmem>>
          %dma_wait3A_172 = tpu.memref_slice %arg16[%mul3A_168] : memref<2048xi32, #tpu.memory_space<vmem>> -> memref<128xi32, #tpu.memory_space<vmem>>
          %dma_wait3A_173 = arith.constant 0 : i32
          %dma_wait3A_174 = arith.constant 0 : i32
          %dma_wait3A_175 = tpu.memref_slice %arg6[%dma_wait3A_173, %dma_wait3A_174] : memref<4194304x3xf32, #tpu.memory_space<hbm>> -> memref<4194304x3xf32, #tpu.memory_space<hbm>>
          tpu.wait_indirect_dma semaphore(%arg30 : memref<!tpu.dma_semaphore, #tpu.memory_space<semaphore_mem>>) src(%dma_wait3A_175 : memref<4194304x3xf32, #tpu.memory_space<hbm>>) dst(%dma_wait3A_171 : memref<128x3xf32, #tpu.memory_space<vmem>>)
          %mul3A_176 = arith.constant 128 : i32
          %mul3A_177 = arith.muli %scan3A_166, %mul3A_176 : i32
          %mul3A_178 = arith.constant 128 : i32
          %mul3A_179 = arith.muli %scan3A_166, %mul3A_178 : i32
          %dma_wait3A_180 = arith.constant 0 : i32
          %dma_wait3A_181 = tpu.memref_slice %arg23[%mul3A_179, %dma_wait3A_180] : memref<2048x3xf32, #tpu.memory_space<vmem>> -> memref<128x3xf32, #tpu.memory_space<vmem>>
          %dma_wait3A_182 = tpu.memref_slice %arg17[%mul3A_177] : memref<2048xi32, #tpu.memory_space<vmem>> -> memref<128xi32, #tpu.memory_space<vmem>>
          %dma_wait3A_183 = arith.constant 0 : i32
          %dma_wait3A_184 = arith.constant 0 : i32
          %dma_wait3A_185 = tpu.memref_slice %arg6[%dma_wait3A_183, %dma_wait3A_184] : memref<4194304x3xf32, #tpu.memory_space<hbm>> -> memref<4194304x3xf32, #tpu.memory_space<hbm>>
          tpu.wait_indirect_dma semaphore(%arg30 : memref<!tpu.dma_semaphore, #tpu.memory_space<semaphore_mem>>) src(%dma_wait3A_185 : memref<4194304x3xf32, #tpu.memory_space<hbm>>) dst(%dma_wait3A_181 : memref<128x3xf32, #tpu.memory_space<vmem>>)
          %mul3A_186 = arith.constant 128 : i32
          %mul3A_187 = arith.muli %scan3A_166, %mul3A_186 : i32
          %mul3A_188 = arith.constant 128 : i32
          %mul3A_189 = arith.muli %scan3A_166, %mul3A_188 : i32
          %dma_wait3A_190 = arith.constant 0 : i32
          %dma_wait3A_191 = tpu.memref_slice %arg24[%mul3A_189, %dma_wait3A_190] : memref<2048x3xf32, #tpu.memory_space<vmem>> -> memref<128x3xf32, #tpu.memory_space<vmem>>
          %dma_wait3A_192 = tpu.memref_slice %arg18[%mul3A_187] : memref<2048xi32, #tpu.memory_space<vmem>> -> memref<128xi32, #tpu.memory_space<vmem>>
          %dma_wait3A_193 = arith.constant 0 : i32
          %dma_wait3A_194 = arith.constant 0 : i32
          %dma_wait3A_195 = tpu.memref_slice %arg6[%dma_wait3A_193, %dma_wait3A_194] : memref<4194304x3xf32, #tpu.memory_space<hbm>> -> memref<4194304x3xf32, #tpu.memory_space<hbm>>
          tpu.wait_indirect_dma semaphore(%arg30 : memref<!tpu.dma_semaphore, #tpu.memory_space<semaphore_mem>>) src(%dma_wait3A_195 : memref<4194304x3xf32, #tpu.memory_space<hbm>>) dst(%dma_wait3A_191 : memref<128x3xf32, #tpu.memory_space<vmem>>)
          %mul3A_196 = arith.constant 128 : i32
          %mul3A_197 = arith.muli %scan3A_166, %mul3A_196 : i32
          %mul3A_198 = arith.constant 128 : i32
          %mul3A_199 = arith.muli %scan3A_166, %mul3A_198 : i32
          %dma_wait3A_200 = arith.constant 0 : i32
          %dma_wait3A_201 = tpu.memref_slice %arg25[%mul3A_199, %dma_wait3A_200] : memref<2048x3xf32, #tpu.memory_space<vmem>> -> memref<128x3xf32, #tpu.memory_space<vmem>>
          %dma_wait3A_202 = tpu.memref_slice %arg19[%mul3A_197] : memref<2048xi32, #tpu.memory_space<vmem>> -> memref<128xi32, #tpu.memory_space<vmem>>
          %dma_wait3A_203 = arith.constant 0 : i32
          %dma_wait3A_204 = arith.constant 0 : i32
          %dma_wait3A_205 = tpu.memref_slice %arg6[%dma_wait3A_203, %dma_wait3A_204] : memref<4194304x3xf32, #tpu.memory_space<hbm>> -> memref<4194304x3xf32, #tpu.memory_space<hbm>>
          tpu.wait_indirect_dma semaphore(%arg30 : memref<!tpu.dma_semaphore, #tpu.memory_space<semaphore_mem>>) src(%dma_wait3A_205 : memref<4194304x3xf32, #tpu.memory_space<hbm>>) dst(%dma_wait3A_201 : memref<128x3xf32, #tpu.memory_space<vmem>>)
        }
        %scan3A_134 = arith.constant 16 : i32
        %add3A_135 = arith.constant 1 : i32
        %add3A_136 = arith.addi %mul3A_62, %add3A_135 : i32
        %mul3A_137 = arith.constant 2048 : i32
        %mul3A_138 = arith.muli %add3A_136, %mul3A_137 : i32
        %add3A_139 = arith.addi %mul3A_32, %mul3A_138 : i32
        %scan3A_140 = arith.constant 0 : i32
        %scan3A_141 = arith.constant 128 : i32
        %scan3A_142 = arith.addi %scan3A_140, %scan3A_141 : i32
        %scan3A_143 = arith.constant 1 : i32
        scf.for %scan3A_166 = %scan3A_140 to %scan3A_142 step %scan3A_143  : i32 {
          %mul3A_167 = arith.constant 16 : i32
          %mul3A_168 = arith.muli %scan3A_166, %mul3A_167 : i32
          %get3A = arith.index_cast %mul3A_168 : i32 to index
          %get3A_169 = tpu.vector_load %arg21[%get3A] {strides = array<i32>} : memref<8192xf32, #tpu.memory_space<vmem>>, vector<16xf32>,
          %mul3A_170 = arith.constant 16 : i32
          %mul3A_171 = arith.muli %scan3A_166, %mul3A_170 : i32
          %add3A_172 = arith.constant 2048 : i32
          %add3A_173 = arith.addi %add3A_172, %mul3A_171 : i32
          %get3A_174 = arith.index_cast %add3A_173 : i32 to index
          %get3A_175 = tpu.vector_load %arg21[%get3A_174] {strides = array<i32>} : memref<8192xf32, #tpu.memory_space<vmem>>, vector<16xf32>,
          %mul3A_176 = arith.constant 16 : i32
          %mul3A_177 = arith.muli %scan3A_166, %mul3A_176 : i32
          %add3A_178 = arith.constant 4096 : i32
          %add3A_179 = arith.addi %add3A_178, %mul3A_177 : i32
          %get3A_180 = arith.index_cast %add3A_179 : i32 to index
          %get3A_181 = tpu.vector_load %arg21[%get3A_180] {strides = array<i32>} : memref<8192xf32, #tpu.memory_space<vmem>>, vector<16xf32>,
          %mul3A_182 = arith.constant 16 : i32
          %mul3A_183 = arith.muli %scan3A_166, %mul3A_182 : i32
          %add3A_184 = arith.constant 6144 : i32
          %add3A_185 = arith.addi %add3A_184, %mul3A_183 : i32
          %get3A_186 = arith.index_cast %add3A_185 : i32 to index
          %get3A_187 = tpu.vector_load %arg21[%get3A_186] {strides = array<i32>} : memref<8192xf32, #tpu.memory_space<vmem>>, vector<16xf32>,
          %mul3A_188 = arith.constant 16 : i32
          %mul3A_189 = arith.muli %scan3A_166, %mul3A_188 : i32
          %broadcast_in_dim3A = vector.broadcast %mul3A_189 : i32 to vector<16xi32>
          %add3A_190 = arith.addi %broadcast_in_dim3A, %iota3A : vector<16xi32>
          %broadcast_in_dim3A_191 = arith.constant 0 : i32
          %broadcast_in_dim3A_192 = vector.broadcast %broadcast_in_dim3A_191 : i32 to vector<16xi32>
          %gather3A = tpu.vector_load_idx %arg22[%add3A_190, %broadcast_in_dim3A_192] : memref<2048x3xf32, #tpu.memory_space<vmem>>[vector<16xi32>, vector<16xi32>], vector<16xf32>,
          %gather3A_193 = tpu.vector_load_idx %arg23[%add3A_190, %broadcast_in_dim3A_192] : memref<2048x3xf32, #tpu.memory_space<vmem>>[vector<16xi32>, vector<16xi32>], vector<16xf32>,
          %gather3A_194 = tpu.vector_load_idx %arg24[%add3A_190, %broadcast_in_dim3A_192] : memref<2048x3xf32, #tpu.memory_space<vmem>>[vector<16xi32>, vector<16xi32>], vector<16xf32>,
          %gather3A_195 = tpu.vector_load_idx %arg25[%add3A_190, %broadcast_in_dim3A_192] : memref<2048x3xf32, #tpu.memory_space<vmem>>[vector<16xi32>, vector<16xi32>], vector<16xf32>,
          %mul3A_196 = arith.mulf %get3A_169, %gather3A : vector<16xf32>
          %mul3A_197 = arith.mulf %get3A_175, %gather3A_193 : vector<16xf32>
          %add3A_198 = arith.addf %mul3A_196, %mul3A_197 : vector<16xf32>
          %mul3A_199 = arith.mulf %get3A_181, %gather3A_194 : vector<16xf32>
          %add3A_200 = arith.addf %add3A_198, %mul3A_199 : vector<16xf32>
          %mul3A_201 = arith.mulf %get3A_187, %gather3A_195 : vector<16xf32>
          %add3A_202 = arith.addf %add3A_200, %mul3A_201 : vector<16xf32>
          %swap3A = arith.index_cast %mul3A_168 : i32 to index
          %swap3A_203 = tpu.vector_load %arg26[%swap3A] {strides = array<i32>} : memref<2048xf32, #tpu.memory_space<vmem>>, vector<16xf32>,
          tpu.vector_store %arg26[%swap3A], %add3A_202 {strides = array<i32>} : memref<2048xf32, #tpu.memory_space<vmem>>, vector<16xf32>,
          %broadcast_in_dim3A_204 = arith.constant 1 : i32
          %broadcast_in_dim3A_205 = vector.broadcast %broadcast_in_dim3A_204 : i32 to vector<16xi32>
          %gather3A_206 = tpu.vector_load_idx %arg22[%add3A_190, %broadcast_in_dim3A_205] : memref<2048x3xf32, #tpu.memory_space<vmem>>[vector<16xi32>, vector<16xi32>], vector<16xf32>,
          %gather3A_207 = tpu.vector_load_idx %arg23[%add3A_190, %broadcast_in_dim3A_205] : memref<2048x3xf32, #tpu.memory_space<vmem>>[vector<16xi32>, vector<16xi32>], vector<16xf32>,
          %gather3A_208 = tpu.vector_load_idx %arg24[%add3A_190, %broadcast_in_dim3A_205] : memref<2048x3xf32, #tpu.memory_space<vmem>>[vector<16xi32>, vector<16xi32>], vector<16xf32>,
          %gather3A_209 = tpu.vector_load_idx %arg25[%add3A_190, %broadcast_in_dim3A_205] : memref<2048x3xf32, #tpu.memory_space<vmem>>[vector<16xi32>, vector<16xi32>], vector<16xf32>,
          %mul3A_210 = arith.mulf %get3A_169, %gather3A_206 : vector<16xf32>
          %mul3A_211 = arith.mulf %get3A_175, %gather3A_207 : vector<16xf32>
          %add3A_212 = arith.addf %mul3A_210, %mul3A_211 : vector<16xf32>
          %mul3A_213 = arith.mulf %get3A_181, %gather3A_208 : vector<16xf32>
          %add3A_214 = arith.addf %add3A_212, %mul3A_213 : vector<16xf32>
          %mul3A_215 = arith.mulf %get3A_187, %gather3A_209 : vector<16xf32>
          %add3A_216 = arith.addf %add3A_214, %mul3A_215 : vector<16xf32>
          %swap3A_217 = arith.index_cast %mul3A_168 : i32 to index
          %swap3A_218 = tpu.vector_load %arg27[%swap3A_217] {strides = array<i32>} : memref<2048xf32, #tpu.memory_space<vmem>>, vector<16xf32>,
          tpu.vector_store %arg27[%swap3A_217], %add3A_216 {strides = array<i32>} : memref<2048xf32, #tpu.memory_space<vmem>>, vector<16xf32>,
          %broadcast_in_dim3A_219 = arith.constant 2 : i32
          %broadcast_in_dim3A_220 = vector.broadcast %broadcast_in_dim3A_219 : i32 to vector<16xi32>
          %gather3A_221 = tpu.vector_load_idx %arg22[%add3A_190, %broadcast_in_dim3A_220] : memref<2048x3xf32, #tpu.memory_space<vmem>>[vector<16xi32>, vector<16xi32>], vector<16xf32>,
          %gather3A_222 = tpu.vector_load_idx %arg23[%add3A_190, %broadcast_in_dim3A_220] : memref<2048x3xf32, #tpu.memory_space<vmem>>[vector<16xi32>, vector<16xi32>], vector<16xf32>,
          %gather3A_223 = tpu.vector_load_idx %arg24[%add3A_190, %broadcast_in_dim3A_220] : memref<2048x3xf32, #tpu.memory_space<vmem>>[vector<16xi32>, vector<16xi32>], vector<16xf32>,
          %gather3A_224 = tpu.vector_load_idx %arg25[%add3A_190, %broadcast_in_dim3A_220] : memref<2048x3xf32, #tpu.memory_space<vmem>>[vector<16xi32>, vector<16xi32>], vector<16xf32>,
          %mul3A_225 = arith.mulf %get3A_169, %gather3A_221 : vector<16xf32>
          %mul3A_226 = arith.mulf %get3A_175, %gather3A_222 : vector<16xf32>
          %add3A_227 = arith.addf %mul3A_225, %mul3A_226 : vector<16xf32>
          %mul3A_228 = arith.mulf %get3A_181, %gather3A_223 : vector<16xf32>
          %add3A_229 = arith.addf %add3A_227, %mul3A_228 : vector<16xf32>
          %mul3A_230 = arith.mulf %get3A_187, %gather3A_224 : vector<16xf32>
          %add3A_231 = arith.addf %add3A_229, %mul3A_230 : vector<16xf32>
          %swap3A_232 = arith.index_cast %mul3A_168 : i32 to index
          %swap3A_233 = tpu.vector_load %arg28[%swap3A_232] {strides = array<i32>} : memref<2048xf32, #tpu.memory_space<vmem>>, vector<16xf32>,
          tpu.vector_store %arg28[%swap3A_232], %add3A_231 {strides = array<i32>} : memref<2048xf32, #tpu.memory_space<vmem>>, vector<16xf32>,
        }
        %scan3A_144 = arith.constant 128 : i32
        %mul3A_145 = arith.constant 3 : i32
        %mul3A_146 = arith.muli %select_n3A, %mul3A_145 : i32
        %add3A_147 = arith.constant 0 : i32
        %add3A_148 = arith.addi %mul3A_146, %add3A_147 : i32
        %mul3A_149 = arith.constant 262144 : i32
        %mul3A_150 = arith.muli %add3A_148, %mul3A_149 : i32
        %add3A_151 = arith.addi %mul3A_150, %add3A_139 : i32
        "tpu.region"() ({
          %run_scoped3A = tpu.sem_alloc : memref<!tpu.dma_semaphore, #tpu.memory_space<semaphore_mem>>
          %dma_start3A = tpu.memref_slice %arg5[%add3A_151] : memref<12582912xf32, #tpu.memory_space<hbm>> -> memref<2048xf32, #tpu.memory_space<hbm>>
          %dma_start3A_166 = tpu.memref_slice %arg5[%add3A_151] : memref<12582912xf32, #tpu.memory_space<hbm>> -> memref<2048xf32, #tpu.memory_space<hbm>>
          tpu.enqueue_dma source(%arg26 : memref<2048xf32, #tpu.memory_space<vmem>>) target(%dma_start3A_166 : memref<2048xf32, #tpu.memory_space<hbm>>) target_semaphore(%run_scoped3A : memref<!tpu.dma_semaphore, #tpu.memory_space<semaphore_mem>>)
          %dma_wait3A = tpu.memref_slice %arg5[%add3A_151] : memref<12582912xf32, #tpu.memory_space<hbm>> -> memref<2048xf32, #tpu.memory_space<hbm>>
          %dma_wait3A_167 = tpu.memref_slice %arg5[%add3A_151] : memref<12582912xf32, #tpu.memory_space<hbm>> -> memref<2048xf32, #tpu.memory_space<hbm>>
          tpu.wait_dma2 semaphore(%run_scoped3A : memref<!tpu.dma_semaphore, #tpu.memory_space<semaphore_mem>>) src(%arg26 : memref<2048xf32, #tpu.memory_space<vmem>>) dst(%dma_wait3A_167 : memref<2048xf32, #tpu.memory_space<hbm>>)
          tpu.yield
        }) : () -> ()
        %mul3A_152 = arith.constant 3 : i32
        %mul3A_153 = arith.muli %select_n3A, %mul3A_152 : i32
        %add3A_154 = arith.constant 1 : i32
        %add3A_155 = arith.addi %mul3A_153, %add3A_154 : i32
        %mul3A_156 = arith.constant 262144 : i32
        %mul3A_157 = arith.muli %add3A_155, %mul3A_156 : i32
        %add3A_158 = arith.addi %mul3A_157, %add3A_139 : i32
        "tpu.region"() ({
          %run_scoped3A = tpu.sem_alloc : memref<!tpu.dma_semaphore, #tpu.memory_space<semaphore_mem>>
          %dma_start3A = tpu.memref_slice %arg5[%add3A_158] : memref<12582912xf32, #tpu.memory_space<hbm>> -> memref<2048xf32, #tpu.memory_space<hbm>>
          %dma_start3A_166 = tpu.memref_slice %arg5[%add3A_158] : memref<12582912xf32, #tpu.memory_space<hbm>> -> memref<2048xf32, #tpu.memory_space<hbm>>
          tpu.enqueue_dma source(%arg27 : memref<2048xf32, #tpu.memory_space<vmem>>) target(%dma_start3A_166 : memref<2048xf32, #tpu.memory_space<hbm>>) target_semaphore(%run_scoped3A : memref<!tpu.dma_semaphore, #tpu.memory_space<semaphore_mem>>)
          %dma_wait3A = tpu.memref_slice %arg5[%add3A_158] : memref<12582912xf32, #tpu.memory_space<hbm>> -> memref<2048xf32, #tpu.memory_space<hbm>>
          %dma_wait3A_167 = tpu.memref_slice %arg5[%add3A_158] : memref<12582912xf32, #tpu.memory_space<hbm>> -> memref<2048xf32, #tpu.memory_space<hbm>>
          tpu.wait_dma2 semaphore(%run_scoped3A : memref<!tpu.dma_semaphore, #tpu.memory_space<semaphore_mem>>) src(%arg27 : memref<2048xf32, #tpu.memory_space<vmem>>) dst(%dma_wait3A_167 : memref<2048xf32, #tpu.memory_space<hbm>>)
          tpu.yield
        }) : () -> ()
        %mul3A_159 = arith.constant 3 : i32
        %mul3A_160 = arith.muli %select_n3A, %mul3A_159 : i32
        %add3A_161 = arith.constant 2 : i32
        %add3A_162 = arith.addi %mul3A_160, %add3A_161 : i32
        %mul3A_163 = arith.constant 262144 : i32
        %mul3A_164 = arith.muli %add3A_162, %mul3A_163 : i32
        %add3A_165 = arith.addi %mul3A_164, %add3A_139 : i32
        "tpu.region"() ({
          %run_scoped3A = tpu.sem_alloc : memref<!tpu.dma_semaphore, #tpu.memory_space<semaphore_mem>>
          %dma_start3A = tpu.memref_slice %arg5[%add3A_165] : memref<12582912xf32, #tpu.memory_space<hbm>> -> memref<2048xf32, #tpu.memory_space<hbm>>
          %dma_start3A_166 = tpu.memref_slice %arg5[%add3A_165] : memref<12582912xf32, #tpu.memory_space<hbm>> -> memref<2048xf32, #tpu.memory_space<hbm>>
          tpu.enqueue_dma source(%arg28 : memref<2048xf32, #tpu.memory_space<vmem>>) target(%dma_start3A_166 : memref<2048xf32, #tpu.memory_space<hbm>>) target_semaphore(%run_scoped3A : memref<!tpu.dma_semaphore, #tpu.memory_space<semaphore_mem>>)
          %dma_wait3A = tpu.memref_slice %arg5[%add3A_165] : memref<12582912xf32, #tpu.memory_space<hbm>> -> memref<2048xf32, #tpu.memory_space<hbm>>
          %dma_wait3A_167 = tpu.memref_slice %arg5[%add3A_165] : memref<12582912xf32, #tpu.memory_space<hbm>> -> memref<2048xf32, #tpu.memory_space<hbm>>
          tpu.wait_dma2 semaphore(%run_scoped3A : memref<!tpu.dma_semaphore, #tpu.memory_space<semaphore_mem>>) src(%arg28 : memref<2048xf32, #tpu.memory_space<vmem>>) dst(%dma_wait3A_167 : memref<2048xf32, #tpu.memory_space<hbm>>)
          tpu.yield
        }) : () -> ()
      } else {
      }
      %add3A_123 = arith.constant 2 : i32
      %add3A_124 = arith.addi %mul3A_62, %add3A_123 : i32
      %lt3A_125 = arith.constant 64 : i32
      %lt3A_126 = arith.cmpi slt, %add3A_124, %lt3A_125 : i32
      %convert_element_type3A_127 = arith.extui %lt3A_126 : i1 to i32
      %cond3A_128 = arith.constant 0 : i32
      %cond3A_129 = arith.cmpi ne, %convert_element_type3A_127, %cond3A_128 : i32
      scf.if %cond3A_129 {
        %scan3A_130 = arith.constant 0 : i32
        %scan3A_131 = arith.constant 16 : i32
        %scan3A_132 = arith.addi %scan3A_130, %scan3A_131 : i32
        %scan3A_133 = arith.constant 1 : i32
        scf.for %scan3A_135 = %scan3A_130 to %scan3A_132 step %scan3A_133  : i32 {
          %mul3A_136 = arith.constant 128 : i32
          %mul3A_137 = arith.muli %scan3A_135, %mul3A_136 : i32
          %mul3A_138 = arith.constant 128 : i32
          %mul3A_139 = arith.muli %scan3A_135, %mul3A_138 : i32
          %dma_start3A = arith.constant 0 : i32
          %dma_start3A_140 = tpu.memref_slice %arg22[%mul3A_139, %dma_start3A] : memref<2048x3xf32, #tpu.memory_space<vmem>> -> memref<128x3xf32, #tpu.memory_space<vmem>>
          %dma_start3A_141 = tpu.memref_slice %arg12[%mul3A_137] : memref<2048xi32, #tpu.memory_space<vmem>> -> memref<128xi32, #tpu.memory_space<vmem>>
          %dma_start3A_142 = arith.constant 0 : i32
          %dma_start3A_143 = arith.constant 0 : i32
          %dma_start3A_144 = tpu.memref_slice %arg6[%dma_start3A_142, %dma_start3A_143] : memref<4194304x3xf32, #tpu.memory_space<hbm>> -> memref<4194304x3xf32, #tpu.memory_space<hbm>>
          tpu.enqueue_indirect_dma source(%dma_start3A_144 : memref<4194304x3xf32, #tpu.memory_space<hbm>>) target(%dma_start3A_140 : memref<128x3xf32, #tpu.memory_space<vmem>>) offsets(%dma_start3A_141 : memref<128xi32, #tpu.memory_space<vmem>>) semaphore(%arg30 : memref<!tpu.dma_semaphore, #tpu.memory_space<semaphore_mem>>)
          %mul3A_145 = arith.constant 128 : i32
          %mul3A_146 = arith.muli %scan3A_135, %mul3A_145 : i32
          %mul3A_147 = arith.constant 128 : i32
          %mul3A_148 = arith.muli %scan3A_135, %mul3A_147 : i32
          %dma_start3A_149 = arith.constant 0 : i32
          %dma_start3A_150 = tpu.memref_slice %arg23[%mul3A_148, %dma_start3A_149] : memref<2048x3xf32, #tpu.memory_space<vmem>> -> memref<128x3xf32, #tpu.memory_space<vmem>>
          %dma_start3A_151 = tpu.memref_slice %arg13[%mul3A_146] : memref<2048xi32, #tpu.memory_space<vmem>> -> memref<128xi32, #tpu.memory_space<vmem>>
          %dma_start3A_152 = arith.constant 0 : i32
          %dma_start3A_153 = arith.constant 0 : i32
          %dma_start3A_154 = tpu.memref_slice %arg6[%dma_start3A_152, %dma_start3A_153] : memref<4194304x3xf32, #tpu.memory_space<hbm>> -> memref<4194304x3xf32, #tpu.memory_space<hbm>>
          tpu.enqueue_indirect_dma source(%dma_start3A_154 : memref<4194304x3xf32, #tpu.memory_space<hbm>>) target(%dma_start3A_150 : memref<128x3xf32, #tpu.memory_space<vmem>>) offsets(%dma_start3A_151 : memref<128xi32, #tpu.memory_space<vmem>>) semaphore(%arg30 : memref<!tpu.dma_semaphore, #tpu.memory_space<semaphore_mem>>)
          %mul3A_155 = arith.constant 128 : i32
          %mul3A_156 = arith.muli %scan3A_135, %mul3A_155 : i32
          %mul3A_157 = arith.constant 128 : i32
          %mul3A_158 = arith.muli %scan3A_135, %mul3A_157 : i32
          %dma_start3A_159 = arith.constant 0 : i32
          %dma_start3A_160 = tpu.memref_slice %arg24[%mul3A_158, %dma_start3A_159] : memref<2048x3xf32, #tpu.memory_space<vmem>> -> memref<128x3xf32, #tpu.memory_space<vmem>>
          %dma_start3A_161 = tpu.memref_slice %arg14[%mul3A_156] : memref<2048xi32, #tpu.memory_space<vmem>> -> memref<128xi32, #tpu.memory_space<vmem>>
          %dma_start3A_162 = arith.constant 0 : i32
          %dma_start3A_163 = arith.constant 0 : i32
          %dma_start3A_164 = tpu.memref_slice %arg6[%dma_start3A_162, %dma_start3A_163] : memref<4194304x3xf32, #tpu.memory_space<hbm>> -> memref<4194304x3xf32, #tpu.memory_space<hbm>>
          tpu.enqueue_indirect_dma source(%dma_start3A_164 : memref<4194304x3xf32, #tpu.memory_space<hbm>>) target(%dma_start3A_160 : memref<128x3xf32, #tpu.memory_space<vmem>>) offsets(%dma_start3A_161 : memref<128xi32, #tpu.memory_space<vmem>>) semaphore(%arg30 : memref<!tpu.dma_semaphore, #tpu.memory_space<semaphore_mem>>)
          %mul3A_165 = arith.constant 128 : i32
          %mul3A_166 = arith.muli %scan3A_135, %mul3A_165 : i32
          %mul3A_167 = arith.constant 128 : i32
          %mul3A_168 = arith.muli %scan3A_135, %mul3A_167 : i32
          %dma_start3A_169 = arith.constant 0 : i32
          %dma_start3A_170 = tpu.memref_slice %arg25[%mul3A_168, %dma_start3A_169] : memref<2048x3xf32, #tpu.memory_space<vmem>> -> memref<128x3xf32, #tpu.memory_space<vmem>>
          %dma_start3A_171 = tpu.memref_slice %arg15[%mul3A_166] : memref<2048xi32, #tpu.memory_space<vmem>> -> memref<128xi32, #tpu.memory_space<vmem>>
          %dma_start3A_172 = arith.constant 0 : i32
          %dma_start3A_173 = arith.constant 0 : i32
          %dma_start3A_174 = tpu.memref_slice %arg6[%dma_start3A_172, %dma_start3A_173] : memref<4194304x3xf32, #tpu.memory_space<hbm>> -> memref<4194304x3xf32, #tpu.memory_space<hbm>>
          tpu.enqueue_indirect_dma source(%dma_start3A_174 : memref<4194304x3xf32, #tpu.memory_space<hbm>>) target(%dma_start3A_170 : memref<128x3xf32, #tpu.memory_space<vmem>>) offsets(%dma_start3A_171 : memref<128xi32, #tpu.memory_space<vmem>>) semaphore(%arg30 : memref<!tpu.dma_semaphore, #tpu.memory_space<semaphore_mem>>)
        }
        %scan3A_134 = arith.constant 16 : i32
      } else {
      }
    }
    %scan3A_59 = arith.constant 32 : i32
    return
  }
}

</mosaic_0001>

<sc_bundles>
// kernel: kernel.3.cloned.1.call-start
scs
__scs_entry_jumppad:
0x0: {  	(pc) =	sbr.rel $0x88, $3  }
0x1: {  	(tag) =	ssettag $0x0;
	lr =	simm.s32 $0x1  }
0x2: {  	[smem:$0x3F9C] =	sst lr;
	_ =	strace $0xD0000000  }
0x3: {  	_ = 	snop  }
0x4: {  	_ = 	snop  }
0x5: {  	_ = 	snop  }
0x6: {  	_ = 	snop  }
0x7: {  	_ = 	snop  }
__scs_overlays_trampoline_lowered:
0x8: {  	[smem:$0x3FAB] =	sst s0  }
0x9: {  	[smem:$0x3FAC] =	sst s1  }
0xa: {  	[smem:$0x3FAD] =	sst s2  }
0xb: {  	[smem:$0x3FAE] =	sst s3  }
0xc: {  	[smem:$0x3FAF] =	sst s4  }
0xd: {  	[smem:$0x3FB0] =	sst s5  }
0xe: {  	[smem:$0x3FB1] =	sst s6  }
0xf: {  	[smem:$0x3FB2] =	sst s7  }
0x10: {  	[smem:$0x3FB3] =	sst s8  }
0x11: {  	[smem:$0x3FB4] =	sst s9;
	s0 =	simm.s32 @!p0 $0x0  }
0x12: {  	s1 =	sld [smem:$0x3F9A];
	s0 =	simm.s32 @p0 $0x1  }
0x13: {  	[smem:$0x3FB5] =	sst s0;
	s0 =	simm.s32 @!p1 $0x0  }
0x14: {  	s2 =	sld [smem:$0x3F99];
	s0 =	simm.s32 @p1 $0x1  }
0x15: {  	[smem:$0x3FB6] =	sst s0;
	s0 =	simm.s32 @!p2 $0x0  }
0x16: {  	s3 =	sld [smem:$0x3FDB];
	s0 =	simm.s32 @p2 $0x1  }
0x17: {  	s4 =	simm.s32 $0x1BF5;
	[smem:$0x3FB8] =	sst s0  }
0x18: {  	s0 =	sld [smem:$0x3F9B];
	_ =	swait.ge [sflag:s4], $0x0  }
0x19: {  	s7 =	sld [smem:$0x3F9C]  }
0x1a: {  	s8 =	sadd.s32 $0xFFFFE003, lr  }
0x1b: {  	s9 =	sadd.s32 $0xFFFFFEF7, lr;
	s5 =	simm.s32 $0xFFFFFFFF;
	p2 =	slt.u32 s8, $0xFFFFF086  }
0x1c: {  	p1 =	slt.u32 s9, $0xF7A;
	s5 =	simm.s32 @!p2 $0x0  }
0x1d: {  	s5 =	simm.s32 @p1 $0x1;
	p0 =	seq.s32 s7, s2  }
0x1e: {  	s7 =	smul.u32 @!p0 $0xF7A, s2;
	p2 =	seq.s32 @!p0 s5, $0x0  }
0x1f: {  	s9 =	smul.u32 $0xF7A, s1;
	s8 =	simm.s32 @!p0 $0x1BF5;
	p2 =	por !p2, p0  }
0x20: {  	[sflag:s8] =	ssyncset.s32 @!p0 $0xFFFFF086;
	s6 =	sadd.s32 @!p0 s3, s7;
	s7 =	simm.s32 @!p0 $0x108  }
0x21: {  	s3 =	sadd.s32 s3, s9;
	s6 =	sadd.s32 @!p0 $0x88, s6;
	s7 =	simm.s32 @p2 $0x1082  }
0x22: {  	[simem:s7], [sflag:s8] =	dma.local @!p0 [hbm:s6], $0xF7A  }
0x23: {  	s9 =	sor.u32 $0xD0000000, s2;
	s6 =	simm.s32 $0x108;
	_ =	swait.ge @!p0 [sflag:s8], $0x0  }
0x24: {  	s3 =	sadd.s32 $0x88, s3;
	s6 =	simm.s32 @!p1 $0x1082;
	[sflag:s4] =	ssyncset.s32 $0xFFFFF086  }
0x25: {  	[simem:s6], [sflag:s4] =	dma.local [hbm:s3], $0xF7A  }
0x26: {  	[smem:$0x3F9C] =	sst s1;
	(tag) =	ssettag s2;
	_ =	strace s9  }
0x27: {  	s1 =	sld [smem:$0x3FAC]  }
0x28: {  	s2 =	sld [smem:$0x3FAD]  }
0x29: {  	s4 =	sld [smem:$0x3FAF]  }
0x2a: {  	p0 =	seq.s32 s5, $0x0;
	s5 =	sld [smem:$0x3FB0]  }
0x2b: {  	s6 =	sld [smem:$0x3FB1]  }
0x2c: {  	s7 =	sld [smem:$0x3FB2]  }
0x2d: {  	s3 =	simm.s32 $0x108;
	s8 =	sld [smem:$0x3FB3]  }
0x2e: {  	s3 =	simm.s32 @!p0 $0x1082;
	s9 =	sld [smem:$0x3FB4]  }
0x2f: {  	lr =	sadd.s32 s0, s3;
	s0 =	sld [smem:$0x3FAB]  }
0x30: {  	s3 =	sld [smem:$0x3FAE]  }
0x31: {  	[smem:$0x3FB7] =	sst s10  }
0x32: {  	s10 =	sld [smem:$0x3FB5];
	_ =	sdelay $0x3  }
0x33: {  	p0 =	seq.s32 s10, $0x1;
	s10 =	sld [smem:$0x3FB7];
	_ =	sdelay $0x3  }
0x34: {  	[smem:$0x3FB7] =	sst s10  }
0x35: {  	s10 =	sld [smem:$0x3FB6];
	_ =	sdelay $0x3  }
0x36: {  	p1 =	seq.s32 s10, $0x1;
	s10 =	sld [smem:$0x3FB7];
	_ =	sdelay $0x3  }
0x37: {  	[smem:$0x3FB7] =	sst s10  }
0x38: {  	s10 =	sld [smem:$0x3FB8]  }
0x39: {  	_ = 	snop;
	(pc) =	sbr.ind lr, $3  }
0x3a: {  	_ = 	snop  }
0x3b: {  	_ = 	snop  }
0x3c: {  	p2 =	seq.s32 s10, $0x1;
	s10 =	sld [smem:$0x3FB7]  }
0x3d: {  	_ =	shalt  }
0x3e: {  	_ =	shalt  }
0x3f: {  	_ =	shalt  }
0x40: {  	_ =	shalt  }
0x41: {  	_ =	shalt  }
0x42: {  	_ =	shalt  }
0x43: {  	_ =	shalt  }
0x44: {  	_ =	shalt  }
0x45: {  	_ =	shalt  }
0x46: {  	_ =	shalt  }
0x47: {  	_ =	shalt  }
0x48: {  	_ =	shalt  }
0x49: {  	_ =	shalt  }
0x4a: {  	_ =	shalt  }
0x4b: {  	_ =	shalt  }
0x4c: {  	_ =	shalt  }
0x4d: {  	_ =	shalt  }
0x4e: {  	_ =	shalt  }
0x4f: {  	_ =	shalt  }
0x50: {  	_ =	shalt  }
0x51: {  	_ =	shalt  }
0x52: {  	_ =	shalt  }
0x53: {  	_ =	shalt  }
0x54: {  	_ =	shalt  }
0x55: {  	_ =	shalt  }
0x56: {  	_ =	shalt  }
0x57: {  	_ =	shalt  }
0x58: {  	_ =	shalt  }
0x59: {  	_ =	shalt  }
0x5a: {  	_ =	shalt  }
0x5b: {  	_ =	shalt  }
0x5c: {  	_ =	shalt  }
0x5d: {  	_ =	shalt  }
0x5e: {  	_ =	shalt  }
0x5f: {  	_ =	shalt  }
0x60: {  	_ =	shalt  }
0x61: {  	_ =	shalt  }
0x62: {  	_ =	shalt  }
0x63: {  	_ =	shalt  }
0x64: {  	_ =	shalt  }
0x65: {  	_ =	shalt  }
0x66: {  	_ =	shalt  }
0x67: {  	_ =	shalt  }
0x68: {  	_ =	shalt  }
0x69: {  	_ =	shalt  }
0x6a: {  	_ =	shalt  }
0x6b: {  	_ =	shalt  }
0x6c: {  	_ =	shalt  }
0x6d: {  	_ =	shalt  }
0x6e: {  	_ =	shalt  }
0x6f: {  	_ =	shalt  }
0x70: {  	_ =	shalt  }
0x71: {  	_ =	shalt  }
0x72: {  	_ =	shalt  }
0x73: {  	_ =	shalt  }
0x74: {  	_ =	shalt  }
0x75: {  	_ =	shalt  }
0x76: {  	_ =	shalt  }
0x77: {  	_ =	shalt  }
0x78: {  	_ =	shalt  }
0x79: {  	_ =	shalt  }
0x7a: {  	_ =	shalt  }
0x7b: {  	_ =	shalt  }
0x7c: {  	_ =	shalt  }
0x7d: {  	_ =	shalt  }
0x7e: {  	_ =	shalt  }
0x7f: {  	_ =	shalt  }
0x80: {  	_ =	shalt  }
0x81: {  	_ =	shalt  }
0x82: {  	_ =	shalt  }
0x83: {  	_ =	shalt  }
0x84: {  	_ =	shalt  }
0x85: {  	_ =	shalt  }
0x86: {  	_ =	shalt  }
0x87: {  	_ =	shalt  }
.Lfunc_end0:
.L_simem_size_0:
called_computation.1_lowered:
.L_overlay_start_0:
0x88: {  	s2 =	sld [smem:$0x3FD9]  }
0x89: {  	s3 =	sld [smem:$0x3FFE];
	_ =	sdelay $0x1  }
0x8a: {  	s1 =	srdreg.scid  }
0x8b: {  	s0 =	sand.u32 $0x1, s1  }
0x8c: {  	s17 =	sshll.u32 s0, $0xA;
	s2 =	sadd.s32 s3, s2  }
0x8d: {  	s2 =	sadd.s32 s2, s17  }
0x8e: {  	[smem:$0x3FC3] =	sst s2  }
0x8f: {  	_ = 	snop  }
0x90: {  	s2 =	sld [smem:$0x3FD0];
	(tm) =	ssettm $0x1  }
0x91: {  	s18 =	sld [smem:$0x3FFB];
	_ =	sdelay $0x3  }
0x92: {  	_ =	strace s18  }
0x93: {  	s3 =	sld [smem:$0x3FFC];
	_ =	sdelay $0x3  }
0x94: {  	_ =	strace s3  }
0x95: {  	s3 =	sld [smem:$0x3FFD];
	_ =	sdelay $0x3  }
0x96: {  	_ =	strace s3  }
0x97: {  	_ =	strace $0x8FFFFFFF  }
0x98: {  	s19 =	sld [smem:$0x3FDB];
	_ =	sdelay $0x1  }
0x99: {  	s4 =	simm.s32 $_scs_section_size  }
0x9a: {  	s5 =	simm.s32 $_size__tile_overlayer_lowered;
	s6 =	simm.s32 $_tile_overlayer_lowered  }
0x9b: {  	s22 =	simm.s32 $0x1BFF;
	s21 =	sshll.u32 s6, $0x1;
	s3 =	sadd.s32 s4, s19  }
0x9c: {  	s7 =	simm.s32 $0x0;
	s20 =	sshll.u32 s5, $0x1;
	s5 =	sadd.s32 s21, s3  }
0x9d: {  	[timem:s7], [sflag:s22] =	dma.local [hbm:s5], s20  }
0x9e: {  	_ =	swait.ge [sflag:s22], s20  }
0x9f: {  	s4 =	ssub.s32 $0x0, s20;
	[sflag:s22] =	ssyncset.done $0x0  }
0xa0: {  	[sflag:s22] =	ssyncadd.s32 s4;
	_ =	sdelay $0x1  }
0xa1: {  	s23 =	simm.s32 $0x1B8B  }
0xa2: {  	_ =	swait.ge [sflag:s23], $0x1  }
0xa3: {  	[sflag:s23] =	ssyncset.done $0x0  }
0xa4: {  	s25 =	simm.s32 $0x1B8E;
	s24 =	sld [smem:$0x3FFE];
	[sflag:s23] =	ssyncadd.s32 $0xFFFFFFFF  }
0xa5: {  	s26 =	simm.s32 $execute0_lowered;
	[smem:$0x3FD2] =	sst s25  }
0xa6: {  	s5 =	sshll.u32 s26, $0x1;
	_ =	strace $0x80000049;
	[dreg:$0x1] =	wrdreg $0xFFFFFFFF  }
0xa7: {  	s28 =	simm.s32 $_size_execute0_lowered;
	s3 =	sadd.s32 s3, s5;
	[dreg:$0x0] =	wrdreg $0x0  }
0xa8: {  	s5 =	sshll.u32 s28, $0x1;
	[dreg:$0x2] =	wrdreg s3  }
0xa9: {  	[dreg:$0x3] =	wrdreg s5  }
0xaa: {  	[dreg:$0x4] =	wrdreg $0xC0  }
0xab: {  	_ =	task [dreg:s7], $0x5FFFF  }
0xac: {  	[dreg:$0x1] =	wrdreg $0xFFFFFFFF  }
0xad: {  	[dreg:$0x0] =	wrdreg $0x60  }
0xae: {  	[dreg:$0x2] =	wrdreg s24  }
0xaf: {  	[dreg:$0x3] =	wrdreg s2  }
0xb0: {  	[dreg:$0x4] =	wrdreg $0x9  }
0xb1: {  	_ =	task.clear_ibuf [dreg:s7], $0x5FFFF;
	_ =	strace $0x90000049  }
0xb2: {  	s29 =	simm.s32 $0x9;
	_ =	strace $0x8000004B  }
0xb3: {  	_ =	swait.ge [sflag:s29], $0x1  }
0xb4: {  	[sflag:s29] =	ssyncadd.s32 $0xFFFFFFFF  }
0xb5: {  	_ =	strace $0x9000004B  }
0xb6: {  	_ =	sfence  }
0xb7: {  	s30 =	sld [smem:$0x0];
	_ =	sdelay $0x2  }
0xb8: {  	s31 =	sshll.u32 s1, $0xD;
	s1 =	sshrl.u32 s1, $0x2  }
0xb9: {  	s3 =	sand.u32 $0x4000, s31;
	s1 =	sadd.s32 s1, s30  }
0xba: {  	s0 =	sor.u32 s3, s0;
	s1 =	sshll.u32 s1, $0x11  }
0xbb: {  	s0 =	sor.u32 s1, s0  }
0xbc: {  	s0 =	sadd.s32 $0x8F2B, s0  }
0xbd: {  	[sflag:s0] =	ssyncadd.remote.s32 $0x1  }
0xbe: {  	_ =	sfence.sel $0xFFFF  }
0xbf: {  	[dreg:$0x0] =	wrdreg $0xFFFFFFFF;
	(pc) =	sbr.abs _section_cstart, $3  }
0xc0: {  	[dreg:$0x1] =	wrdreg $0xFFFFFFFF  }
0xc1: {  	_ =	task.clear_ibuf [dreg:s7], $0x2FFFF;
	_ =	strace $0x9FFFFFFF  }
0xc2: {  	(tm) =	ssettm $0x7FFFFFFF  }
0xc3: {  	_ =	shalt  }
tec
execute0_lowered:
.L_overlay_start_1:
0x0: {  	(tag) =	ssettag $0x1  }
0x1: {  	s0 =	rddreg [dreg:$0x0]  }
0x2: {  	s1 =	rddreg [dreg:$0x1];
	s2 =	srdreg.scid;
	s19 =	simm.s32 $0x0  }
0x3: {  	s8 =	stileid.u32;
	s11 =	simm.s32 $0x1;
	s28 =	simm.s32 $0xE000  }
0x4: {  	s29 =	simm.s32 $0x12000;
	s30 =	simm.s32 $0x16000;
	s2 =	sand.u32 $0x1, s2  }
0x5: {  	[smem:$0x7FF] =	sst s19;
	s5 =	sand.u32 $0x1, s8;
	s4 =	sadd.s32 $0x81600, s0  }
0x6: {  	s6 =	sadd.s32 $0x501600, s0;
	s7 =	sadd.s32 $0x101600, s0;
	s3 =	sshll.u32 s2, $0x4  }
0x7: {  	s18 =	sshll.u32 s8, $0x11;
	_ =	strace $0x8000004A;
	s3 =	sor.u32 s8, s3  }
0x8: {  	p1 =	seq.s32 s5, $0x1;
	s5 =	sadd.s32 $0x1600, s0;
	p0 =	seq.s32 s3, $0x0  }
0x9: {  	s0 =	simm.s32 $0x1;
	s2 =	ssub.s32 $0x2, s2;
	p0 =	por !p0, !p1  }
0xa: {  	s10 =	sshrl.u32 s2, $0x1;
	s8 =	sand.u32 $0x20000, s18;
	p0 =	por !p0, !p0  }
0xb: {  	s3 =	sshrl.u32 s3, $0x1;
	s31 =	sor.u32 $0x800, s8;
	s0 =	simm.s32 @!p0 $0x0  }
0xc: {  	s20 =	ssub.s32 s2, s10;
	[dreg:$0x7] =	wrdreg s31;
	s0 =	ssub.s32 s3, s0  }
0xd: {  	s9 =	smul.u32 $0xC0000, s0;
	s14 =	sshll.u32 s0, $0x12;
	s0 =	smax.u32 s20, $0x1  }
0xe: {  	s20 =	simm.s32 $0x2;
	s21 =	sor.u32 s8, s14;
	[dreg:$0x9] =	wrdreg s0  }
0xf: {  	s23 =	sand.u32 $0x1FFC0000, s14;
	[dreg:$0x3] =	wrdreg s14;
	s12 =	sadd.s32 $0x40000, s9  }
.Ltmp0:
0x10: {  	s24 =	sshrl.u32 s21, $0x3;
	s2 =	sor.u32 $0x1000, s21;
	(pc) =	sbr.rel .LBB2_1-.Ltmp0, $4  }
0x11: {  	s13 =	sadd.s32 $0x80000, s9;
	s22 =	sadd.s32 s7, s23;
	[dreg:$0x8] =	wrdreg s2  }
0x12: {  	s21 =	simm.s32 $0x1B800;
	s25 =	sadd.s32 s4, s24;
	[dreg:$0x4] =	wrdreg s22  }
0x13: {  	v1 =	vlaneseq.u32;
	s23 =	simm.s32 $0x80;
	s26 =	sadd.s32 s5, s24;
	[dreg:$0x5] =	wrdreg s25  }
0x14: {  	v2 =	vimm.f32 $0.0e+00;
	v1 =	vmul.u32 $0x8, v1;
	v0 =	vmov s14;
	s2 =	simm.s32 $0x0;
	[dreg:$0x6] =	wrdreg s26;
	s26 =	simm.s32 $0xA000  }
.LBB2_36:
0x15: {  	s2 =	rddreg [dreg:$0xa]  }
0x16: {  	s0 =	rddreg [dreg:$0x9];
	s2 =	sadd.s32 $0x1, s2  }
0x17: {  	p0 =	sne.s32 s2, s0  }
.Ltmp1:
0x18: {  	_ = 	snop;
	(pc) =	sbr.rel @!p0 .LBB2_37-.Ltmp1, $2  }
0x19: {  	_ =	sdelay $0x2  }
0x1a: {  	s19 =	simm.s32 $0x0;
	s22 =	rddreg [dreg:$0x4]  }
.LBB2_1:
0x1b: {  	s3 =	simm.s32 $0x0  }
.LBB2_2:
0x1c: {  	s10 =	sshll.u32 s3, $0xB  }
0x1d: {  	s10 =	sadd.s32 s8, s10  }
0x1e: {  	s14 =	sor.u32 s9, s10  }
0x1f: {  	s14 =	sshrl.u32 s14, $0x3  }
0x20: {  	s17 =	simm.s32 $0x0;
	s15 =	sadd.s32 s1, s14;
	s14 =	simm.s32 $0x1A000  }
0x21: {  	[tilespmem:s14], [sflag:$0x2] =	stream.linear.gather [hbm4b:s15+s17], $0x800, $0x38;
	[tilespmem:$0x1F800] =	vst v63  }
0x22: {  	s24 =	sadd.s32 s12, s10;
	_ =	swait.ge [sflag:s20], $0x800  }
0x23: {  	s15 =	sshrl.u32 s24, $0x3;
	[sflag:s20] =	ssyncset.done $0x0  }
0x24: {  	s16 =	sadd.s32 s1, s15;
	s15 =	simm.s32 $0x1A800;
	[sflag:s20] =	ssyncadd.s32 $0xFFFFF800  }
0x25: {  	[tilespmem:s15], [sflag:$0x2] =	stream.linear.gather [hbm4b:s16+s17], $0x800, $0x38;
	[tilespmem:$0x1F800] =	vst v63  }
0x26: {  	s25 =	sadd.s32 s13, s10;
	_ =	swait.ge [sflag:s20], $0x800  }
0x27: {  	s16 =	sshrl.u32 s25, $0x3;
	[sflag:s20] =	ssyncset.done $0x0  }
0x28: {  	s18 =	sadd.s32 s1, s16;
	s16 =	simm.s32 $0x1B000;
	[sflag:s20] =	ssyncadd.s32 $0xFFFFF800  }
0x29: {  	[tilespmem:s16], [sflag:$0x2] =	stream.linear.gather [hbm4b:s18+s17], $0x800, $0x38;
	[tilespmem:$0x1F800] =	vst v63  }
0x2a: {  	_ =	swait.ge [sflag:s20], $0x800  }
0x2b: {  	v3 =	vmov s17;
	[sflag:s20] =	ssyncset.done $0x0  }
0x2c: {  	v3 =	vshll.u32 v3, $0x3;
	[sflag:s20] =	ssyncadd.s32 $0xFFFFF800  }
0x2d: {  	v5 =	vor.u32 v1, v3;
	v4 =	vld [tilespmem:s14+$0x0];
	_ =	sdelay $0x4  }
0x2e: {  	[tilespmem:v5+s21+$0x0] =	vst.idx.msk $0xffff, v4  }
0x2f: {  	v4 =	vor.u32 $0x1, v5;
	v3 =	vld [tilespmem:s15+$0x0];
	_ =	sdelay $0x4  }
0x30: {  	[tilespmem:v4+s21+$0x0] =	vst.idx.msk $0xffff, v3  }
0x31: {  	v4 =	vor.u32 $0x2, v5;
	v3 =	vld [tilespmem:s16+$0x0];
	_ =	sdelay $0x2  }
0x32: {  	s31 =	simm.s32 $0x10  }
0x33: {  	s17 =	simm.s32 $0x20;
	v5 =	vmov s31  }
.LBB2_3:
0x34: {  	p0 =	sne.s32 s17, $0x7F0;
	v5 =	vshll.u32 v5, $0x3;
	[tilespmem:v4+s21+$0x0] =	vst.idx.msk $0xffff, v3;
	s14 =	sadd.s32 $0x10, s14  }
0x35: {  	v3 =	vld [tilespmem:s14+$0x0];
	v4 =	vor.u32 v1, v5;
	_ =	sdelay $0x4  }
0x36: {  	s15 =	sadd.s32 $0x10, s15;
	[tilespmem:v4+s21+$0x0] =	vst.idx.msk $0xffff, v3  }
0x37: {  	v5 =	vor.u32 $0x1, v4;
	v3 =	vld [tilespmem:s15+$0x0];
	_ =	sdelay $0x4  }
0x38: {  	s16 =	sadd.s32 $0x10, s16;
	[tilespmem:v5+s21+$0x0] =	vst.idx.msk $0xffff, v3  }
.Ltmp2:
0x39: {  	v4 =	vor.u32 $0x2, v4;
	v3 =	vld [tilespmem:s16+$0x0];
	(pc) =	sbr.rel @p0 .LBB2_3-.Ltmp2, $2  }
0x3a: {  	_ =	sdelay $0x2  }
0x3b: {  	v5 =	vmov s17;
	s17 =	sadd.s32 $0x10, s17  }
0x3c: {  	_ =	sdelay $0x3  }
0x3d: {  	v5 =	vshll.u32 v5, $0x3;
	[tilespmem:v4+s21+$0x0] =	vst.idx.msk $0xffff, v3;
	s14 =	sadd.s32 $0x10, s14  }
0x3e: {  	v3 =	vld [tilespmem:s14+$0x0];
	v63 =	vor.u32 v1, v5;
	_ =	sdelay $0x4  }
0x3f: {  	s25 =	sadd.s32 $0x10, s15;
	[tilespmem:v63+s21+$0x0] =	vst.idx.msk $0xffff, v3  }
0x40: {  	v5 =	vor.u32 $0x1, v63;
	v3 =	vld [tilespmem:s25+$0x0];
	_ =	sdelay $0x4  }
0x41: {  	s31 =	sadd.s32 $0x10, s16;
	[tilespmem:v5+s21+$0x0] =	vst.idx.msk $0xffff, v3  }
0x42: {  	v4 =	vor.u32 $0x2, v63;
	v3 =	vld [tilespmem:s31+$0x0];
	_ =	sdelay $0x2  }
0x43: {  	s3 =	sadd.s32 $0x1, s3  }
0x44: {  	p0 =	sne.s32 s3, $0x40  }
.Ltmp3:
0x45: {  	s10 =	sadd.s32 s10, s22;
	[tilespmem:v4+s21+$0x0] =	vst.idx.msk $0xffff, v3;
	(pc) =	sbr.rel @p0 .LBB2_2-.Ltmp3, $4  }
0x46: {  	[hbm4b:s10+s19] =	stream.linear.scatter [tilespmem:s21], [sflag:$0x2], $0x4000, $0x38;
	[tilespmem:$0x1F800] =	vst v63  }
0x47: {  	_ =	swait.ge [sflag:s20], $0x4000  }
0x48: {  	[sflag:s20] =	ssyncset.done $0x0  }
0x49: {  	[sflag:s20] =	ssyncadd.s32 $0xFFFFC000  }
0x4a: {  	[dreg:$0xa] =	wrdreg s2  }
0x4b: {  	[bflag:$0x0] =	sbarrier.arrive $0xFFFF  }
0x4c: {  	s3 =	simm.s32 $0x0;
	s0 =	rddreg [dreg:$0x5]  }
0x4d: {  	[tilespmem:s3], [sflag:$0x2] =	stream.linear.gather [hbm4b:s0+s3], $0x800, $0x38;
	[tilespmem:$0x1F800] =	vst v63  }
0x4e: {  	_ =	swait.ge [sflag:s20], $0x800  }
0x4f: {  	[sflag:s20] =	ssyncset.done $0x0  }
0x50: {  	s31 =	simm.s32 $0x1000;
	s25 =	rddreg [dreg:$0x6];
	[sflag:s20] =	ssyncadd.s32 $0xFFFFF800  }
0x51: {  	[tilespmem:s31], [sflag:$0x2] =	stream.linear.gather [hbm4b:s25+s3], $0x800, $0x38;
	[tilespmem:$0x1F800] =	vst v63  }
0x52: {  	_ =	swait.ge [sflag:s20], $0x800  }
0x53: {  	[sflag:s20] =	ssyncset.done $0x0  }
0x54: {  	s15 =	simm.s32 $0x0;
	[sflag:s20] =	ssyncadd.s32 $0xFFFFF800  }
0x55: {  	v5 =	vld [tilespmem:s15+$0x1000]  }
0x56: {  	v7 =	vld [tilespmem:s15+$0x0];
	_ =	sdelay $0x3  }
0x57: {  	v3 =	vmax.f32 v5, $-1.000000000e+09  }
0x58: {  	v4 =	vmax.f32 v7, $-1.000000000e+09;
	v3 =	vmin.f32 v3, $1.000000000e+09  }
0x59: {  	v4 =	vmin.f32 v4, $1.000000000e+09;
	v6 =	vtrunc.f32 v3  }
0x5a: {  	v8 =	vtrunc.f32 v4;
	v6 =	vcvt.f32.s32 v6  }
0x5b: {  	v8 =	vcvt.f32.s32 v8  }
0x5c: {  	v6 =	vcvt.s32.f32 v6  }
0x5d: {  	v8 =	vcvt.s32.f32 v8  }
0x5e: {  	vm0 =	vlt.f32 v3, v6  }
0x5f: {  	vm13 =	vlt.f32 v4, v8;
	v3 =	vsel vm0, $0x3F800000, v2  }
0x60: {  	v4 =	vsel vm13, $0x3F800000, v2;
	v3 =	vsub.f32 v6, v3  }
0x61: {  	v6 =	vsub.f32 v8, v4  }
0x62: {  	s3 =	simm.s32 $0x10;
	v4 =	vmax.f32 v3, $0.0e+00  }
0x63: {  	v8 =	vadd.f32 $1.000000000e+00, v3;
	v3 =	vld [tilespmem:s3+$0x1000];
	v10 =	vadd.f32 $1.000000000e+00, v6;
	v6 =	vmax.f32 v6, $0.0e+00  }
0x64: {  	v9 =	vmin.f32 v4, $5.110000000e+02;
	v12 =	vmin.f32 v6, $5.110000000e+02  }
0x65: {  	v4 =	vld [tilespmem:s3+$0x0];
	v8 =	vmax.f32 v8, $0.0e+00;
	v11 =	vtrunc.f32 v9;
	v6 =	vmax.f32 v10, $0.0e+00  }
0x66: {  	v19 =	vtrunc.f32 v12;
	v8 =	vmin.f32 v8, $5.110000000e+02;
	v11 =	vcvt.f32.s32 v11  }
0x67: {  	v6 =	vmin.f32 v6, $5.110000000e+02;
	v10 =	vtrunc.f32 v8;
	v13 =	vsub.f32 v8, v5  }
0x68: {  	v14 =	vtrunc.f32 v6;
	v10 =	vcvt.f32.s32 v10;
	v8 =	vmax.f32 v3, $-1.000000000e+09  }
0x69: {  	v15 =	vsub.f32 v6, v7;
	v6 =	vcvt.f32.s32 v14;
	v8 =	vmin.f32 v8, $1.000000000e+09  }
0x6a: {  	v14 =	vmax.f32 v4, $-1.000000000e+09;
	v10 =	vshll.u32 v10, $0x9;
	v16 =	vtrunc.f32 v8  }
0x6b: {  	v17 =	vadd.s32 v0, v10;
	v10 =	vmin.f32 v14, $1.000000000e+09;
	v14 =	vcvt.f32.s32 v16  }
0x6c: {  	v62 =	vcvt.f32.s32 v19;
	v5 =	vsub.f32 v5, v9;
	v18 =	vtrunc.f32 v10  }
0x6d: {  	v12 =	vsub.f32 v7, v12;
	v9 =	vcvt.f32.s32 v18;
	v14 =	vcvt.s32.f32 v14  }
0x6e: {  	v7 =	vshll.u32 v11, $0x9;
	v11 =	vmul.f32 v13, v15;
	v15 =	vmul.f32 v15, v5  }
0x6f: {  	v5 =	vmul.f32 v5, v12;
	v9 =	vcvt.s32.f32 v9;
	vm14 =	vlt.f32 v8, v14  }
0x70: {  	[tilespmem:s15+$0x6000] =	vst v11;
	v61 =	vadd.s32 v6, v17;
	v8 =	vadd.s32 v0, v7;
	v63 =	vsel vm14, $0x3F800000, v2  }
0x71: {  	[tilespmem:s15+$0x6800] =	vst v15;
	v7 =	vmul.f32 v13, v12;
	vm15 =	vlt.f32 v10, v9;
	v11 =	vsub.f32 v14, v63  }
0x72: {  	[tilespmem:s15+$0x3800] =	vst v61;
	v13 =	vadd.s32 v62, v17;
	v10 =	vadd.s32 v62, v8;
	v12 =	vsel vm15, $0x3F800000, v2  }
0x73: {  	s16 =	simm.s32 $0x20;
	s10 =	simm.s32 $0xC0;
	[tilespmem:s15+$0x2800] =	vst v13;
	v9 =	vsub.f32 v9, v12;
	v12 =	vmax.f32 v11, $0.0e+00;
	v11 =	vadd.f32 $1.000000000e+00, v11  }
.LBB2_6:
0x74: {  	p0 =	sne.s32 s10, $0x1FC0;
	v13 =	vld [tilespmem:s16+$0x1000];
	v12 =	vmin.f32 v12, $5.110000000e+02;
	[tilespmem:s15+$0x2000] =	vst v10;
	v6 =	vadd.s32 v6, v8  }
0x75: {  	v8 =	vadd.f32 $1.000000000e+00, v9;
	v10 =	vmax.f32 v11, $0.0e+00;
	v11 =	vtrunc.f32 v12;
	[tilespmem:s15+$0x3000] =	vst v6  }
0x76: {  	v6 =	vmax.f32 v9, $0.0e+00;
	v14 =	vld [tilespmem:s16+$0x0];
	v9 =	vmin.f32 v10, $5.110000000e+02;
	v10 =	vcvt.f32.s32 v11;
	[tilespmem:s15+$0x7000] =	vst v7  }
0x77: {  	v7 =	vmin.f32 v6, $5.110000000e+02;
	v6 =	vmax.f32 v8, $0.0e+00;
	v8 =	vtrunc.f32 v9;
	[tilespmem:s15+$0x7800] =	vst v5;
	s15 =	smov.u32 s3;
	s3 =	smov.u32 s16  }
0x78: {  	v9 =	vsub.f32 v9, v3;
	v5 =	vmin.f32 v6, $5.110000000e+02;
	v8 =	vcvt.f32.s32 v8  }
0x79: {  	v6 =	vmax.f32 v13, $-1.000000000e+09;
	v11 =	vtrunc.f32 v5;
	v5 =	vsub.f32 v5, v4  }
0x7a: {  	v15 =	vmin.f32 v6, $1.000000000e+09;
	v6 =	vcvt.f32.s32 v11;
	v8 =	vshll.u32 v8, $0x9  }
0x7b: {  	v11 =	vmax.f32 v14, $-1.000000000e+09;
	v16 =	vtrunc.f32 v15;
	v17 =	vadd.s32 v0, v8  }
0x7c: {  	v11 =	vmin.f32 v11, $1.000000000e+09;
	v8 =	vcvt.f32.s32 v16;
	v16 =	vadd.s32 v6, v17  }
0x7d: {  	v12 =	vsub.f32 v3, v12;
	v19 =	vtrunc.f32 v7;
	v3 =	vmovc v13;
	v18 =	vtrunc.f32 v11;
	[tilespmem:s15+$0x3800] =	vst v16  }
0x7e: {  	v13 =	vcvt.f32.s32 v18;
	v16 =	vcvt.s32.f32 v8;
	v18 =	vsub.f32 v4, v7;
	v4 =	vmovc v14  }
0x7f: {  	v14 =	vcvt.f32.s32 v19;
	v7 =	vshll.u32 v10, $0x9;
	v10 =	vmul.f32 v9, v5  }
.Ltmp4:
0x80: {  	v8 =	vadd.s32 v0, v7;
	v13 =	vcvt.s32.f32 v13;
	vm0 =	vlt.f32 v15, v16;
	(pc) =	sbr.rel @p0 .LBB2_6-.Ltmp4, $4  }
0x81: {  	v19 =	vmul.f32 v5, v12;
	v7 =	vmul.f32 v9, v18;
	v15 =	vsel vm0, $0x3F800000, v2;
	[tilespmem:s15+$0x6000] =	vst v10  }
0x82: {  	v5 =	vmul.f32 v12, v18;
	vm0 =	vlt.f32 v11, v13;
	v11 =	vsub.f32 v16, v15  }
0x83: {  	v10 =	vadd.s32 v14, v8;
	v14 =	vadd.s32 v14, v17;
	v9 =	vsel vm0, $0x3F800000, v2;
	[tilespmem:s15+$0x6800] =	vst v19  }
0x84: {  	s16 =	sshra.s32 s10, $0x2;
	s10 =	sadd.s32 $0x40, s10;
	v9 =	vsub.f32 v13, v9;
	v12 =	vmax.f32 v11, $0.0e+00;
	v11 =	vadd.f32 $1.000000000e+00, v11;
	[tilespmem:s15+$0x2800] =	vst v14  }
0x85: {  	v13 =	vld [tilespmem:s16+$0x1000];
	[tilespmem:s15+$0x2000] =	vst v10;
	v6 =	vadd.s32 v6, v8  }
0x86: {  	v35 =	vmin.f32 v12, $5.110000000e+02;
	[tilespmem:s15+$0x3000] =	vst v6;
	v36 =	vadd.f32 $1.000000000e+00, v9  }
0x87: {  	v37 =	vmax.f32 v11, $0.0e+00;
	v12 =	vtrunc.f32 v35;
	v39 =	vmax.f32 v9, $0.0e+00;
	v38 =	vld [tilespmem:s16+$0x0]  }
0x88: {  	v10 =	vmin.f32 v37, $5.110000000e+02;
	v12 =	vcvt.f32.s32 v12;
	v9 =	vmin.f32 v39, $5.110000000e+02  }
0x89: {  	v8 =	vmax.f32 v36, $0.0e+00;
	v14 =	vtrunc.f32 v10;
	v10 =	vsub.f32 v10, v3  }
0x8a: {  	v3 =	vsub.f32 v3, v35;
	v41 =	vsub.f32 v4, v9;
	v15 =	vmax.f32 v13, $-1.000000000e+09  }
0x8b: {  	v9 =	vtrunc.f32 v9;
	v8 =	vmin.f32 v8, $5.110000000e+02;
	v15 =	vmin.f32 v15, $1.000000000e+09  }
0x8c: {  	v14 =	vcvt.f32.s32 v14;
	v17 =	vmax.f32 v38, $-1.000000000e+09;
	v18 =	vtrunc.f32 v15  }
0x8d: {  	v9 =	vcvt.f32.s32 v9;
	v17 =	vmin.f32 v17, $1.000000000e+09;
	v18 =	vcvt.f32.s32 v18  }
0x8e: {  	v12 =	vshll.u32 v12, $0x9;
	v16 =	vtrunc.f32 v8;
	v19 =	vtrunc.f32 v17  }
0x8f: {  	v8 =	vsub.f32 v8, v4;
	v19 =	vcvt.f32.s32 v19;
	v18 =	vcvt.s32.f32 v18  }
0x90: {  	v12 =	vadd.s32 v0, v12;
	v43 =	vmul.f32 v10, v41;
	v16 =	vcvt.f32.s32 v16  }
0x91: {  	v14 =	vshll.u32 v14, $0x9;
	v19 =	vcvt.s32.f32 v19;
	vm0 =	vlt.f32 v15, v18  }
0x92: {  	v46 =	vadd.s32 v9, v12;
	v14 =	vadd.s32 v0, v14;
	v15 =	vsel vm0, $0x3F800000, v2  }
0x93: {  	v42 =	vmul.f32 v10, v8;
	v15 =	vsub.f32 v18, v15;
	vm15 =	vlt.f32 v17, v19  }
0x94: {  	[tilespmem:s15+$0x7000] =	vst v7;
	v8 =	vmul.f32 v8, v3;
	v3 =	vmul.f32 v3, v41;
	v17 =	vsel vm15, $0x3F800000, v2  }
0x95: {  	[tilespmem:s15+$0x7800] =	vst v5;
	v40 =	vadd.s32 v16, v14;
	v44 =	vsub.f32 v19, v17;
	v45 =	vadd.f32 $1.000000000e+00, v15  }
0x96: {  	[tilespmem:s3+$0x2000] =	vst v46;
	v47 =	vadd.s32 v9, v14;
	v12 =	vadd.s32 v16, v12;
	v48 =	vmax.f32 v15, $0.0e+00  }
0x97: {  	[tilespmem:s3+$0x7000] =	vst v43;
	v6 =	vmin.f32 v48, $5.110000000e+02;
	v49 =	vadd.f32 $1.000000000e+00, v44;
	v50 =	vmax.f32 v45, $0.0e+00  }
0x98: {  	[tilespmem:s3+$0x3800] =	vst v40;
	v51 =	vtrunc.f32 v6;
	v53 =	vmax.f32 v44, $0.0e+00;
	v14 =	vmin.f32 v50, $5.110000000e+02  }
0x99: {  	[tilespmem:s3+$0x6000] =	vst v42;
	v5 =	vmin.f32 v53, $5.110000000e+02;
	v9 =	vmax.f32 v49, $0.0e+00;
	v52 =	vtrunc.f32 v14  }
0x9a: {  	[tilespmem:s3+$0x6800] =	vst v8;
	v56 =	vsub.f32 v14, v13;
	v60 =	vtrunc.f32 v5;
	v5 =	vsub.f32 v38, v5  }
0x9b: {  	[tilespmem:s3+$0x2800] =	vst v47;
	v6 =	vsub.f32 v13, v6;
	v9 =	vmin.f32 v9, $5.110000000e+02;
	v54 =	vcvt.f32.s32 v52  }
0x9c: {  	[tilespmem:s3+$0x3000] =	vst v12;
	v57 =	vtrunc.f32 v9;
	v9 =	vsub.f32 v9, v38;
	v62 =	vmul.f32 v56, v5  }
0x9d: {  	[tilespmem:s3+$0x7800] =	vst v3;
	v63 =	vmul.f32 v6, v5;
	v58 =	vcvt.f32.s32 v57;
	v10 =	vshll.u32 v54, $0x9  }
0x9e: {  	v59 =	vadd.s32 v0, v10;
	[tilespmem:s16+$0x7000] =	vst v62  }
0x9f: {  	v55 =	vcvt.f32.s32 v51;
	v61 =	vmul.f32 v56, v9;
	[tilespmem:s16+$0x7800] =	vst v63;
	v3 =	vadd.s32 v58, v59  }
0xa0: {  	v9 =	vmul.f32 v9, v6;
	[tilespmem:s16+$0x3800] =	vst v3;
	v3 =	vcvt.f32.s32 v60  }
0xa1: {  	v4 =	vshll.u32 v55, $0x9;
	[tilespmem:s16+$0x6000] =	vst v61  }
0xa2: {  	v4 =	vadd.s32 v0, v4;
	[tilespmem:s16+$0x6800] =	vst v9;
	v7 =	vadd.s32 v3, v59  }
0xa3: {  	v3 =	vadd.s32 v3, v4;
	[tilespmem:s16+$0x2800] =	vst v7  }
0xa4: {  	[tilespmem:s16+$0x2000] =	vst v3;
	v3 =	vadd.s32 v58, v4  }
0xa5: {  	s10 =	simm.s32 $0x2000;
	s3 =	simm.s32 $0xA000;
	[tilespmem:s16+$0x3000] =	vst v3  }
0xa6: {  	[tilespmem:s3], [sflag:$0x1] =	stream.indirect.gather [hbm4b:s7+s23], $0x3, s10, s23, $0xb8;
	[tilespmem:$0x1F800] =	vst v63  }
0xa7: {  	s14 =	simm.s32 $0x2800;
	s10 =	simm.s32 $0xE000  }
0xa8: {  	[tilespmem:s10], [sflag:$0x1] =	stream.indirect.gather [hbm4b:s7+s23], $0x3, s14, s23, $0xb8;
	[tilespmem:$0x1F800] =	vst v63  }
0xa9: {  	s25 =	simm.s32 $0x3000;
	s31 =	simm.s32 $0x3800;
	s14 =	simm.s32 $0x12000  }
0xaa: {  	[tilespmem:s14], [sflag:$0x1] =	stream.indirect.gather [hbm4b:s7+s23], $0x3, s25, s23, $0xb8;
	[tilespmem:$0x1F800] =	vst v63  }
0xab: {  	s17 =	simm.s32 $0x400;
	s15 =	simm.s32 $0x16000;
	s16 =	simm.s32 $0x80  }
0xac: {  	[tilespmem:s15], [sflag:$0x1] =	stream.indirect.gather [hbm4b:s7+s23], $0x3, s31, s23, $0xb8;
	[tilespmem:$0x1F800] =	vst v63  }
.LBB2_8:
0xad: {  	p0 =	sne.s32 s17, $0x1E00;
	s18 =	sadd.s32 $0x2000, s16;
	s3 =	sadd.s32 $0x400, s3  }
0xae: {  	[tilespmem:s3], [sflag:$0x1] =	stream.indirect.gather [hbm4b:s7+s23], $0x3, s18, s23, $0xb8;
	[tilespmem:$0x1F800] =	vst v63  }
0xaf: {  	s10 =	sadd.s32 $0x400, s10;
	s18 =	sadd.s32 $0x2800, s16  }
0xb0: {  	[tilespmem:s10], [sflag:$0x1] =	stream.indirect.gather [hbm4b:s7+s23], $0x3, s18, s23, $0xb8;
	[tilespmem:$0x1F800] =	vst v63  }
.Ltmp5:
0xb1: {  	s14 =	sadd.s32 $0x400, s14;
	s18 =	sadd.s32 $0x3000, s16;
	(pc) =	sbr.rel @p0 .LBB2_8-.Ltmp5, $4  }
0xb2: {  	[tilespmem:s14], [sflag:$0x1] =	stream.indirect.gather [hbm4b:s7+s23], $0x3, s18, s23, $0xb8;
	[tilespmem:$0x1F800] =	vst v63  }
0xb3: {  	s15 =	sadd.s32 $0x400, s15;
	s16 =	sadd.s32 $0x3800, s16  }
0xb4: {  	[tilespmem:s15], [sflag:$0x1] =	stream.indirect.gather [hbm4b:s7+s23], $0x3, s16, s23, $0xb8;
	[tilespmem:$0x1F800] =	vst v63  }
0xb5: {  	s16 =	sshra.s32 s17, $0x2;
	s17 =	sadd.s32 $0x200, s17  }
0xb6: {  	s17 =	sadd.s32 $0x2000, s16;
	s3 =	sadd.s32 $0x400, s3  }
0xb7: {  	[tilespmem:s3], [sflag:$0x1] =	stream.indirect.gather [hbm4b:s7+s23], $0x3, s17, s23, $0xb8;
	[tilespmem:$0x1F800] =	vst v63  }
0xb8: {  	s19 =	sadd.s32 $0x2800, s16;
	s10 =	sadd.s32 $0x400, s10  }
0xb9: {  	[tilespmem:s10], [sflag:$0x1] =	stream.indirect.gather [hbm4b:s7+s23], $0x3, s19, s23, $0xb8;
	[tilespmem:$0x1F800] =	vst v63  }
0xba: {  	s22 =	sadd.s32 $0x3000, s16;
	s24 =	sadd.s32 $0x400, s14;
	s25 =	sadd.s32 $0x3800, s16  }
0xbb: {  	[tilespmem:s24], [sflag:$0x1] =	stream.indirect.gather [hbm4b:s7+s23], $0x3, s22, s23, $0xb8;
	[tilespmem:$0x1F800] =	vst v63  }
0xbc: {  	s31 =	sadd.s32 $0x400, s15;
	s16 =	simm.s32 $0x0;
	s19 =	simm.s32 $0x0  }
0xbd: {  	[tilespmem:s31], [sflag:$0x1] =	stream.indirect.gather [hbm4b:s7+s23], $0x3, s25, s23, $0xb8;
	[tilespmem:$0x1F800] =	vst v63  }
.LBB2_10:
0xbe: {  	s22 =	sshll.u32 s19, $0xC;
	s0 =	rddreg [dreg:$0x7]  }
0xbf: {  	s24 =	rddreg [dreg:$0x3];
	s15 =	sadd.s32 s0, s22  }
0xc0: {  	s3 =	sor.u32 s24, s15  }
0xc1: {  	s3 =	sshrl.u32 s3, $0x3  }
0xc2: {  	s25 =	simm.s32 $0x800;
	s10 =	sadd.s32 s4, s3  }
0xc3: {  	[tilespmem:s25], [sflag:$0x2] =	stream.linear.gather [hbm4b:s10+s16], $0x800, $0x38;
	[tilespmem:$0x1F800] =	vst v63  }
0xc4: {  	_ =	swait.ge [sflag:s20], $0x800  }
0xc5: {  	s31 =	simm.s32 $0x1800;
	p2 =	por $0x1, $0x1;
	[sflag:s20] =	ssyncset.done $0x0  }
.Ltmp6:
0xc6: {  	s3 =	sadd.s32 s5, s3;
	[sflag:s20] =	ssyncadd.s32 $0xFFFFF800;
	(pc) =	sbr.rel @!p2 .LBB2_11-.Ltmp6, $4  }
0xc7: {  	[tilespmem:s31], [sflag:$0x2] =	stream.linear.gather [hbm4b:s3+s16], $0x800, $0x38;
	[tilespmem:$0x1F800] =	vst v63  }
0xc8: {  	_ =	swait.ge [sflag:s20], $0x800  }
0xc9: {  	p0 =	por $0x0, $0x0;
	[sflag:s20] =	ssyncset.done $0x0  }
0xca: {  	p1 =	por $0x0, $0x0;
	s3 =	simm.s32 $0x0;
	[sflag:s20] =	ssyncadd.s32 $0xFFFFF800  }
0xcb: {  	v9 =	vld [tilespmem:s3+$0x1800];
	_ =	sdelay $0x1  }
0xcc: {  	v8 =	vld [tilespmem:s3+$0x800];
	_ =	sdelay $0x2  }
0xcd: {  	v3 =	vmax.f32 v9, $-1.000000000e+09  }
0xce: {  	v3 =	vmin.f32 v3, $1.000000000e+09  }
0xcf: {  	v4 =	vmax.f32 v8, $-1.000000000e+09;
	v5 =	vtrunc.f32 v3  }
0xd0: {  	v4 =	vmin.f32 v4, $1.000000000e+09;
	v5 =	vcvt.f32.s32 v5  }
0xd1: {  	v6 =	vtrunc.f32 v4  }
0xd2: {  	v6 =	vcvt.f32.s32 v6;
	v5 =	vcvt.s32.f32 v5  }
0xd3: {  	p2 =	por $0x1, $0x1  }
.Ltmp7:
0xd4: {  	v6 =	vcvt.s32.f32 v6;
	vm0 =	vlt.f32 v3, v5;
	(pc) =	sbr.rel @!p2 .LBB2_13-.Ltmp7, $4  }
0xd5: {  	v3 =	vsel vm0, $0x3F800000, v2  }
0xd6: {  	vm15 =	vlt.f32 v4, v6;
	v3 =	vsub.f32 v5, v3  }
0xd7: {  	v4 =	vsel vm15, $0x3F800000, v2  }
0xd8: {  	s24 =	simm.s32 $0x10;
	p0 =	por $0x1, $0x1;
	v11 =	vsub.f32 v6, v4;
	v14 =	vmax.f32 v3, $0.0e+00;
	v13 =	vadd.f32 $1.000000000e+00, v3  }
0xd9: {  	v3 =	vld [tilespmem:s24+$0x1800];
	v5 =	vmin.f32 v14, $5.110000000e+02  }
0xda: {  	v6 =	vadd.f32 $1.000000000e+00, v11;
	v7 =	vmax.f32 v13, $0.0e+00;
	v10 =	vtrunc.f32 v5  }
0xdb: {  	v4 =	vld [tilespmem:s24+$0x800];
	v11 =	vmax.f32 v11, $0.0e+00;
	v7 =	vmin.f32 v7, $5.110000000e+02;
	v10 =	vcvt.f32.s32 v10  }
0xdc: {  	v11 =	vmin.f32 v11, $5.110000000e+02;
	v6 =	vmax.f32 v6, $0.0e+00;
	v12 =	vtrunc.f32 v7  }
0xdd: {  	v7 =	vsub.f32 v7, v9;
	v19 =	vtrunc.f32 v11;
	v6 =	vmin.f32 v6, $5.110000000e+02  }
0xde: {  	v12 =	vcvt.f32.s32 v12;
	v13 =	vmax.f32 v3, $-1.000000000e+09;
	v14 =	vtrunc.f32 v6  }
0xdf: {  	v15 =	vsub.f32 v6, v8;
	v13 =	vmin.f32 v13, $1.000000000e+09;
	v6 =	vcvt.f32.s32 v14  }
0xe0: {  	v12 =	vshll.u32 v12, $0x9;
	v14 =	vmax.f32 v4, $-1.000000000e+09;
	v16 =	vtrunc.f32 v13  }
0xe1: {  	v17 =	vadd.s32 v0, v12;
	v12 =	vmin.f32 v14, $1.000000000e+09;
	v14 =	vcvt.f32.s32 v16  }
0xe2: {  	v9 =	vsub.f32 v9, v5;
	v10 =	vshll.u32 v10, $0x9;
	v18 =	vtrunc.f32 v12  }
0xe3: {  	v8 =	vsub.f32 v8, v11;
	v5 =	vcvt.f32.s32 v18;
	v14 =	vcvt.s32.f32 v14  }
0xe4: {  	p2 =	por $0x1, $0x1;
	v11 =	vcvt.f32.s32 v19;
	v10 =	vadd.s32 v0, v10;
	v62 =	vmul.f32 v7, v15  }
.Ltmp8:
0xe5: {  	v61 =	vadd.s32 v6, v17;
	v63 =	vcvt.s32.f32 v5;
	vm0 =	vlt.f32 v13, v14;
	(pc) =	sbr.rel @!p2 .LBB2_15-.Ltmp8, $4  }
0xe6: {  	v15 =	vmul.f32 v15, v9;
	[tilespmem:s3+$0x5800] =	vst v61;
	v5 =	vmul.f32 v7, v8;
	v13 =	vsel vm0, $0x3F800000, v2  }
0xe7: {  	[tilespmem:s3+$0x8000] =	vst v62;
	v7 =	vmul.f32 v9, v8;
	vm15 =	vlt.f32 v12, v63;
	v13 =	vsub.f32 v14, v13  }
0xe8: {  	[tilespmem:s3+$0x8800] =	vst v15;
	v9 =	vadd.s32 v11, v17;
	v12 =	vadd.s32 v11, v10;
	v8 =	vsel vm15, $0x3F800000, v2  }
0xe9: {  	s18 =	simm.s32 $0x20;
	s10 =	simm.s32 $0xC0;
	p1 =	por $0x1, $0x1;
	[tilespmem:s3+$0x4800] =	vst v9;
	v11 =	vsub.f32 v63, v8;
	v14 =	vmax.f32 v13, $0.0e+00;
	v13 =	vadd.f32 $1.000000000e+00, v13  }
.LBB2_16:
0xea: {  	p2 =	sne.s32 s10, $0x1FC0;
	v8 =	vld [tilespmem:s18+$0x1800];
	v9 =	vmin.f32 v14, $5.110000000e+02;
	[tilespmem:s3+$0x4000] =	vst v12;
	v6 =	vadd.s32 v6, v10  }
0xeb: {  	v10 =	vadd.f32 $1.000000000e+00, v11;
	v12 =	vmax.f32 v13, $0.0e+00;
	v13 =	vtrunc.f32 v9;
	[tilespmem:s3+$0x5000] =	vst v6  }
0xec: {  	v6 =	vmax.f32 v11, $0.0e+00;
	v14 =	vld [tilespmem:s18+$0x800];
	v11 =	vmin.f32 v12, $5.110000000e+02;
	v12 =	vcvt.f32.s32 v13;
	[tilespmem:s3+$0x9000] =	vst v5  }
0xed: {  	v5 =	vmin.f32 v6, $5.110000000e+02;
	v6 =	vmax.f32 v10, $0.0e+00;
	v10 =	vtrunc.f32 v11;
	[tilespmem:s3+$0x9800] =	vst v7;
	s3 =	smov.u32 s24;
	s24 =	smov.u32 s18  }
0xee: {  	v11 =	vsub.f32 v11, v3;
	v6 =	vmin.f32 v6, $5.110000000e+02;
	v7 =	vcvt.f32.s32 v10  }
0xef: {  	v10 =	vmax.f32 v8, $-1.000000000e+09;
	v13 =	vtrunc.f32 v6;
	v15 =	vsub.f32 v6, v4  }
0xf0: {  	v10 =	vmin.f32 v10, $1.000000000e+09;
	v6 =	vcvt.f32.s32 v13;
	v7 =	vshll.u32 v7, $0x9  }
0xf1: {  	v13 =	vmax.f32 v14, $-1.000000000e+09;
	v16 =	vtrunc.f32 v10;
	v17 =	vadd.s32 v0, v7  }
0xf2: {  	v7 =	vmin.f32 v13, $1.000000000e+09;
	v13 =	vcvt.f32.s32 v16;
	v16 =	vadd.s32 v6, v17  }
0xf3: {  	v9 =	vsub.f32 v3, v9;
	v19 =	vtrunc.f32 v5;
	v3 =	vmovc v8;
	v18 =	vtrunc.f32 v7;
	[tilespmem:s3+$0x5800] =	vst v16  }
0xf4: {  	v16 =	vsub.f32 v4, v5;
	v4 =	vmovc v14;
	v8 =	vcvt.f32.s32 v18;
	v13 =	vcvt.s32.f32 v13  }
0xf5: {  	v14 =	vcvt.f32.s32 v19;
	v5 =	vshll.u32 v12, $0x9;
	v12 =	vmul.f32 v11, v15  }
.Ltmp9:
0xf6: {  	v8 =	vcvt.s32.f32 v8;
	vm0 =	vlt.f32 v10, v13;
	v10 =	vadd.s32 v0, v5;
	(pc) =	sbr.rel @p2 .LBB2_16-.Ltmp9, $4  }
0xf7: {  	v15 =	vmul.f32 v15, v9;
	v5 =	vmul.f32 v11, v16;
	v18 =	vsel vm0, $0x3F800000, v2;
	[tilespmem:s3+$0x8000] =	vst v12  }
0xf8: {  	vm0 =	vlt.f32 v7, v8;
	v13 =	vsub.f32 v13, v18;
	v7 =	vmul.f32 v9, v16  }
0xf9: {  	v12 =	vadd.s32 v14, v10;
	v16 =	vadd.s32 v14, v17;
	v9 =	vsel vm0, $0x3F800000, v2;
	[tilespmem:s3+$0x8800] =	vst v15  }
0xfa: {  	s18 =	sshra.s32 s10, $0x2;
	s10 =	sadd.s32 $0x40, s10;
	v11 =	vsub.f32 v8, v9;
	v14 =	vmax.f32 v13, $0.0e+00;
	v13 =	vadd.f32 $1.000000000e+00, v13;
	[tilespmem:s3+$0x4800] =	vst v16  }
0xfb: {  	s10 =	smov.u32 s3;
	s3 =	smov.u32 s24;
	v9 =	vmov v3;
	v8 =	vmov v4  }
.LBB2_18:
0xfc: {  	v3 =	vld [tilespmem:s18+$0x1800];
	[tilespmem:s10+$0x4000] =	vst @p1 v12;
	v4 =	vadd.s32 @p1 v6, v10;
	v6 =	vmin.f32 @p0 v14, $5.110000000e+02;
	v10 =	vadd.f32 @p0 $1.000000000e+00, v11  }
0xfd: {  	v11 =	vmax.f32 @p0 v11, $0.0e+00;
	[tilespmem:s10+$0x5000] =	vst @p1 v4;
	v4 =	vmax.f32 @p0 v13, $0.0e+00;
	v12 =	vtrunc.f32 @p0 v6  }
0xfe: {  	v11 =	vmin.f32 @p0 v11, $5.110000000e+02;
	v6 =	vsub.f32 @p0 v9, v6;
	v41 =	vld [tilespmem:s18+$0x800];
	v4 =	vmin.f32 @p0 v4, $5.110000000e+02  }
0xff: {  	v12 =	vcvt.f32.s32 @p0 v12;
	v10 =	vmax.f32 @p0 v10, $0.0e+00;
	v14 =	vtrunc.f32 @p0 v4  }
0x100: {  	v10 =	vmin.f32 @p0 v10, $5.110000000e+02;
	v4 =	vsub.f32 @p0 v4, v9;
	v14 =	vcvt.f32.s32 @p0 v14  }
0x101: {  	v16 =	vtrunc.f32 @p0 v10;
	v10 =	vsub.f32 @p0 v10, v8;
	v15 =	vmax.f32 v3, $-1.000000000e+09  }
0x102: {  	v8 =	vsub.f32 @p0 v8, v11;
	v11 =	vtrunc.f32 @p0 v11;
	v15 =	vmin.f32 v15, $1.000000000e+09  }
0x103: {  	v12 =	vshll.u32 @p0 v12, $0x9;
	v17 =	vtrunc.f32 v15;
	v18 =	vmax.f32 v41, $-1.000000000e+09  }
0x104: {  	v16 =	vcvt.f32.s32 @p0 v16;
	v17 =	vcvt.f32.s32 v17;
	v18 =	vmin.f32 v18, $1.000000000e+09  }
0x105: {  	v12 =	vadd.s32 @p0 v0, v12;
	v14 =	vshll.u32 @p0 v14, $0x9;
	v19 =	vtrunc.f32 v18  }
0x106: {  	v14 =	vadd.s32 @p0 v0, v14;
	v17 =	vcvt.s32.f32 v17;
	v19 =	vcvt.f32.s32 v19  }
0x107: {  	[tilespmem:s10+$0x9800] =	vst @p1 v7;
	v11 =	vcvt.f32.s32 @p0 v11;
	v7 =	vpsel p0, v12, v0;
	v9 =	vadd.s32 @p0 v16, v14  }
0x108: {  	vm0 =	vlt.f32 v15, v17;
	v42 =	vcvt.s32.f32 v19;
	v19 =	vmul.f32 @p0 v4, v10  }
0x109: {  	v10 =	vmul.f32 @p0 v10, v6;
	v4 =	vmul.f32 @p0 v4, v8;
	v43 =	vsel vm0, $0x3F800000, v2  }
0x10a: {  	v6 =	vmul.f32 @p0 v6, v8;
	v17 =	vsub.f32 v17, v43;
	vm15 =	vlt.f32 v18, v42  }
0x10b: {  	v18 =	vadd.s32 @p0 v11, v12;
	v11 =	vadd.s32 @p0 v11, v14;
	v12 =	vpsel p0, v16, v0  }
0x10c: {  	v4 =	vpsel p0, v4, v0;
	v6 =	vpsel p0, v6, v0;
	v44 =	vsel vm15, $0x3F800000, v2  }
0x10d: {  	v8 =	vsub.f32 v42, v44;
	v45 =	vmax.f32 v17, $0.0e+00;
	v46 =	vadd.f32 $1.000000000e+00, v17  }
0x10e: {  	[tilespmem:s10+$0x9000] =	vst @p1 v5;
	v15 =	vpsel p0, v18, v0;
	v7 =	vadd.s32 @p0 v12, v7;
	v5 =	vmin.f32 v45, $5.110000000e+02  }
0x10f: {  	[tilespmem:s3+$0x5800] =	vst @p0 v9;
	v47 =	vadd.f32 $1.000000000e+00, v8;
	v14 =	vmax.f32 v46, $0.0e+00;
	v49 =	vtrunc.f32 v5  }
0x110: {  	[tilespmem:s3+$0x8800] =	vst @p0 v10;
	v8 =	vmax.f32 v8, $0.0e+00;
	v48 =	vmin.f32 v14, $5.110000000e+02;
	v10 =	vcvt.f32.s32 v49  }
0x111: {  	[tilespmem:s3+$0x8000] =	vst @p0 v19;
	v54 =	vmin.f32 v8, $5.110000000e+02;
	v9 =	vmax.f32 v47, $0.0e+00;
	v14 =	vtrunc.f32 v48  }
0x112: {  	[tilespmem:s3+$0x4800] =	vst @p0 v11;
	s3 =	smov.u32 @p0 s3;
	v12 =	vsub.f32 v48, v3;
	v3 =	vsub.f32 v3, v5;
	v57 =	vtrunc.f32 v54  }
0x113: {  	[tilespmem:s3+$0x9000] =	vst @p0 v4;
	v4 =	vsub.f32 v41, v54;
	v9 =	vmin.f32 v9, $5.110000000e+02;
	v50 =	vcvt.f32.s32 v14  }
0x114: {  	[tilespmem:s3+$0x4000] =	vst @p0 v15;
	v59 =	vcvt.f32.s32 v57;
	v61 =	vshll.u32 v10, $0x9;
	v51 =	vtrunc.f32 v9  }
0x115: {  	[tilespmem:s3+$0x5000] =	vst @p0 v7;
	v52 =	vsub.f32 v9, v41;
	v7 =	vadd.s32 v0, v61;
	v62 =	vmul.f32 v12, v4  }
0x116: {  	[tilespmem:s3+$0x9800] =	vst @p0 v6;
	v53 =	vcvt.f32.s32 v51;
	v11 =	vshll.u32 v50, $0x9;
	v5 =	vadd.s32 v59, v7  }
0x117: {  	v55 =	vadd.s32 v0, v11;
	[tilespmem:s18+$0x4000] =	vst v5  }
0x118: {  	v58 =	vmul.f32 v12, v52;
	[tilespmem:s18+$0x9000] =	vst v62;
	v56 =	vadd.s32 v53, v55  }
0x119: {  	v60 =	vmul.f32 v52, v3;
	[tilespmem:s18+$0x5800] =	vst v56  }
0x11a: {  	[tilespmem:s18+$0x8000] =	vst v58  }
0x11b: {  	v8 =	vadd.s32 v59, v55;
	[tilespmem:s18+$0x8800] =	vst v60  }
0x11c: {  	v3 =	vmul.f32 v3, v4;
	v63 =	vadd.s32 v53, v7;
	[tilespmem:s18+$0x4800] =	vst v8  }
0x11d: {  	[tilespmem:s18+$0x5000] =	vst v63  }
0x11e: {  	[tilespmem:s18+$0x9800] =	vst v3  }
0x11f: {  	_ =	swait.ge [sflag:s11], $0x180  }
0x120: {  	[sflag:s11] =	ssyncset.done $0x0  }
0x121: {  	[sflag:s11] =	ssyncadd.s32 $0xFFFFFE80  }
0x122: {  	_ =	swait.ge [sflag:s11], $0x180  }
0x123: {  	[sflag:s11] =	ssyncset.done $0x0  }
0x124: {  	[sflag:s11] =	ssyncadd.s32 $0xFFFFFE80  }
0x125: {  	_ =	swait.ge [sflag:s11], $0x180  }
0x126: {  	[sflag:s11] =	ssyncset.done $0x0  }
0x127: {  	[sflag:s11] =	ssyncadd.s32 $0xFFFFFE80  }
0x128: {  	_ =	swait.ge [sflag:s11], $0x180  }
0x129: {  	s3 =	simm.s32 $0xF;
	[sflag:s11] =	ssyncset.done $0x0  }
.LBB2_19:
0x12a: {  	p0 =	sne.s32 s3, $0x1;
	s3 =	sadd.s32 $0xFFFFFFFF, s3;
	[sflag:s11] =	ssyncadd.s32 $0xFFFFFE80  }
0x12b: {  	_ =	swait.ge [sflag:s11], $0x180  }
0x12c: {  	[sflag:s11] =	ssyncset.done $0x0  }
0x12d: {  	[sflag:s11] =	ssyncadd.s32 $0xFFFFFE80  }
0x12e: {  	_ =	swait.ge [sflag:s11], $0x180  }
0x12f: {  	[sflag:s11] =	ssyncset.done $0x0  }
0x130: {  	[sflag:s11] =	ssyncadd.s32 $0xFFFFFE80  }
.Ltmp10:
0x131: {  	_ =	swait.ge [sflag:s11], $0x180;
	(pc) =	sbr.rel @p0 .LBB2_19-.Ltmp10, $4  }
0x132: {  	[sflag:s11] =	ssyncset.done $0x0  }
0x133: {  	[sflag:s11] =	ssyncadd.s32 $0xFFFFFE80  }
0x134: {  	_ =	swait.ge [sflag:s11], $0x180  }
0x135: {  	[sflag:s11] =	ssyncset.done $0x0  }
0x136: {  	s3 =	simm.s32 $0x0  }
0x137: {  	v3 =	vmov s3  }
0x138: {  	v3 =	vshll.u32 v3, $0x3  }
0x139: {  	v3 =	vor.u32 v1, v3;
	_ =	sdelay $0x1  }
0x13a: {  	[sflag:s11] =	ssyncadd.s32 $0xFFFFFE80;
	s25 =	simm.s32 $0x7000  }
0x13b: {  	v4 =	vld [tilespmem:s25+$0xFFFFF000]  }
0x13c: {  	v7 =	vld [tilespmem:s25+$0xFFFFF800]  }
0x13d: {  	v5 =	vld.idx.msk [tilespmem:v3+s26+$0x0], $0xffff  }
0x13e: {  	v6 =	vld.idx.msk [tilespmem:v3+s28+$0x0], $0xffff  }
0x13f: {  	v9 =	vld [tilespmem:s25+$0x0]  }
0x140: {  	v8 =	vld.idx.msk [tilespmem:v3+s29+$0x0], $0xffff  }
0x141: {  	v11 =	vld [tilespmem:s25+$0x800]  }
0x142: {  	v10 =	vld.idx.msk [tilespmem:v3+s30+$0x0], $0xffff  }
0x143: {  	v5 =	vmul.f32 v5, v4;
	v6 =	vmul.f32 v6, v7;
	_ =	sdelay $0x1  }
0x144: {  	v5 =	vadd.f32 v6, v5;
	v6 =	vmul.f32 v8, v9;
	_ =	sdelay $0x1  }
0x145: {  	v8 =	vor.u32 $0x1, v3;
	v5 =	vadd.f32 v6, v5;
	v6 =	vmul.f32 v10, v11;
	_ =	sdelay $0x1  }
0x146: {  	v5 =	vadd.f32 v6, v5  }
0x147: {  	s31 =	simm.s32 $0x1A000  }
0x148: {  	[tilespmem:s31+$0x0] =	vst v5  }
0x149: {  	v5 =	vld.idx.msk [tilespmem:v8+s26+$0x0], $0xffff  }
0x14a: {  	v6 =	vld.idx.msk [tilespmem:v8+s28+$0x0], $0xffff;
	_ =	sdelay $0x1  }
0x14b: {  	v63 =	vld.idx.msk [tilespmem:v8+s29+$0x0], $0xffff;
	_ =	sdelay $0x1  }
0x14c: {  	v8 =	vld.idx.msk [tilespmem:v8+s30+$0x0], $0xffff  }
0x14d: {  	v5 =	vmul.f32 v5, v4;
	v6 =	vmul.f32 v6, v7;
	_ =	sdelay $0x1  }
0x14e: {  	v5 =	vadd.f32 v6, v5;
	v6 =	vmul.f32 v63, v9;
	_ =	sdelay $0x1  }
0x14f: {  	v3 =	vor.u32 $0x2, v3;
	v5 =	vadd.f32 v6, v5;
	v6 =	vmul.f32 v8, v11;
	_ =	sdelay $0x1  }
0x150: {  	v5 =	vadd.f32 v6, v5  }
0x151: {  	s18 =	simm.s32 $0x1A800  }
0x152: {  	[tilespmem:s18+$0x0] =	vst v5  }
0x153: {  	v5 =	vld.idx.msk [tilespmem:v3+s26+$0x0], $0xffff  }
0x154: {  	v6 =	vld.idx.msk [tilespmem:v3+s28+$0x0], $0xffff  }
0x155: {  	v8 =	vld.idx.msk [tilespmem:v3+s29+$0x0], $0xffff  }
0x156: {  	v3 =	vld.idx.msk [tilespmem:v3+s30+$0x0], $0xffff;
	_ =	sdelay $0x3  }
0x157: {  	s10 =	simm.s32 $0x10;
	v4 =	vmul.f32 v5, v4;
	v5 =	vmul.f32 v6, v7  }
0x158: {  	s14 =	simm.s32 $0x20;
	s24 =	simm.s32 $0x1A010;
	v6 =	vmov s10;
	v3 =	vmul.f32 v3, v11  }
0x159: {  	s3 =	simm.s32 $0x1B000;
	s25 =	simm.s32 $0x7010;
	s10 =	simm.s32 $0x1B000;
	v6 =	vshll.u32 v6, $0x3;
	v4 =	vadd.f32 v5, v4;
	v5 =	vmul.f32 v8, v9  }
.LBB2_21:
0x15a: {  	s3 =	sadd.s32 $0x10, s3  }
0x15b: {  	v6 =	vor.u32 v1, v6;
	v4 =	vadd.f32 v5, v4;
	s18 =	sadd.s32 $0x10, s18;
	s17 =	smov.u32 s14;
	s31 =	sadd.s32 $0x10, s14  }
0x15c: {  	p0 =	sne.s32 s14, $0x7F0  }
0x15d: {  	v3 =	vadd.f32 v3, v4;
	_ =	sdelay $0x1  }
0x15e: {  	[tilespmem:s10+$0x0] =	vst v3;
	s10 =	smov.u32 s3  }
0x15f: {  	v3 =	vld [tilespmem:s25+$0xFFFFF000]  }
0x160: {  	v4 =	vld.idx.msk [tilespmem:v6+s26+$0x0], $0xffff  }
0x161: {  	v5 =	vld.idx.msk [tilespmem:v6+s28+$0x0], $0xffff  }
0x162: {  	v7 =	vld [tilespmem:s25+$0xFFFFF800]  }
0x163: {  	v8 =	vld.idx.msk [tilespmem:v6+s29+$0x0], $0xffff  }
0x164: {  	v9 =	vld [tilespmem:s25+$0x0]  }
0x165: {  	v10 =	vld.idx.msk [tilespmem:v6+s30+$0x0], $0xffff  }
0x166: {  	v4 =	vmul.f32 v4, v3;
	v11 =	vld [tilespmem:s25+$0x800]  }
0x167: {  	v5 =	vmul.f32 v5, v7;
	_ =	sdelay $0x1  }
0x168: {  	v4 =	vadd.f32 v5, v4;
	v5 =	vmul.f32 v8, v9;
	_ =	sdelay $0x1  }
0x169: {  	v8 =	vor.u32 $0x1, v6;
	v4 =	vadd.f32 v5, v4;
	v5 =	vmul.f32 v10, v11;
	_ =	sdelay $0x1  }
0x16a: {  	v4 =	vadd.f32 v5, v4;
	_ =	sdelay $0x1  }
0x16b: {  	[tilespmem:s24+$0x0] =	vst v4  }
0x16c: {  	v4 =	vld.idx.msk [tilespmem:v8+s26+$0x0], $0xffff  }
0x16d: {  	v5 =	vld.idx.msk [tilespmem:v8+s28+$0x0], $0xffff;
	_ =	sdelay $0x1  }
0x16e: {  	v10 =	vld.idx.msk [tilespmem:v8+s29+$0x0], $0xffff;
	_ =	sdelay $0x1  }
0x16f: {  	v8 =	vld.idx.msk [tilespmem:v8+s30+$0x0], $0xffff  }
0x170: {  	v4 =	vmul.f32 v4, v3  }
0x171: {  	v5 =	vmul.f32 v5, v7;
	_ =	sdelay $0x1  }
0x172: {  	v4 =	vadd.f32 v5, v4;
	v5 =	vmul.f32 v10, v9;
	_ =	sdelay $0x1  }
0x173: {  	v6 =	vor.u32 $0x2, v6;
	v4 =	vadd.f32 v5, v4;
	v5 =	vmul.f32 v8, v11;
	_ =	sdelay $0x1  }
0x174: {  	v4 =	vadd.f32 v5, v4;
	_ =	sdelay $0x1  }
0x175: {  	[tilespmem:s18+$0x0] =	vst v4  }
0x176: {  	v4 =	vld.idx.msk [tilespmem:v6+s26+$0x0], $0xffff  }
0x177: {  	v5 =	vld.idx.msk [tilespmem:v6+s28+$0x0], $0xffff  }
0x178: {  	v8 =	vld.idx.msk [tilespmem:v6+s29+$0x0], $0xffff  }
0x179: {  	v10 =	vld.idx.msk [tilespmem:v6+s30+$0x0], $0xffff;
	_ =	sdelay $0x2  }
.Ltmp11:
0x17a: {  	v3 =	vmul.f32 v4, v3;
	(pc) =	sbr.rel @p0 .LBB2_21-.Ltmp11, $3  }
0x17b: {  	v4 =	vmul.f32 v5, v7;
	_ =	sdelay $0x1  }
0x17c: {  	v6 =	vmov s17;
	v5 =	vmul.f32 v8, v9;
	v4 =	vadd.f32 v4, v3  }
0x17d: {  	s14 =	smov.u32 s31;
	s25 =	sadd.s32 $0x10, s25;
	s24 =	sadd.s32 $0x10, s24;
	v6 =	vshll.u32 v6, $0x3;
	v3 =	vmul.f32 v10, v11  }
0x17e: {  	v4 =	vadd.f32 v5, v4  }
0x17f: {  	v51 =	vor.u32 v1, v6  }
0x180: {  	v3 =	vadd.f32 v3, v4;
	_ =	sdelay $0x1  }
0x181: {  	[tilespmem:s10+$0x0] =	vst v3  }
0x182: {  	v3 =	vld [tilespmem:s25+$0xFFFFF000]  }
0x183: {  	v52 =	vld.idx.msk [tilespmem:v51+s26+$0x0], $0xffff  }
0x184: {  	v6 =	vld.idx.msk [tilespmem:v51+s28+$0x0], $0xffff  }
0x185: {  	v7 =	vld [tilespmem:s25+$0xFFFFF800]  }
0x186: {  	v8 =	vld.idx.msk [tilespmem:v51+s29+$0x0], $0xffff  }
0x187: {  	v9 =	vld [tilespmem:s25+$0x0]  }
0x188: {  	v10 =	vld.idx.msk [tilespmem:v51+s30+$0x0], $0xffff  }
0x189: {  	v11 =	vld [tilespmem:s25+$0x800]  }
0x18a: {  	v4 =	vmul.f32 v52, v3;
	v6 =	vmul.f32 v6, v7;
	_ =	sdelay $0x1  }
0x18b: {  	v53 =	vmul.f32 v8, v9;
	v4 =	vadd.f32 v6, v4;
	_ =	sdelay $0x1  }
0x18c: {  	v55 =	vor.u32 $0x1, v51;
	v54 =	vmul.f32 v10, v11;
	v4 =	vadd.f32 v53, v4;
	_ =	sdelay $0x1  }
0x18d: {  	v4 =	vadd.f32 v54, v4;
	_ =	sdelay $0x1  }
0x18e: {  	[tilespmem:s24+$0x0] =	vst v4  }
0x18f: {  	v4 =	vld.idx.msk [tilespmem:v55+s26+$0x0], $0xffff  }
0x190: {  	v56 =	vld.idx.msk [tilespmem:v55+s28+$0x0], $0xffff;
	_ =	sdelay $0x1  }
0x191: {  	v57 =	vld.idx.msk [tilespmem:v55+s29+$0x0], $0xffff;
	_ =	sdelay $0x1  }
0x192: {  	v8 =	vld.idx.msk [tilespmem:v55+s30+$0x0], $0xffff  }
0x193: {  	v4 =	vmul.f32 v4, v3;
	v6 =	vmul.f32 v56, v7;
	_ =	sdelay $0x1  }
0x194: {  	v58 =	vmul.f32 v57, v9;
	v4 =	vadd.f32 v6, v4;
	_ =	sdelay $0x1  }
0x195: {  	v5 =	vor.u32 $0x2, v51;
	v59 =	vmul.f32 v8, v11;
	v4 =	vadd.f32 v58, v4;
	_ =	sdelay $0x1  }
0x196: {  	v4 =	vadd.f32 v59, v4  }
0x197: {  	s0 =	sadd.s32 $0x10, s18  }
0x198: {  	[tilespmem:s0+$0x0] =	vst v4  }
0x199: {  	v4 =	vld.idx.msk [tilespmem:v5+s26+$0x0], $0xffff  }
0x19a: {  	v60 =	vld.idx.msk [tilespmem:v5+s28+$0x0], $0xffff;
	_ =	sdelay $0x1  }
0x19b: {  	v61 =	vld.idx.msk [tilespmem:v5+s29+$0x0], $0xffff;
	_ =	sdelay $0x1  }
0x19c: {  	v5 =	vld.idx.msk [tilespmem:v5+s30+$0x0], $0xffff  }
0x19d: {  	v3 =	vmul.f32 v4, v3;
	v62 =	vmul.f32 v60, v7;
	_ =	sdelay $0x1  }
0x19e: {  	v63 =	vmul.f32 v61, v9;
	v3 =	vadd.f32 v62, v3;
	_ =	sdelay $0x1  }
0x19f: {  	v5 =	vmul.f32 v5, v11;
	v3 =	vadd.f32 v63, v3  }
0x1a0: {  	s2 =	sor.u32 s8, s22  }
0x1a1: {  	s14 =	sor.u32 s9, s2;
	v3 =	vadd.f32 v5, v3  }
0x1a2: {  	s3 =	sadd.s32 $0x10, s3;
	s14 =	sshrl.u32 s14, $0x3  }
0x1a3: {  	s18 =	simm.s32 $0x0;
	s17 =	sadd.s32 s6, s14;
	s0 =	simm.s32 $0x1A000;
	[tilespmem:s3+$0x0] =	vst v3  }
0x1a4: {  	[hbm4b:s17+s18] =	stream.linear.scatter [tilespmem:s0], [sflag:$0x2], $0x800, $0x38;
	[tilespmem:$0x1F800] =	vst v63  }
0x1a5: {  	s24 =	sor.u32 s12, s2;
	_ =	swait.ge [sflag:s20], $0x800  }
0x1a6: {  	s3 =	sshrl.u32 s24, $0x3;
	[sflag:s20] =	ssyncset.done $0x0  }
0x1a7: {  	s25 =	simm.s32 $0x1A800;
	s3 =	sadd.s32 s6, s3;
	[sflag:s20] =	ssyncadd.s32 $0xFFFFF800  }
0x1a8: {  	[hbm4b:s3+s18] =	stream.linear.scatter [tilespmem:s25], [sflag:$0x2], $0x800, $0x38;
	[tilespmem:$0x1F800] =	vst v63  }
0x1a9: {  	s2 =	sor.u32 s13, s2;
	_ =	swait.ge [sflag:s20], $0x800  }
0x1aa: {  	s3 =	sshrl.u32 s2, $0x3;
	[sflag:s20] =	ssyncset.done $0x0  }
0x1ab: {  	s10 =	simm.s32 $0x1B000;
	s3 =	sadd.s32 s6, s3;
	[sflag:s20] =	ssyncadd.s32 $0xFFFFF800  }
0x1ac: {  	[hbm4b:s3+s18] =	stream.linear.scatter [tilespmem:s10], [sflag:$0x2], $0x800, $0x38;
	[tilespmem:$0x1F800] =	vst v63  }
0x1ad: {  	s31 =	simm.s32 $0x5800;
	_ =	swait.ge [sflag:s20], $0x800  }
0x1ae: {  	s14 =	simm.s32 $0xA000;
	s24 =	simm.s32 $0x4800;
	[sflag:s20] =	ssyncset.done $0x0  }
0x1af: {  	s17 =	simm.s32 $0x4000;
	s25 =	simm.s32 $0x12000;
	[sflag:s20] =	ssyncadd.s32 $0xFFFFF800  }
0x1b0: {  	[tilespmem:s14], [sflag:$0x1] =	stream.indirect.gather [hbm4b:s7+s23], $0x3, s17, s23, $0xb8;
	[tilespmem:$0x1F800] =	vst v63  }
0x1b1: {  	s10 =	simm.s32 $0x16000;
	s18 =	simm.s32 $0xE000;
	s3 =	simm.s32 $0x80  }
0x1b2: {  	[tilespmem:s18], [sflag:$0x1] =	stream.indirect.gather [hbm4b:s7+s23], $0x3, s24, s23, $0xb8;
	[tilespmem:$0x1F800] =	vst v63  }
0x1b3: {  	s17 =	simm.s32 $0x5000;
	s14 =	simm.s32 $0x16400;
	s24 =	simm.s32 $0xA400  }
0x1b4: {  	[tilespmem:s25], [sflag:$0x1] =	stream.indirect.gather [hbm4b:s7+s23], $0x3, s17, s23, $0xb8;
	[tilespmem:$0x1F800] =	vst v63  }
0x1b5: {  	s18 =	simm.s32 $0x12400;
	s25 =	simm.s32 $0x400;
	s17 =	simm.s32 $0xE400  }
.LBB2_23:
0x1b6: {  	[tilespmem:s10], [sflag:$0x1] =	stream.indirect.gather [hbm4b:s7+s23], $0x3, s31, s23, $0xb8;
	[tilespmem:$0x1F800] =	vst v63  }
0x1b7: {  	s31 =	smov.u32 s3  }
0x1b8: {  	s3 =	smov.u32 s25;
	s10 =	smov.u32 s14;
	s0 =	sadd.s32 $0x200, s25  }
0x1b9: {  	p0 =	sne.s32 s25, $0x1E00;
	s3 =	sshra.s32 s3, $0x2;
	s2 =	sadd.s32 $0x4000, s31  }
0x1ba: {  	[tilespmem:s24], [sflag:$0x1] =	stream.indirect.gather [hbm4b:s7+s23], $0x3, s2, s23, $0xb8;
	[tilespmem:$0x1F800] =	vst v63  }
.Ltmp12:
0x1bb: {  	s14 =	sadd.s32 $0x400, s14;
	s2 =	sadd.s32 $0x4800, s31;
	(pc) =	sbr.rel @p0 .LBB2_23-.Ltmp12, $4  }
0x1bc: {  	[tilespmem:s17], [sflag:$0x1] =	stream.indirect.gather [hbm4b:s7+s23], $0x3, s2, s23, $0xb8;
	[tilespmem:$0x1F800] =	vst v63  }
0x1bd: {  	s24 =	sadd.s32 $0x400, s24;
	s2 =	sadd.s32 $0x5000, s31;
	s17 =	sadd.s32 $0x400, s17  }
0x1be: {  	[tilespmem:s18], [sflag:$0x1] =	stream.indirect.gather [hbm4b:s7+s23], $0x3, s2, s23, $0xb8;
	[tilespmem:$0x1F800] =	vst v63  }
0x1bf: {  	s25 =	smov.u32 s0;
	s31 =	sadd.s32 $0x5800, s31;
	s18 =	sadd.s32 $0x400, s18  }
0x1c0: {  	[tilespmem:s10], [sflag:$0x1] =	stream.indirect.gather [hbm4b:s7+s23], $0x3, s31, s23, $0xb8;
	[tilespmem:$0x1F800] =	vst v63  }
0x1c1: {  	s0 =	sadd.s32 $0x4000, s3  }
0x1c2: {  	[tilespmem:s24], [sflag:$0x1] =	stream.indirect.gather [hbm4b:s7+s23], $0x3, s0, s23, $0xb8;
	[tilespmem:$0x1F800] =	vst v63  }
0x1c3: {  	p0 =	seq.s32 s19, $0x1F;
	s24 =	sadd.s32 $0x4800, s3  }
0x1c4: {  	[tilespmem:s17], [sflag:$0x1] =	stream.indirect.gather [hbm4b:s7+s23], $0x3, s24, s23, $0xb8;
	[tilespmem:$0x1F800] =	vst v63  }
.Ltmp13:
0x1c5: {  	_ = 	snop;
	(pc) =	sbr.rel @p0 .LBB2_28-.Ltmp13, $4  }
0x1c6: {  	s25 =	sadd.s32 $0x5000, s3  }
0x1c7: {  	[tilespmem:s18], [sflag:$0x1] =	stream.indirect.gather [hbm4b:s7+s23], $0x3, s25, s23, $0xb8;
	[tilespmem:$0x1F800] =	vst v63  }
0x1c8: {  	s31 =	sadd.s32 $0x5800, s3  }
0x1c9: {  	[tilespmem:s14], [sflag:$0x1] =	stream.indirect.gather [hbm4b:s7+s23], $0x3, s31, s23, $0xb8;
	[tilespmem:$0x1F800] =	vst v63  }
0x1ca: {  	s0 =	rddreg [dreg:$0x8]  }
0x1cb: {  	s0 =	sadd.s32 s22, s0  }
0x1cc: {  	s0 =	sshrl.u32 s0, $0x3  }
0x1cd: {  	s3 =	simm.s32 $0x0;
	s2 =	sadd.s32 s4, s0  }
0x1ce: {  	[tilespmem:s3], [sflag:$0x2] =	stream.linear.gather [hbm4b:s2+s3], $0x800, $0x38;
	[tilespmem:$0x1F800] =	vst v63  }
0x1cf: {  	_ =	swait.ge [sflag:s20], $0x800  }
0x1d0: {  	[sflag:s20] =	ssyncset.done $0x0  }
0x1d1: {  	s31 =	simm.s32 $0x1000;
	s0 =	sadd.s32 s5, s0;
	[sflag:s20] =	ssyncadd.s32 $0xFFFFF800  }
0x1d2: {  	[tilespmem:s31], [sflag:$0x2] =	stream.linear.gather [hbm4b:s0+s3], $0x800, $0x38;
	[tilespmem:$0x1F800] =	vst v63  }
0x1d3: {  	_ =	swait.ge [sflag:s20], $0x800  }
0x1d4: {  	[sflag:s20] =	ssyncset.done $0x0  }
0x1d5: {  	s22 =	simm.s32 $0x0;
	[sflag:s20] =	ssyncadd.s32 $0xFFFFF800  }
0x1d6: {  	v5 =	vld [tilespmem:s22+$0x1000]  }
0x1d7: {  	v7 =	vld [tilespmem:s22+$0x0];
	_ =	sdelay $0x3  }
0x1d8: {  	v3 =	vmax.f32 v5, $-1.000000000e+09  }
0x1d9: {  	v4 =	vmax.f32 v7, $-1.000000000e+09;
	v3 =	vmin.f32 v3, $1.000000000e+09  }
0x1da: {  	v4 =	vmin.f32 v4, $1.000000000e+09;
	v6 =	vtrunc.f32 v3  }
0x1db: {  	v8 =	vtrunc.f32 v4;
	v6 =	vcvt.f32.s32 v6  }
0x1dc: {  	v8 =	vcvt.f32.s32 v8  }
0x1dd: {  	v6 =	vcvt.s32.f32 v6  }
0x1de: {  	v8 =	vcvt.s32.f32 v8  }
0x1df: {  	vm0 =	vlt.f32 v3, v6  }
0x1e0: {  	vm13 =	vlt.f32 v4, v8;
	v3 =	vsel vm0, $0x3F800000, v2  }
0x1e1: {  	v4 =	vsel vm13, $0x3F800000, v2;
	v3 =	vsub.f32 v6, v3  }
0x1e2: {  	v6 =	vsub.f32 v8, v4  }
0x1e3: {  	s3 =	simm.s32 $0x10;
	v4 =	vmax.f32 v3, $0.0e+00  }
0x1e4: {  	v8 =	vadd.f32 $1.000000000e+00, v3;
	v3 =	vld [tilespmem:s3+$0x1000];
	v10 =	vadd.f32 $1.000000000e+00, v6;
	v6 =	vmax.f32 v6, $0.0e+00  }
0x1e5: {  	v9 =	vmin.f32 v4, $5.110000000e+02;
	v12 =	vmin.f32 v6, $5.110000000e+02  }
0x1e6: {  	v4 =	vld [tilespmem:s3+$0x0];
	v8 =	vmax.f32 v8, $0.0e+00;
	v11 =	vtrunc.f32 v9;
	v6 =	vmax.f32 v10, $0.0e+00  }
0x1e7: {  	v19 =	vtrunc.f32 v12;
	v8 =	vmin.f32 v8, $5.110000000e+02;
	v11 =	vcvt.f32.s32 v11  }
0x1e8: {  	v6 =	vmin.f32 v6, $5.110000000e+02;
	v10 =	vtrunc.f32 v8;
	v13 =	vsub.f32 v8, v5  }
0x1e9: {  	v14 =	vtrunc.f32 v6;
	v10 =	vcvt.f32.s32 v10;
	v8 =	vmax.f32 v3, $-1.000000000e+09  }
0x1ea: {  	v15 =	vsub.f32 v6, v7;
	v6 =	vcvt.f32.s32 v14;
	v8 =	vmin.f32 v8, $1.000000000e+09  }
0x1eb: {  	v14 =	vmax.f32 v4, $-1.000000000e+09;
	v10 =	vshll.u32 v10, $0x9;
	v16 =	vtrunc.f32 v8  }
0x1ec: {  	v17 =	vadd.s32 v0, v10;
	v10 =	vmin.f32 v14, $1.000000000e+09;
	v14 =	vcvt.f32.s32 v16  }
0x1ed: {  	v62 =	vcvt.f32.s32 v19;
	v5 =	vsub.f32 v5, v9;
	v18 =	vtrunc.f32 v10  }
0x1ee: {  	v12 =	vsub.f32 v7, v12;
	v9 =	vcvt.f32.s32 v18;
	v14 =	vcvt.s32.f32 v14  }
0x1ef: {  	v7 =	vshll.u32 v11, $0x9;
	v11 =	vmul.f32 v13, v15;
	v15 =	vmul.f32 v15, v5  }
0x1f0: {  	v5 =	vmul.f32 v5, v12;
	v9 =	vcvt.s32.f32 v9;
	vm14 =	vlt.f32 v8, v14  }
0x1f1: {  	[tilespmem:s22+$0x6000] =	vst v11;
	v61 =	vadd.s32 v6, v17;
	v8 =	vadd.s32 v0, v7;
	v63 =	vsel vm14, $0x3F800000, v2  }
0x1f2: {  	[tilespmem:s22+$0x6800] =	vst v15;
	v7 =	vmul.f32 v13, v12;
	vm15 =	vlt.f32 v10, v9;
	v11 =	vsub.f32 v14, v63  }
0x1f3: {  	[tilespmem:s22+$0x3800] =	vst v61;
	v13 =	vadd.s32 v62, v17;
	v10 =	vadd.s32 v62, v8;
	v12 =	vsel vm15, $0x3F800000, v2  }
0x1f4: {  	s18 =	simm.s32 $0x20;
	s10 =	simm.s32 $0xC0;
	[tilespmem:s22+$0x2800] =	vst v13;
	v9 =	vsub.f32 v9, v12;
	v12 =	vmax.f32 v11, $0.0e+00;
	v11 =	vadd.f32 $1.000000000e+00, v11  }
.LBB2_26:
0x1f5: {  	p1 =	sne.s32 s10, $0x1FC0;
	v13 =	vld [tilespmem:s18+$0x1000];
	v12 =	vmin.f32 v12, $5.110000000e+02;
	[tilespmem:s22+$0x2000] =	vst v10;
	v6 =	vadd.s32 v6, v8  }
0x1f6: {  	v8 =	vadd.f32 $1.000000000e+00, v9;
	v10 =	vmax.f32 v11, $0.0e+00;
	v11 =	vtrunc.f32 v12;
	[tilespmem:s22+$0x3000] =	vst v6  }
0x1f7: {  	v6 =	vmax.f32 v9, $0.0e+00;
	v14 =	vld [tilespmem:s18+$0x0];
	v9 =	vmin.f32 v10, $5.110000000e+02;
	v10 =	vcvt.f32.s32 v11;
	[tilespmem:s22+$0x7000] =	vst v7  }
0x1f8: {  	v7 =	vmin.f32 v6, $5.110000000e+02;
	v6 =	vmax.f32 v8, $0.0e+00;
	v8 =	vtrunc.f32 v9;
	[tilespmem:s22+$0x7800] =	vst v5;
	s22 =	smov.u32 s3;
	s3 =	smov.u32 s18  }
0x1f9: {  	v9 =	vsub.f32 v9, v3;
	v5 =	vmin.f32 v6, $5.110000000e+02;
	v8 =	vcvt.f32.s32 v8  }
0x1fa: {  	v6 =	vmax.f32 v13, $-1.000000000e+09;
	v11 =	vtrunc.f32 v5;
	v5 =	vsub.f32 v5, v4  }
0x1fb: {  	v15 =	vmin.f32 v6, $1.000000000e+09;
	v6 =	vcvt.f32.s32 v11;
	v8 =	vshll.u32 v8, $0x9  }
0x1fc: {  	v11 =	vmax.f32 v14, $-1.000000000e+09;
	v16 =	vtrunc.f32 v15;
	v17 =	vadd.s32 v0, v8  }
0x1fd: {  	v11 =	vmin.f32 v11, $1.000000000e+09;
	v8 =	vcvt.f32.s32 v16;
	v16 =	vadd.s32 v6, v17  }
0x1fe: {  	v12 =	vsub.f32 v3, v12;
	v19 =	vtrunc.f32 v7;
	v3 =	vmovc v13;
	v18 =	vtrunc.f32 v11;
	[tilespmem:s22+$0x3800] =	vst v16  }
0x1ff: {  	v13 =	vcvt.f32.s32 v18;
	v16 =	vcvt.s32.f32 v8;
	v18 =	vsub.f32 v4, v7;
	v4 =	vmovc v14  }
0x200: {  	v14 =	vcvt.f32.s32 v19;
	v7 =	vshll.u32 v10, $0x9;
	v10 =	vmul.f32 v9, v5  }
.Ltmp14:
0x201: {  	v8 =	vadd.s32 v0, v7;
	v13 =	vcvt.s32.f32 v13;
	vm0 =	vlt.f32 v15, v16;
	(pc) =	sbr.rel @p1 .LBB2_26-.Ltmp14, $4  }
0x202: {  	v19 =	vmul.f32 v5, v12;
	v7 =	vmul.f32 v9, v18;
	v15 =	vsel vm0, $0x3F800000, v2;
	[tilespmem:s22+$0x6000] =	vst v10  }
0x203: {  	v5 =	vmul.f32 v12, v18;
	vm0 =	vlt.f32 v11, v13;
	v11 =	vsub.f32 v16, v15  }
0x204: {  	v10 =	vadd.s32 v14, v8;
	v14 =	vadd.s32 v14, v17;
	v9 =	vsel vm0, $0x3F800000, v2;
	[tilespmem:s22+$0x6800] =	vst v19  }
0x205: {  	s18 =	sshra.s32 s10, $0x2;
	s10 =	sadd.s32 $0x40, s10;
	v9 =	vsub.f32 v13, v9;
	v12 =	vmax.f32 v11, $0.0e+00;
	v11 =	vadd.f32 $1.000000000e+00, v11;
	[tilespmem:s22+$0x2800] =	vst v14  }
0x206: {  	v13 =	vld [tilespmem:s18+$0x1000];
	[tilespmem:s22+$0x2000] =	vst v10;
	v6 =	vadd.s32 v6, v8  }
0x207: {  	v35 =	vmin.f32 v12, $5.110000000e+02;
	[tilespmem:s22+$0x3000] =	vst v6;
	v36 =	vadd.f32 $1.000000000e+00, v9  }
0x208: {  	v37 =	vmax.f32 v11, $0.0e+00;
	v12 =	vtrunc.f32 v35;
	v39 =	vmax.f32 v9, $0.0e+00;
	v38 =	vld [tilespmem:s18+$0x0]  }
0x209: {  	v10 =	vmin.f32 v37, $5.110000000e+02;
	v12 =	vcvt.f32.s32 v12;
	v9 =	vmin.f32 v39, $5.110000000e+02  }
0x20a: {  	v8 =	vmax.f32 v36, $0.0e+00;
	v14 =	vtrunc.f32 v10;
	v10 =	vsub.f32 v10, v3  }
0x20b: {  	v3 =	vsub.f32 v3, v35;
	v41 =	vsub.f32 v4, v9;
	v15 =	vmax.f32 v13, $-1.000000000e+09  }
0x20c: {  	v9 =	vtrunc.f32 v9;
	v8 =	vmin.f32 v8, $5.110000000e+02;
	v15 =	vmin.f32 v15, $1.000000000e+09  }
0x20d: {  	v14 =	vcvt.f32.s32 v14;
	v17 =	vmax.f32 v38, $-1.000000000e+09;
	v18 =	vtrunc.f32 v15  }
0x20e: {  	v9 =	vcvt.f32.s32 v9;
	v17 =	vmin.f32 v17, $1.000000000e+09;
	v18 =	vcvt.f32.s32 v18  }
0x20f: {  	v12 =	vshll.u32 v12, $0x9;
	v16 =	vtrunc.f32 v8;
	v19 =	vtrunc.f32 v17  }
0x210: {  	v8 =	vsub.f32 v8, v4;
	v19 =	vcvt.f32.s32 v19;
	v18 =	vcvt.s32.f32 v18  }
0x211: {  	v12 =	vadd.s32 v0, v12;
	v43 =	vmul.f32 v10, v41;
	v16 =	vcvt.f32.s32 v16  }
0x212: {  	v14 =	vshll.u32 v14, $0x9;
	v19 =	vcvt.s32.f32 v19;
	vm0 =	vlt.f32 v15, v18  }
0x213: {  	v46 =	vadd.s32 v9, v12;
	v14 =	vadd.s32 v0, v14;
	v15 =	vsel vm0, $0x3F800000, v2  }
0x214: {  	v42 =	vmul.f32 v10, v8;
	v15 =	vsub.f32 v18, v15;
	vm15 =	vlt.f32 v17, v19  }
0x215: {  	[tilespmem:s22+$0x7000] =	vst v7;
	v8 =	vmul.f32 v8, v3;
	v3 =	vmul.f32 v3, v41;
	v17 =	vsel vm15, $0x3F800000, v2  }
0x216: {  	[tilespmem:s22+$0x7800] =	vst v5;
	v40 =	vadd.s32 v16, v14;
	v44 =	vsub.f32 v19, v17;
	v45 =	vadd.f32 $1.000000000e+00, v15  }
0x217: {  	[tilespmem:s3+$0x2000] =	vst v46;
	v47 =	vadd.s32 v9, v14;
	v12 =	vadd.s32 v16, v12;
	v48 =	vmax.f32 v15, $0.0e+00  }
0x218: {  	[tilespmem:s3+$0x7000] =	vst v43;
	v6 =	vmin.f32 v48, $5.110000000e+02;
	v49 =	vadd.f32 $1.000000000e+00, v44;
	v50 =	vmax.f32 v45, $0.0e+00  }
0x219: {  	[tilespmem:s3+$0x3800] =	vst v40;
	v51 =	vtrunc.f32 v6;
	v53 =	vmax.f32 v44, $0.0e+00;
	v14 =	vmin.f32 v50, $5.110000000e+02  }
0x21a: {  	[tilespmem:s3+$0x6000] =	vst v42;
	v5 =	vmin.f32 v53, $5.110000000e+02;
	v9 =	vmax.f32 v49, $0.0e+00;
	v52 =	vtrunc.f32 v14  }
0x21b: {  	[tilespmem:s3+$0x6800] =	vst v8;
	v56 =	vsub.f32 v14, v13;
	v60 =	vtrunc.f32 v5;
	v5 =	vsub.f32 v38, v5  }
0x21c: {  	[tilespmem:s3+$0x2800] =	vst v47;
	v6 =	vsub.f32 v13, v6;
	v9 =	vmin.f32 v9, $5.110000000e+02;
	v54 =	vcvt.f32.s32 v52  }
0x21d: {  	[tilespmem:s3+$0x3000] =	vst v12;
	v57 =	vtrunc.f32 v9;
	v9 =	vsub.f32 v9, v38;
	v62 =	vmul.f32 v56, v5  }
0x21e: {  	[tilespmem:s3+$0x7800] =	vst v3;
	v63 =	vmul.f32 v6, v5;
	v58 =	vcvt.f32.s32 v57;
	v10 =	vshll.u32 v54, $0x9  }
0x21f: {  	v59 =	vadd.s32 v0, v10;
	[tilespmem:s18+$0x7000] =	vst v62  }
0x220: {  	v55 =	vcvt.f32.s32 v51;
	v61 =	vmul.f32 v56, v9;
	[tilespmem:s18+$0x7800] =	vst v63;
	v3 =	vadd.s32 v58, v59  }
0x221: {  	v9 =	vmul.f32 v9, v6;
	[tilespmem:s18+$0x3800] =	vst v3;
	v3 =	vcvt.f32.s32 v60  }
0x222: {  	v4 =	vshll.u32 v55, $0x9;
	[tilespmem:s18+$0x6000] =	vst v61  }
0x223: {  	v4 =	vadd.s32 v0, v4;
	[tilespmem:s18+$0x6800] =	vst v9;
	v7 =	vadd.s32 v3, v59  }
0x224: {  	v3 =	vadd.s32 v3, v4;
	[tilespmem:s18+$0x2800] =	vst v7  }
0x225: {  	[tilespmem:s18+$0x2000] =	vst v3;
	v3 =	vadd.s32 v58, v4  }
0x226: {  	[tilespmem:s18+$0x3000] =	vst v3  }
.LBB2_28:
0x227: {  	_ =	swait.ge [sflag:s11], $0x180  }
0x228: {  	[sflag:s11] =	ssyncset.done $0x0  }
0x229: {  	[sflag:s11] =	ssyncadd.s32 $0xFFFFFE80  }
0x22a: {  	_ =	swait.ge [sflag:s11], $0x180  }
0x22b: {  	[sflag:s11] =	ssyncset.done $0x0  }
0x22c: {  	[sflag:s11] =	ssyncadd.s32 $0xFFFFFE80  }
0x22d: {  	_ =	swait.ge [sflag:s11], $0x180  }
0x22e: {  	[sflag:s11] =	ssyncset.done $0x0  }
0x22f: {  	[sflag:s11] =	ssyncadd.s32 $0xFFFFFE80  }
0x230: {  	_ =	swait.ge [sflag:s11], $0x180  }
0x231: {  	s3 =	simm.s32 $0xF;
	[sflag:s11] =	ssyncset.done $0x0  }
.LBB2_29:
0x232: {  	p1 =	sne.s32 s3, $0x1;
	s3 =	sadd.s32 $0xFFFFFFFF, s3;
	[sflag:s11] =	ssyncadd.s32 $0xFFFFFE80  }
0x233: {  	_ =	swait.ge [sflag:s11], $0x180  }
0x234: {  	[sflag:s11] =	ssyncset.done $0x0  }
0x235: {  	[sflag:s11] =	ssyncadd.s32 $0xFFFFFE80  }
0x236: {  	_ =	swait.ge [sflag:s11], $0x180  }
0x237: {  	[sflag:s11] =	ssyncset.done $0x0  }
0x238: {  	[sflag:s11] =	ssyncadd.s32 $0xFFFFFE80  }
.Ltmp15:
0x239: {  	_ =	swait.ge [sflag:s11], $0x180;
	(pc) =	sbr.rel @p1 .LBB2_29-.Ltmp15, $4  }
0x23a: {  	[sflag:s11] =	ssyncset.done $0x0  }
0x23b: {  	[sflag:s11] =	ssyncadd.s32 $0xFFFFFE80  }
0x23c: {  	_ =	swait.ge [sflag:s11], $0x180  }
0x23d: {  	[sflag:s11] =	ssyncset.done $0x0  }
0x23e: {  	s0 =	simm.s32 $0x0  }
0x23f: {  	v3 =	vmov s0  }
0x240: {  	v3 =	vshll.u32 v3, $0x3  }
0x241: {  	v3 =	vor.u32 v1, v3;
	_ =	sdelay $0x1  }
0x242: {  	[sflag:s11] =	ssyncadd.s32 $0xFFFFFE80;
	s24 =	simm.s32 $0x9000  }
0x243: {  	v4 =	vld [tilespmem:s24+$0xFFFFF000]  }
0x244: {  	v7 =	vld [tilespmem:s24+$0xFFFFF800]  }
0x245: {  	v5 =	vld.idx.msk [tilespmem:v3+s26+$0x0], $0xffff  }
0x246: {  	v6 =	vld.idx.msk [tilespmem:v3+s28+$0x0], $0xffff  }
0x247: {  	v9 =	vld [tilespmem:s24+$0x0]  }
0x248: {  	v8 =	vld.idx.msk [tilespmem:v3+s29+$0x0], $0xffff  }
0x249: {  	v11 =	vld [tilespmem:s24+$0x800]  }
0x24a: {  	v10 =	vld.idx.msk [tilespmem:v3+s30+$0x0], $0xffff  }
0x24b: {  	v5 =	vmul.f32 v5, v4;
	v6 =	vmul.f32 v6, v7;
	_ =	sdelay $0x1  }
0x24c: {  	v5 =	vadd.f32 v6, v5;
	v6 =	vmul.f32 v8, v9;
	_ =	sdelay $0x1  }
0x24d: {  	v8 =	vor.u32 $0x1, v3;
	v5 =	vadd.f32 v6, v5;
	v6 =	vmul.f32 v10, v11;
	_ =	sdelay $0x1  }
0x24e: {  	v5 =	vadd.f32 v6, v5  }
0x24f: {  	s25 =	simm.s32 $0x1A000  }
0x250: {  	[tilespmem:s25+$0x0] =	vst v5  }
0x251: {  	v5 =	vld.idx.msk [tilespmem:v8+s26+$0x0], $0xffff  }
0x252: {  	v6 =	vld.idx.msk [tilespmem:v8+s28+$0x0], $0xffff;
	_ =	sdelay $0x1  }
0x253: {  	v63 =	vld.idx.msk [tilespmem:v8+s29+$0x0], $0xffff;
	_ =	sdelay $0x1  }
0x254: {  	v8 =	vld.idx.msk [tilespmem:v8+s30+$0x0], $0xffff  }
0x255: {  	v5 =	vmul.f32 v5, v4;
	v6 =	vmul.f32 v6, v7;
	_ =	sdelay $0x1  }
0x256: {  	v5 =	vadd.f32 v6, v5;
	v6 =	vmul.f32 v63, v9;
	_ =	sdelay $0x1  }
0x257: {  	v3 =	vor.u32 $0x2, v3;
	v5 =	vadd.f32 v6, v5;
	v6 =	vmul.f32 v8, v11;
	_ =	sdelay $0x1  }
0x258: {  	v5 =	vadd.f32 v6, v5  }
0x259: {  	s18 =	simm.s32 $0x1A800  }
0x25a: {  	[tilespmem:s18+$0x0] =	vst v5  }
0x25b: {  	v5 =	vld.idx.msk [tilespmem:v3+s26+$0x0], $0xffff  }
0x25c: {  	v6 =	vld.idx.msk [tilespmem:v3+s28+$0x0], $0xffff  }
0x25d: {  	v8 =	vld.idx.msk [tilespmem:v3+s29+$0x0], $0xffff  }
0x25e: {  	v3 =	vld.idx.msk [tilespmem:v3+s30+$0x0], $0xffff;
	_ =	sdelay $0x3  }
0x25f: {  	s31 =	simm.s32 $0x10;
	v4 =	vmul.f32 v5, v4;
	v5 =	vmul.f32 v6, v7  }
0x260: {  	s3 =	simm.s32 $0x1B000;
	s22 =	simm.s32 $0x1A010;
	v6 =	vmov s31;
	v3 =	vmul.f32 v3, v11  }
0x261: {  	s10 =	simm.s32 $0x1B000;
	s24 =	simm.s32 $0x9010;
	s25 =	simm.s32 $0x20;
	v6 =	vshll.u32 v6, $0x3;
	v4 =	vadd.f32 v5, v4;
	v5 =	vmul.f32 v8, v9  }
.LBB2_31:
0x262: {  	s3 =	sadd.s32 $0x10, s3  }
0x263: {  	v6 =	vor.u32 v1, v6;
	v4 =	vadd.f32 v5, v4;
	s18 =	sadd.s32 $0x10, s18;
	s17 =	smov.u32 s25;
	s14 =	sadd.s32 $0x10, s25  }
0x264: {  	p1 =	sne.s32 s25, $0x7F0  }
0x265: {  	v3 =	vadd.f32 v3, v4;
	_ =	sdelay $0x1  }
0x266: {  	[tilespmem:s10+$0x0] =	vst v3;
	s10 =	smov.u32 s3  }
0x267: {  	v3 =	vld [tilespmem:s24+$0xFFFFF000]  }
0x268: {  	v4 =	vld.idx.msk [tilespmem:v6+s26+$0x0], $0xffff  }
0x269: {  	v5 =	vld.idx.msk [tilespmem:v6+s28+$0x0], $0xffff  }
0x26a: {  	v7 =	vld [tilespmem:s24+$0xFFFFF800]  }
0x26b: {  	v8 =	vld.idx.msk [tilespmem:v6+s29+$0x0], $0xffff  }
0x26c: {  	v9 =	vld [tilespmem:s24+$0x0]  }
0x26d: {  	v10 =	vld.idx.msk [tilespmem:v6+s30+$0x0], $0xffff  }
0x26e: {  	v4 =	vmul.f32 v4, v3;
	v11 =	vld [tilespmem:s24+$0x800]  }
0x26f: {  	v5 =	vmul.f32 v5, v7;
	_ =	sdelay $0x1  }
0x270: {  	v4 =	vadd.f32 v5, v4;
	v5 =	vmul.f32 v8, v9;
	_ =	sdelay $0x1  }
0x271: {  	v8 =	vor.u32 $0x1, v6;
	v4 =	vadd.f32 v5, v4;
	v5 =	vmul.f32 v10, v11;
	_ =	sdelay $0x1  }
0x272: {  	v4 =	vadd.f32 v5, v4;
	_ =	sdelay $0x1  }
0x273: {  	[tilespmem:s22+$0x0] =	vst v4  }
0x274: {  	v4 =	vld.idx.msk [tilespmem:v8+s26+$0x0], $0xffff  }
0x275: {  	v5 =	vld.idx.msk [tilespmem:v8+s28+$0x0], $0xffff;
	_ =	sdelay $0x1  }
0x276: {  	v10 =	vld.idx.msk [tilespmem:v8+s29+$0x0], $0xffff;
	_ =	sdelay $0x1  }
0x277: {  	v8 =	vld.idx.msk [tilespmem:v8+s30+$0x0], $0xffff  }
0x278: {  	v4 =	vmul.f32 v4, v3  }
0x279: {  	v5 =	vmul.f32 v5, v7;
	_ =	sdelay $0x1  }
0x27a: {  	v4 =	vadd.f32 v5, v4;
	v5 =	vmul.f32 v10, v9;
	_ =	sdelay $0x1  }
0x27b: {  	v6 =	vor.u32 $0x2, v6;
	v4 =	vadd.f32 v5, v4;
	v5 =	vmul.f32 v8, v11;
	_ =	sdelay $0x1  }
0x27c: {  	v4 =	vadd.f32 v5, v4;
	_ =	sdelay $0x1  }
0x27d: {  	[tilespmem:s18+$0x0] =	vst v4  }
0x27e: {  	v4 =	vld.idx.msk [tilespmem:v6+s26+$0x0], $0xffff  }
0x27f: {  	v5 =	vld.idx.msk [tilespmem:v6+s28+$0x0], $0xffff  }
0x280: {  	v8 =	vld.idx.msk [tilespmem:v6+s29+$0x0], $0xffff  }
0x281: {  	v10 =	vld.idx.msk [tilespmem:v6+s30+$0x0], $0xffff;
	_ =	sdelay $0x2  }
.Ltmp16:
0x282: {  	v3 =	vmul.f32 v4, v3;
	(pc) =	sbr.rel @p1 .LBB2_31-.Ltmp16, $3  }
0x283: {  	v4 =	vmul.f32 v5, v7;
	_ =	sdelay $0x1  }
0x284: {  	v6 =	vmov s17;
	v5 =	vmul.f32 v8, v9;
	v4 =	vadd.f32 v4, v3  }
0x285: {  	s25 =	smov.u32 s14;
	s24 =	sadd.s32 $0x10, s24;
	s22 =	sadd.s32 $0x10, s22;
	v6 =	vshll.u32 v6, $0x3;
	v3 =	vmul.f32 v10, v11  }
0x286: {  	v4 =	vadd.f32 v5, v4  }
0x287: {  	v51 =	vor.u32 v1, v6  }
0x288: {  	v3 =	vadd.f32 v3, v4;
	_ =	sdelay $0x1  }
0x289: {  	[tilespmem:s10+$0x0] =	vst v3  }
0x28a: {  	v3 =	vld [tilespmem:s24+$0xFFFFF000]  }
0x28b: {  	v52 =	vld.idx.msk [tilespmem:v51+s26+$0x0], $0xffff  }
0x28c: {  	v6 =	vld.idx.msk [tilespmem:v51+s28+$0x0], $0xffff  }
0x28d: {  	v7 =	vld [tilespmem:s24+$0xFFFFF800]  }
0x28e: {  	v8 =	vld.idx.msk [tilespmem:v51+s29+$0x0], $0xffff  }
0x28f: {  	v9 =	vld [tilespmem:s24+$0x0]  }
0x290: {  	v10 =	vld.idx.msk [tilespmem:v51+s30+$0x0], $0xffff  }
0x291: {  	v11 =	vld [tilespmem:s24+$0x800]  }
0x292: {  	v4 =	vmul.f32 v52, v3;
	v6 =	vmul.f32 v6, v7;
	_ =	sdelay $0x1  }
0x293: {  	v53 =	vmul.f32 v8, v9;
	v4 =	vadd.f32 v6, v4;
	_ =	sdelay $0x1  }
0x294: {  	v55 =	vor.u32 $0x1, v51;
	v54 =	vmul.f32 v10, v11;
	v4 =	vadd.f32 v53, v4;
	_ =	sdelay $0x1  }
0x295: {  	v4 =	vadd.f32 v54, v4;
	_ =	sdelay $0x1  }
0x296: {  	[tilespmem:s22+$0x0] =	vst v4  }
0x297: {  	v4 =	vld.idx.msk [tilespmem:v55+s26+$0x0], $0xffff  }
0x298: {  	v56 =	vld.idx.msk [tilespmem:v55+s28+$0x0], $0xffff;
	_ =	sdelay $0x1  }
0x299: {  	v57 =	vld.idx.msk [tilespmem:v55+s29+$0x0], $0xffff;
	_ =	sdelay $0x1  }
0x29a: {  	v8 =	vld.idx.msk [tilespmem:v55+s30+$0x0], $0xffff  }
0x29b: {  	v4 =	vmul.f32 v4, v3;
	v6 =	vmul.f32 v56, v7;
	_ =	sdelay $0x1  }
0x29c: {  	v58 =	vmul.f32 v57, v9;
	v4 =	vadd.f32 v6, v4;
	_ =	sdelay $0x1  }
0x29d: {  	v5 =	vor.u32 $0x2, v51;
	v59 =	vmul.f32 v8, v11;
	v4 =	vadd.f32 v58, v4;
	_ =	sdelay $0x1  }
0x29e: {  	v4 =	vadd.f32 v59, v4  }
0x29f: {  	s0 =	sadd.s32 $0x10, s18  }
0x2a0: {  	[tilespmem:s0+$0x0] =	vst v4  }
0x2a1: {  	v4 =	vld.idx.msk [tilespmem:v5+s26+$0x0], $0xffff  }
0x2a2: {  	v60 =	vld.idx.msk [tilespmem:v5+s28+$0x0], $0xffff;
	_ =	sdelay $0x1  }
0x2a3: {  	v61 =	vld.idx.msk [tilespmem:v5+s29+$0x0], $0xffff;
	_ =	sdelay $0x1  }
0x2a4: {  	v5 =	vld.idx.msk [tilespmem:v5+s30+$0x0], $0xffff  }
0x2a5: {  	v3 =	vmul.f32 v4, v3;
	v62 =	vmul.f32 v60, v7;
	_ =	sdelay $0x1  }
0x2a6: {  	v63 =	vmul.f32 v61, v9;
	v3 =	vadd.f32 v62, v3;
	_ =	sdelay $0x1  }
0x2a7: {  	v5 =	vmul.f32 v5, v11;
	v3 =	vadd.f32 v63, v3;
	_ =	sdelay $0x1  }
0x2a8: {  	s14 =	sor.u32 s9, s15;
	v3 =	vadd.f32 v5, v3  }
0x2a9: {  	s2 =	sadd.s32 $0x10, s3;
	s0 =	sshrl.u32 s14, $0x3  }
0x2aa: {  	s17 =	simm.s32 $0x0;
	s18 =	simm.s32 $0x1A000;
	s0 =	sadd.s32 s6, s0;
	[tilespmem:s2+$0x0] =	vst v3  }
0x2ab: {  	[hbm4b:s0+s17] =	stream.linear.scatter [tilespmem:s18], [sflag:$0x2], $0x800, $0x38;
	[tilespmem:$0x1F800] =	vst v63  }
0x2ac: {  	s22 =	sor.u32 s12, s15;
	_ =	swait.ge [sflag:s20], $0x800  }
0x2ad: {  	s0 =	sshrl.u32 s22, $0x3;
	[sflag:s20] =	ssyncset.done $0x0  }
0x2ae: {  	s24 =	simm.s32 $0x1A800;
	s0 =	sadd.s32 s6, s0;
	[sflag:s20] =	ssyncadd.s32 $0xFFFFF800  }
0x2af: {  	[hbm4b:s0+s17] =	stream.linear.scatter [tilespmem:s24], [sflag:$0x2], $0x800, $0x38;
	[tilespmem:$0x1F800] =	vst v63  }
0x2b0: {  	s25 =	sor.u32 s13, s15;
	_ =	swait.ge [sflag:s20], $0x800  }
0x2b1: {  	s31 =	simm.s32 $0x1B000;
	s0 =	sshrl.u32 s25, $0x3;
	[sflag:s20] =	ssyncset.done $0x0  }
.Ltmp17:
0x2b2: {  	s0 =	sadd.s32 s6, s0;
	[sflag:s20] =	ssyncadd.s32 $0xFFFFF800;
	(pc) =	sbr.rel @p0 .LBB2_36-.Ltmp17, $4  }
0x2b3: {  	[hbm4b:s0+s17] =	stream.linear.scatter [tilespmem:s31], [sflag:$0x2], $0x800, $0x38;
	[tilespmem:$0x1F800] =	vst v63  }
0x2b4: {  	_ =	swait.ge [sflag:s20], $0x800  }
0x2b5: {  	[sflag:s20] =	ssyncset.done $0x0  }
0x2b6: {  	[sflag:s20] =	ssyncadd.s32 $0xFFFFF800  }
0x2b7: {  	s0 =	simm.s32 $0xA000;
	s2 =	simm.s32 $0x2000  }
0x2b8: {  	s10 =	simm.s32 $0x16000;
	s22 =	simm.s32 $0xE000;
	s24 =	simm.s32 $0x2800  }
0x2b9: {  	s25 =	simm.s32 $0x12000;
	s3 =	simm.s32 $0x80;
	s31 =	simm.s32 $0x3000  }
0x2ba: {  	[tilespmem:s0], [sflag:$0x1] =	stream.indirect.gather [hbm4b:s7+s23], $0x3, s2, s23, $0xb8;
	[tilespmem:$0x1F800] =	vst v63  }
0x2bb: {  	s15 =	simm.s32 $0xE400;
	s18 =	simm.s32 $0xA400;
	s14 =	simm.s32 $0x16400  }
0x2bc: {  	[tilespmem:s22], [sflag:$0x1] =	stream.indirect.gather [hbm4b:s7+s23], $0x3, s24, s23, $0xb8;
	[tilespmem:$0x1F800] =	vst v63  }
0x2bd: {  	s17 =	simm.s32 $0x12400;
	s22 =	simm.s32 $0x400;
	s24 =	simm.s32 $0x3800  }
0x2be: {  	[tilespmem:s25], [sflag:$0x1] =	stream.indirect.gather [hbm4b:s7+s23], $0x3, s31, s23, $0xb8;
	[tilespmem:$0x1F800] =	vst v63  }
.LBB2_34:
0x2bf: {  	[tilespmem:s10], [sflag:$0x1] =	stream.indirect.gather [hbm4b:s7+s23], $0x3, s24, s23, $0xb8;
	[tilespmem:$0x1F800] =	vst v63  }
0x2c0: {  	s0 =	smov.u32 s3  }
0x2c1: {  	s2 =	smov.u32 s22;
	s10 =	smov.u32 s14;
	p0 =	sne.s32 s22, $0x1E00  }
0x2c2: {  	s3 =	sshra.s32 s2, $0x2;
	s2 =	sadd.s32 $0x200, s22;
	s24 =	sadd.s32 $0x2000, s0  }
0x2c3: {  	[tilespmem:s18], [sflag:$0x1] =	stream.indirect.gather [hbm4b:s7+s23], $0x3, s24, s23, $0xb8;
	[tilespmem:$0x1F800] =	vst v63  }
.Ltmp18:
0x2c4: {  	s14 =	sadd.s32 $0x400, s14;
	s22 =	sadd.s32 $0x2800, s0;
	(pc) =	sbr.rel @p0 .LBB2_34-.Ltmp18, $4  }
0x2c5: {  	[tilespmem:s15], [sflag:$0x1] =	stream.indirect.gather [hbm4b:s7+s23], $0x3, s22, s23, $0xb8;
	[tilespmem:$0x1F800] =	vst v63  }
0x2c6: {  	s18 =	sadd.s32 $0x400, s18;
	s22 =	sadd.s32 $0x3000, s0;
	s15 =	sadd.s32 $0x400, s15  }
0x2c7: {  	[tilespmem:s17], [sflag:$0x1] =	stream.indirect.gather [hbm4b:s7+s23], $0x3, s22, s23, $0xb8;
	[tilespmem:$0x1F800] =	vst v63  }
0x2c8: {  	s24 =	sadd.s32 $0x3800, s0;
	s17 =	sadd.s32 $0x400, s17;
	s22 =	smov.u32 s2  }
0x2c9: {  	[tilespmem:s10], [sflag:$0x1] =	stream.indirect.gather [hbm4b:s7+s23], $0x3, s24, s23, $0xb8;
	[tilespmem:$0x1F800] =	vst v63  }
0x2ca: {  	s0 =	sadd.s32 $0x2000, s3  }
0x2cb: {  	[tilespmem:s18], [sflag:$0x1] =	stream.indirect.gather [hbm4b:s7+s23], $0x3, s0, s23, $0xb8;
	[tilespmem:$0x1F800] =	vst v63  }
0x2cc: {  	s24 =	sadd.s32 $0x2800, s3  }
0x2cd: {  	[tilespmem:s15], [sflag:$0x1] =	stream.indirect.gather [hbm4b:s7+s23], $0x3, s24, s23, $0xb8;
	[tilespmem:$0x1F800] =	vst v63  }
.Ltmp19:
0x2ce: {  	_ = 	snop;
	(pc) =	sbr.rel .LBB2_10-.Ltmp19, $4  }
0x2cf: {  	s25 =	sadd.s32 $0x3000, s3  }
0x2d0: {  	[tilespmem:s17], [sflag:$0x1] =	stream.indirect.gather [hbm4b:s7+s23], $0x3, s25, s23, $0xb8;
	[tilespmem:$0x1F800] =	vst v63  }
0x2d1: {  	s31 =	sadd.s32 $0x3800, s3;
	s19 =	sadd.s32 $0x1, s19  }
0x2d2: {  	[tilespmem:s14], [sflag:$0x1] =	stream.indirect.gather [hbm4b:s7+s23], $0x3, s31, s23, $0xb8;
	[tilespmem:$0x1F800] =	vst v63  }
.LBB2_11:
.Ltmp20:
0x2d3: {  	(pc) =	sbr.rel .LBB2_18-.Ltmp20, $2  }
0x2d4: {  	_ =	sdelay $0x2  }
0x2d5: {  	s18 =	simm.s32 $0x0  }
.LBB2_13:
.Ltmp21:
0x2d6: {  	(pc) =	sbr.rel .LBB2_18-.Ltmp21, $2  }
0x2d7: {  	_ =	sdelay $0x2  }
0x2d8: {  	s18 =	simm.s32 $0x10  }
.LBB2_15:
.Ltmp22:
0x2d9: {  	(pc) =	sbr.rel .LBB2_18-.Ltmp22, $2  }
0x2da: {  	_ =	sdelay $0x2  }
0x2db: {  	s10 =	simm.s32 $0x0;
	s3 =	simm.s32 $0x10;
	v9 =	vmov v3;
	v8 =	vmov v4  }
.LBB2_37:
0x2dc: {  	_ =	sfence.sel $0x180000  }
0x2dd: {  	[bflag:$0x0] =	sbarrier.arrive $0xFFFF  }
0x2de: {  	_ =	strace $0x9000004A  }
0x2df: {  	s0 =	stileid.u32;
	[bflag:$0x2] =	sbarrier.arrive $0xFFFF  }
0x2e0: {  	p0 =	sne.s32 s0, $0x0;
	s0 =	rddreg [dreg:$0x2]  }
0x2e1: {  	s0 =	sadd.s32 @!p0 $0x100000, s0  }
0x2e2: {  	[sflag:s0] =	ssyncadd.tile.s32 @!p0 $0x1;
	_ =	shalt  }
.Lfunc_end2:
_tile_overlayer_lowered:
.L_overlay_start_2:
0x2e3: {  	(tag) =	ssettag $0x2  }
0x2e4: {  	s0 =	rddreg [dreg:$0x0];
	s2 =	stileid.u32  }
0x2e5: {  	s1 =	rddreg [dreg:$0x1];
	p0 =	sne.s32 s2, $0x0  }
0x2e6: {  	s3 =	rddreg [dreg:$0x2];
	[bflag:$0x3] =	sbarrier.arrive $0xFFFF;
	s2 =	simm.s32 @!p0 $0x1C02  }
0x2e7: {  	[timem:s3], [sflag:s2] =	dma.local @!p0 [hbm:s0], s1  }
0x2e8: {  	s0 =	simm.s32 @!p0 $0x2  }
0x2e9: {  	_ =	swait.ge @!p0 [sflag:s0], s1  }
0x2ea: {  	s1 =	ssub.s32 @!p0 $0x0, s1;
	[sflag:s0] =	ssyncset.done @!p0 $0x0  }
0x2eb: {  	[sflag:s0] =	ssyncadd.s32 @!p0 s1  }
0x2ec: {  	[bflag:$0x3] =	sbarrier.arrive $0xFFFF  }
0x2ed: {  	_ =	shalt  }

// kernel: sparse-core-data-format-call.cloned.1.call-start
scs
called_computation_lowered:
.L_overlay_start_0:
0x0: {  	s2 =	sld [smem:$0x3FD9]  }
0x1: {  	s3 =	sld [smem:$0x3FFE];
	_ =	sdelay $0x1  }
0x2: {  	s1 =	srdreg.scid  }
0x3: {  	s0 =	sand.u32 $0x1, s1  }
0x4: {  	s19 =	sshll.u32 s0, $0xA;
	s2 =	sadd.s32 s3, s2  }
0x5: {  	s2 =	sadd.s32 s2, s19  }
0x6: {  	[smem:$0x3FC3] =	sst s2  }
0x7: {  	_ = 	snop  }
0x8: {  	s2 =	sld [smem:$0x3FC9]  }
0x9: {  	s20 =	sld [smem:$0x3FD0];
	(tm) =	ssettm $0x1  }
0xa: {  	s4 =	sld [smem:$0x3FFB];
	_ =	sdelay $0x3  }
0xb: {  	_ =	strace s4  }
0xc: {  	s4 =	sld [smem:$0x3FFC];
	_ =	sdelay $0x3  }
0xd: {  	_ =	strace s4  }
0xe: {  	s4 =	sld [smem:$0x3FFD];
	_ =	sdelay $0x3  }
0xf: {  	_ =	strace s4  }
0x10: {  	_ =	strace $0x8FFFFFFF  }
0x11: {  	s21 =	sld [smem:$0x3FDB];
	_ =	sdelay $0x1  }
0x12: {  	s5 =	simm.s32 $_scs_section_size  }
0x13: {  	s6 =	simm.s32 $_size__tile_overlayer_lowered;
	s7 =	simm.s32 $_tile_overlayer_lowered  }
0x14: {  	s24 =	simm.s32 $0x1BFF;
	s23 =	sshll.u32 s7, $0x1;
	s4 =	sadd.s32 s5, s21  }
0x15: {  	s8 =	simm.s32 $0x0;
	s22 =	sshll.u32 s6, $0x1;
	s6 =	sadd.s32 s23, s4  }
0x16: {  	[timem:s8], [sflag:s24] =	dma.local [hbm:s6], s22  }
0x17: {  	_ =	swait.ge [sflag:s24], s22  }
0x18: {  	s5 =	ssub.s32 $0x0, s22;
	[sflag:s24] =	ssyncset.done $0x0  }
0x19: {  	[sflag:s24] =	ssyncadd.s32 s5;
	_ =	sdelay $0x1  }
0x1a: {  	s25 =	simm.s32 $0x1B8B  }
0x1b: {  	_ =	swait.ge [sflag:s25], $0x1  }
0x1c: {  	[sflag:s25] =	ssyncset.done $0x0  }
0x1d: {  	s26 =	simm.s32 $0x1B8E;
	[sflag:s25] =	ssyncadd.s32 $0xFFFFFFFF  }
0x1e: {  	s27 =	simm.s32 $execute0_lowered;
	[smem:$0x3FD2] =	sst s26  }
0x1f: {  	s5 =	sshll.u32 s27, $0x1;
	_ =	strace $0x80000046;
	[dreg:$0x1] =	wrdreg $0xFFFFFFFF  }
0x20: {  	s28 =	simm.s32 $_size_execute0_lowered;
	s4 =	sadd.s32 s4, s5;
	[dreg:$0x0] =	wrdreg $0x0  }
0x21: {  	s5 =	sshll.u32 s28, $0x1;
	[dreg:$0x2] =	wrdreg s4  }
0x22: {  	[dreg:$0x3] =	wrdreg s5  }
0x23: {  	[dreg:$0x4] =	wrdreg $0xC0  }
0x24: {  	_ =	task [dreg:s8], $0x5FFFF  }
0x25: {  	[dreg:$0x1] =	wrdreg $0xFFFFFFFF  }
0x26: {  	[dreg:$0x0] =	wrdreg $0x60  }
0x27: {  	[dreg:$0x2] =	wrdreg s2  }
0x28: {  	[dreg:$0x3] =	wrdreg s20  }
0x29: {  	[dreg:$0x4] =	wrdreg $0x9  }
0x2a: {  	_ =	task.clear_ibuf [dreg:s8], $0x5FFFF;
	_ =	strace $0x90000046  }
0x2b: {  	s29 =	simm.s32 $0x9;
	_ =	strace $0x80000048  }
0x2c: {  	_ =	swait.ge [sflag:s29], $0x1  }
0x2d: {  	[sflag:s29] =	ssyncadd.s32 $0xFFFFFFFF  }
0x2e: {  	_ =	strace $0x90000048  }
0x2f: {  	_ =	sfence  }
0x30: {  	s30 =	sld [smem:$0x0];
	_ =	sdelay $0x2  }
0x31: {  	s31 =	sshll.u32 s1, $0xD;
	s1 =	sshrl.u32 s1, $0x2  }
0x32: {  	s3 =	sand.u32 $0x4000, s31;
	s1 =	sadd.s32 s1, s30  }
0x33: {  	s0 =	sor.u32 s3, s0;
	s1 =	sshll.u32 s1, $0x11  }
0x34: {  	s0 =	sor.u32 s1, s0  }
0x35: {  	s0 =	sadd.s32 $0x8F2B, s0  }
0x36: {  	[sflag:s0] =	ssyncadd.remote.s32 $0x1  }
0x37: {  	_ =	sfence.sel $0xFFFF  }
0x38: {  	[dreg:$0x0] =	wrdreg $0xFFFFFFFF;
	(pc) =	sbr.abs _section_cstart, $3  }
0x39: {  	[dreg:$0x1] =	wrdreg $0xFFFFFFFF  }
0x3a: {  	_ =	task.clear_ibuf [dreg:s8], $0x2FFFF;
	_ =	strace $0x9FFFFFFF  }
0x3b: {  	(tm) =	ssettm $0x7FFFFFFF  }
tec
execute0_lowered:
.L_overlay_start_1:
0x0: {  	(tag) =	ssettag $0x1  }
0x1: {  	s0 =	srdreg.scid  }
0x2: {  	s1 =	sshll.u32 s0, $0x4  }
0x3: {  	s2 =	rddreg [dreg:$0x0];
	s0 =	stileid.u32;
	s1 =	sand.u32 $0x10, s1  }
0x4: {  	s4 =	rddreg [dreg:$0x1];
	s1 =	sor.u32 s0, s1  }
0x5: {  	s7 =	simm.s32 $0x1;
	s8 =	simm.s32 $0x2;
	s3 =	sshll.u32 s1, $0x2  }
0x6: {  	s9 =	simm.s32 $0x0;
	s12 =	simm.s32 $0x0;
	s6 =	ssub.s32 $0xC00, s3  }
.Ltmp0:
0x7: {  	s11 =	simm.s32 $0x0;
	s5 =	sand.u32 $0x7C, s6;
	(pc) =	sbr.rel .LBB1_1-.Ltmp0, $4  }
0x8: {  	s1 =	rddreg [dreg:$0x2];
	_ =	strace $0x80000047;
	p0 =	sne.s32 s5, $0x0  }
0x9: {  	s6 =	sshrl.u32 s6, $0x7;
	s5 =	simm.s32 $0x1;
	s7 =	simm.s32 @!p0 $0x0  }
0xa: {  	s10 =	smov.u32 s3;
	[sflag:s5] =	ssyncpa.u1 $0x0;
	s6 =	sadd.s32 s7, s6  }
0xb: {  	[sflag:s8] =	ssyncpa.u1 $0x0;
	s8 =	simm.s32 $0x0;
	s7 =	sadd.s32 $0x1, s6  }
.LBB1_9:
0xc: {  	s14 =	sadd.s32 $0x80, s10  }
0xd: {  	p1 =	sgt.s32 s14, $0xBFF  }
0xe: {  	s14 =	smov.u32 @p1 s3;
	p1 =	sne.s32 s11, s7  }
.Ltmp1:
0xf: {  	p0 =	slt.u32 s11, $0x2;
	(pc) =	sbr.rel @!p1 .LBB1_10-.Ltmp1, $4  }
0x10: {  	s13 =	simm.s32 @!p0 $0x2  }
0x11: {  	s15 =	sadd.s32 $0x1, s11;
	_ =	swait.ge @!p0 [sflag:s13], $0x4000  }
0x12: {  	s12 =	smov.u32 s10;
	s9 =	sadd.s32 $0x4000, s9;
	[sflag:s13] =	ssyncset.done @!p0 $0x0  }
0x13: {  	s11 =	smov.u32 s15;
	s10 =	smov.u32 s14;
	[sflag:s13] =	ssyncadd.s32 @!p0 $0xFFFFC000  }
.LBB1_1:
0x14: {  	p0 =	sge.u32 s11, s6  }
0x15: {  	s13 =	sxor.u32 @!p0 $0xFFFFFFFF, s11  }
0x16: {  	s31 =	sadd.s32 $0xFFFFFFFF, s11;
	s14 =	sshll.u32 @!p0 s10, $0x9;
	s13 =	sshll.u32 @!p0 s13, $0xE  }
0x17: {  	s15 =	simm.s32 @!p0 $0x0;
	s14 =	sadd.s32 @!p0 s2, s14;
	s13 =	sand.u32 @!p0 $0x4000, s13  }
0x18: {  	[tilespmem:s13], [sflag:$0x1] =	stream.linear.gather @!p0 [hbm4b:s14+s15], $0x4000, $0x38;
	[tilespmem:$0x10000] =	vst v63  }
0x19: {  	p0 =	sge.u32 s31, s6  }
.Ltmp2:
0x1a: {  	_ = 	snop;
	(pc) =	sbr.rel @p0 .LBB1_9-.Ltmp2, $1  }
0x1b: {  	_ =	sdelay $0x3  }
0x1c: {  	s14 =	sand.u32 $0x4000, s9  }
0x1d: {  	_ =	swait.ge [sflag:s5], $0x4000;
	s15 =	sshll.u32 s11, $0xE;
	s16 =	simm.s32 $0x0  }
0x1e: {  	s13 =	sor.u32 $0x40, s14;
	[sflag:s5] =	ssyncset.done $0x0;
	s15 =	sand.u32 $0x4000, s15  }
0x1f: {  	s14 =	sor.u32 $0x8040, s14;
	[sflag:s5] =	ssyncadd.s32 $0xFFFFC000;
	s15 =	sor.u32 $0x8000, s15  }
.LBB1_3:
0x20: {  	s17 =	smov.u32 s14;
	s18 =	smov.u32 s13;
	s19 =	simm.s32 $0x0  }
.LBB1_4:
0x21: {  	v0 =	vmov s17;
	v2 =	vld [tilespmem:s18+$0x30]  }
0x22: {  	v4 =	vld [tilespmem:s18+$0xFFFFFFD0]  }
0x23: {  	v6 =	vld [tilespmem:s18+$0xFFFFFFE0]  }
0x24: {  	v7 =	vld [tilespmem:s18+$0xFFFFFFF0]  }
0x25: {  	s20 =	simm.s32 $0x0;
	v1 =	vld [tilespmem:s18+$0x0]  }
0x26: {  	v3 =	vld [tilespmem:s18+$0x10];
	[tilespmem:v0+s20+$0x30 ss:$0x1] =	vst.idx.msk $0xffff, v2  }
0x27: {  	v5 =	vld [tilespmem:s18+$0x20];
	[tilespmem:v0+s20+$0xFFFFFFD0 ss:$0x1] =	vst.idx.msk $0xffff, v4  }
0x28: {  	s21 =	sadd.s32 $0x80, s18;
	v2 =	vld [tilespmem:s18+$0xFFFFFFC0];
	[tilespmem:v0+s20+$0xFFFFFFE0 ss:$0x1] =	vst.idx.msk $0xffff, v6  }
0x29: {  	s22 =	simm.s32 $0x800;
	s23 =	simm.s32 $0x1000;
	v4 =	vld [tilespmem:s21+$0x30];
	[tilespmem:v0+s20+$0xFFFFFFF0 ss:$0x1] =	vst.idx.msk $0xffff, v7  }
.LBB1_5:
0x2a: {  	p0 =	sne.s32 s23, $0x3800;
	v6 =	vld [tilespmem:s21+$0xFFFFFFD0];
	[tilespmem:v0+s20+$0x0 ss:$0x1] =	vst.idx.msk $0xffff, v1  }
0x2b: {  	v7 =	vld [tilespmem:s21+$0xFFFFFFE0];
	[tilespmem:v0+s20+$0x10 ss:$0x1] =	vst.idx.msk $0xffff, v3  }
0x2c: {  	v8 =	vld [tilespmem:s21+$0xFFFFFFF0];
	[tilespmem:v0+s20+$0x20 ss:$0x1] =	vst.idx.msk $0xffff, v5  }
.Ltmp3:
0x2d: {  	v1 =	vld [tilespmem:s21+$0x0];
	[tilespmem:v0+s20+$0xFFFFFFC0 ss:$0x1] =	vst.idx.msk $0xffff, v2;
	s20 =	sshra.s32 s22, $0x2;
	s22 =	smov.u32 s23;
	(pc) =	sbr.rel @p0 .LBB1_5-.Ltmp3, $4  }
0x2e: {  	v3 =	vld [tilespmem:s21+$0x10];
	[tilespmem:v0+s20+$0x30 ss:$0x1] =	vst.idx.msk $0xffff, v4  }
0x2f: {  	[tilespmem:v0+s20+$0xFFFFFFD0 ss:$0x1] =	vst.idx.msk $0xffff, v6;
	v5 =	vld [tilespmem:s21+$0x20]  }
0x30: {  	v2 =	vld [tilespmem:s21+$0xFFFFFFC0];
	[tilespmem:v0+s20+$0xFFFFFFE0 ss:$0x1] =	vst.idx.msk $0xffff, v7;
	s21 =	sadd.s32 $0x80, s21  }
0x31: {  	s23 =	sadd.s32 $0x800, s23;
	v4 =	vld [tilespmem:s21+$0x30];
	[tilespmem:v0+s20+$0xFFFFFFF0 ss:$0x1] =	vst.idx.msk $0xffff, v8  }
0x32: {  	_ =	sdelay $0x3  }
0x33: {  	v6 =	vld [tilespmem:s21+$0xFFFFFFD0];
	[tilespmem:v0+s20+$0x0 ss:$0x1] =	vst.idx.msk $0xffff, v1  }
0x34: {  	v58 =	vld [tilespmem:s21+$0xFFFFFFE0];
	[tilespmem:v0+s20+$0x10 ss:$0x1] =	vst.idx.msk $0xffff, v3  }
0x35: {  	v59 =	vld [tilespmem:s21+$0xFFFFFFF0];
	[tilespmem:v0+s20+$0x20 ss:$0x1] =	vst.idx.msk $0xffff, v5  }
0x36: {  	s22 =	sshra.s32 s22, $0x2;
	v60 =	vld [tilespmem:s21+$0x0];
	[tilespmem:v0+s20+$0xFFFFFFC0 ss:$0x1] =	vst.idx.msk $0xffff, v2  }
0x37: {  	v61 =	vld [tilespmem:s21+$0x10];
	[tilespmem:v0+s22+$0x30 ss:$0x1] =	vst.idx.msk $0xffff, v4  }
0x38: {  	v62 =	vld [tilespmem:s21+$0x20];
	s19 =	sadd.s32 $0x1, s19;
	[tilespmem:v0+s22+$0xFFFFFFD0 ss:$0x1] =	vst.idx.msk $0xffff, v6  }
0x39: {  	v63 =	vld [tilespmem:s21+$0xFFFFFFC0];
	p0 =	sne.s32 s19, $0x4;
	[tilespmem:v0+s22+$0xFFFFFFE0 ss:$0x1] =	vst.idx.msk $0xffff, v58  }
.Ltmp4:
0x3a: {  	[tilespmem:v0+s22+$0xFFFFFFF0 ss:$0x1] =	vst.idx.msk $0xffff, v59;
	(pc) =	sbr.rel @p0 .LBB1_4-.Ltmp4, $4  }
0x3b: {  	[tilespmem:v0+s22+$0x0 ss:$0x1] =	vst.idx.msk $0xffff, v60  }
0x3c: {  	[tilespmem:v0+s22+$0x10 ss:$0x1] =	vst.idx.msk $0xffff, v61  }
0x3d: {  	[tilespmem:v0+s22+$0x20 ss:$0x1] =	vst.idx.msk $0xffff, v62  }
0x3e: {  	s18 =	sadd.s32 $0x400, s18;
	s17 =	sadd.s32 $0x80, s17;
	[tilespmem:v0+s22+$0xFFFFFFC0 ss:$0x1] =	vst.idx.msk $0xffff, v63  }
0x3f: {  	s16 =	sadd.s32 $0x1, s16  }
0x40: {  	p0 =	sne.s32 s16, $0x4  }
.Ltmp5:
0x41: {  	_ = 	snop;
	(pc) =	sbr.rel @p0 .LBB1_3-.Ltmp5, $2  }
0x42: {  	_ =	sdelay $0x2  }
0x43: {  	s13 =	sadd.s32 $0x1000, s13;
	s14 =	sadd.s32 $0x1000, s14  }
.Ltmp6:
0x44: {  	(pc) =	sbr.rel .LBB1_9-.Ltmp6, $4  }
0x45: {  	_ = 	snop  }
0x46: {  	s12 =	sshll.u32 s12, $0x9  }
0x47: {  	s12 =	sadd.s32 s4, s12  }
0x48: {  	[hbm4b:s12+s8] =	stream.linear.scatter [tilespmem:s15], [sflag:$0x2], $0x4000, $0x38;
	[tilespmem:$0x10000] =	vst v63  }
.LBB1_10:
0x49: {  	_ =	sfence.sel $0x180000  }
0x4a: {  	s2 =	simm.s32 $0x1;
	[bflag:$0x0] =	sbarrier.arrive $0xFFFF  }
0x4b: {  	s31 =	simm.s32 $0x2;
	[sflag:s2] =	ssyncpa.u1 $0x1  }
0x4c: {  	[sflag:s31] =	ssyncpa.u1 $0x1  }
0x4d: {  	p0 =	sne.s32 s0, $0x0;
	_ =	strace $0x90000047  }
0x4e: {  	s0 =	sadd.s32 @!p0 $0x100000, s1;
	[bflag:$0x2] =	sbarrier.arrive $0xFFFF  }
0x4f: {  	[sflag:s0] =	ssyncadd.tile.s32 @!p0 $0x1;
	_ =	shalt  }
.Lfunc_end1:
_tile_overlayer_lowered:
.L_overlay_start_2:
0x50: {  	(tag) =	ssettag $0x2  }
0x51: {  	s0 =	rddreg [dreg:$0x0];
	s2 =	stileid.u32  }
0x52: {  	s1 =	rddreg [dreg:$0x1];
	p0 =	sne.s32 s2, $0x0  }
0x53: {  	s3 =	rddreg [dreg:$0x2];
	[bflag:$0x3] =	sbarrier.arrive $0xFFFF;
	s2 =	simm.s32 @!p0 $0x1C01  }
0x54: {  	[timem:s3], [sflag:s2] =	dma.local @!p0 [hbm:s0], s1  }
0x55: {  	s0 =	simm.s32 @!p0 $0x1  }
0x56: {  	_ =	swait.ge @!p0 [sflag:s0], s1  }
0x57: {  	s1 =	ssub.s32 @!p0 $0x0, s1;
	[sflag:s0] =	ssyncset.done @!p0 $0x0  }
0x58: {  	[sflag:s0] =	ssyncadd.s32 @!p0 s1  }
0x59: {  	[bflag:$0x3] =	sbarrier.arrive $0xFFFF  }
0x5a: {  	_ =	shalt  }

</sc_bundles>
